<compile_context>
chip_gen: v7x
topology: tpu7x:2x2x1
jax: 0.10.2.dev20260603
libtpu: 0.0.44.dev20260713+nightly
codegen_flags: <defaults>
</compile_context>

<pallas_src>
import jax
import jax.numpy as jnp
from jax import lax
from jax.experimental import pallas as pl
from jax.experimental.pallas import tpu as pltpu
from jax.experimental.pallas import tpu_sc as plsc

M = 100000
D = 128
B = 16384
NC = 2
NS = 16
NW = NC * NS

RPW = 3136
LAST_ROWS = M - (NW - 1) * RPW
PT = RPW
BPW = B // NW
GCH = 128
SCH = 128
CCH = 128
CCT = 32
NSV = B // 16
NCH_MAX = (RPW + SCH - 1) // SCH
LIST_CAP = RPW + 2 * SCH


def _body(mem, values, ts, ids, gathered, new_mem, new_lu,
          ids_v, ts_v, last_b, lu_v, winb_flat, dstr_flat, dstr2d,
          gbuf, sbuf, cb0, cb1,
          sem_t, sem_g, sem_g2, sg0, sg1, ss0, ss1):
    wid = lax.axis_index("s") * NC + lax.axis_index("c")
    base_r = wid * RPW
    is_last = wid == NW - 1
    nrows = jnp.where(is_last, LAST_ROWS, RPW).astype(jnp.int32)
    nvec = nrows // 16
    iota = lax.broadcasted_iota(jnp.int32, (16,), 0)

    ncc = nrows // CCH
    ntail = (nrows - ncc * CCH) // CCT
    hc = ncc // 2

    def cgather(c, buf, sem):
        pltpu.async_copy(mem.at[pl.ds(base_r + c * CCH, CCH)], buf, sem)

    def cscatter(c, buf, sem):
        pltpu.async_copy(buf, new_mem.at[pl.ds(base_r + c * CCH, CCH)], sem)

    def cwait_g(c, buf, sem):
        pltpu.make_async_copy(mem.at[pl.ds(base_r + c * CCH, CCH)], buf, sem).wait()

    def cwait_s(c, buf, sem):
        pltpu.make_async_copy(buf, new_mem.at[pl.ds(base_r + c * CCH, CCH)],
                              sem).wait()

    gbase = wid * BPW

    def gfire(k, buf, sem):
        pltpu.async_copy(mem.at[ids_v.at[pl.ds(gbase + k * GCH, GCH)]], buf, sem)

    def gwait(k, buf, sem):
        pltpu.make_async_copy(mem.at[ids_v.at[pl.ds(gbase + k * GCH, GCH)]],
                              buf, sem).wait()

    def gout(k, buf):
        pltpu.sync_copy(buf, gathered.at[pl.ds(gbase + k * GCH, GCH)])

    cgather(0, cb0, sg0)
    pltpu.async_copy(ts, ts_v, sem_t)
    pltpu.sync_copy(ids, ids_v)
    gfire(0, gbuf, sem_g)
    gfire(1, sbuf, sem_g2)

    def init_body(i, _):
        last_b[pl.ds(i * 16, 16)] = jnp.full((16,), -1, jnp.int32)
        return 0
    lax.fori_loop(0, PT // 16, init_body, 0)

    def scan_body(i, _):
        ids16 = ids_v[pl.ds(i * 16, 16)]
        mine = (ids16 >= base_r) & (ids16 < base_r + nrows)
        plsc.store_scatter(last_b, [ids16 - base_r], i * 16 + iota, mask=mine)
        return 0

    def tbl_body(i, cnt):
        lb = last_b[pl.ds(i * 16, 16)]
        m = lb >= 0
        t = plsc.load_gather(ts_v, [lb], mask=m)
        lu_v[pl.ds(i * 16, 16)] = jnp.where(m, t, jnp.float32(0.0))
        plsc.store_compressed(winb_flat.at[pl.ds(cnt, 16)], lb, mask=m)
        grow = base_r + i * 16 + iota
        plsc.store_compressed(dstr_flat.at[pl.ds(cnt, 16)], grow, mask=m)
        return cnt + jnp.sum(m.astype(jnp.int32))

    def copy_body(c, cnt):
        @pl.when(c % 2 == 0)
        def _():
            @pl.when(c + 1 < ncc)
            def _():
                @pl.when(c >= 1)
                def _():
                    cwait_s(c - 1, cb1, ss1)
                cgather(c + 1, cb1, sg1)

        @pl.when(c % 2 == 1)
        def _():
            @pl.when(c + 1 < ncc)
            def _():
                cwait_s(c - 1, cb0, ss0)
                cgather(c + 1, cb0, sg0)

        sl = jnp.minimum(c, hc) * NSV // hc
        sh = jnp.minimum(c + 1, hc) * NSV // hc
        lax.fori_loop(sl, sh, scan_body, 0)

        @pl.when(c == hc)
        def _():
            pltpu.make_async_copy(ts, ts_v, sem_t).wait()
            gwait(0, gbuf, sem_g)
            gout(0, gbuf)
            gfire(2, gbuf, sem_g)

        @pl.when(c == hc + 3)
        def _():
            gwait(1, sbuf, sem_g2)
            gout(1, sbuf)
            gfire(3, sbuf, sem_g2)

        swl = (jnp.maximum(c, hc) - hc) * nvec // (ncc - hc)
        swh = (jnp.maximum(c + 1, hc) - hc) * nvec // (ncc - hc)
        cnt = lax.fori_loop(swl, swh, tbl_body, cnt)

        @pl.when(c % 2 == 0)
        def _():
            cwait_g(c, cb0, sg0)
            cscatter(c, cb0, ss0)

        @pl.when(c % 2 == 1)
        def _():
            cwait_g(c, cb1, sg1)
            cscatter(c, cb1, ss1)
        return cnt
    cnt = lax.fori_loop(0, ncc, copy_body, jnp.int32(0))

    @pl.when(ncc % 2 == 0)
    def _():
        cwait_s(ncc - 2, cb0, ss0)
        cwait_s(ncc - 1, cb1, ss1)

    @pl.when(ncc % 2 == 1)
    def _():
        cwait_s(ncc - 2, cb1, ss1)
        cwait_s(ncc - 1, cb0, ss0)

    tbase = base_r + ncc * CCH

    def tail_body(t, _):
        pltpu.async_copy(mem.at[pl.ds(tbase + t * CCT, CCT)],
                         cb0.at[pl.ds(0, CCT)], sg0).wait()
        pltpu.async_copy(cb0.at[pl.ds(0, CCT)],
                         new_mem.at[pl.ds(tbase + t * CCT, CCT)], ss0).wait()
        return 0
    lax.fori_loop(0, ntail, tail_body, 0)

    @pl.when(cnt > 0)
    def _():
        lastix = jnp.full((16,), cnt - 1, jnp.int32)
        wpad = plsc.load_gather(winb_flat, [lastix])
        dpad = plsc.load_gather(dstr_flat, [lastix])
        for k in range(SCH // 16):
            winb_flat[pl.ds(cnt + k * 16, 16)] = wpad
            dstr_flat[pl.ds(cnt + k * 16, 16)] = dpad

    nch = (cnt + SCH - 1) // SCH

    def tr_body(j, _):
        v = dstr_flat[pl.ds(j * 16, 16)]
        dstr2d[j // 8, pl.ds((j % 8) * 16, 16)] = v
        return 0
    lax.fori_loop(0, nch * (SCH // 16), tr_body, 0)

    def vg(c, buf, sem):
        pltpu.async_copy(values.at[winb_flat.at[pl.ds(c * SCH, SCH)]], buf, sem)

    def vgw(c, buf, sem):
        pltpu.make_async_copy(values.at[winb_flat.at[pl.ds(c * SCH, SCH)]],
                              buf, sem).wait()

    def rs(c, buf, sem):
        pltpu.async_copy(buf, new_mem.at[dstr2d.at[c]], sem)

    def rsw(c, buf, sem):
        pltpu.make_async_copy(buf, new_mem.at[dstr2d.at[c]], sem).wait()

    @pl.when(nch > 0)
    def _():
        vg(0, cb0, sg0)

    @pl.when(nch > 1)
    def _():
        vg(1, cb1, sg1)

    gwait(2, gbuf, sem_g)
    gout(2, gbuf)
    gwait(3, sbuf, sem_g2)
    gout(3, sbuf)

    @pl.when(jnp.logical_not(is_last))
    def _():
        pltpu.sync_copy(lu_v.at[pl.ds(0, RPW)], new_lu.at[pl.ds(base_r, RPW)])

    @pl.when(is_last)
    def _():
        pltpu.sync_copy(lu_v.at[pl.ds(0, LAST_ROWS)],
                        new_lu.at[pl.ds(base_r, LAST_ROWS)])

    @pl.when(nch > 0)
    def _():
        def sc_body(c, _):
            @pl.when(c % 2 == 0)
            def _():
                vgw(c, cb0, sg0)
                rs(c, cb0, ss0)

                @pl.when(c + 2 < nch)
                def _():
                    rsw(c, cb0, ss0)
                    vg(c + 2, cb0, sg0)

            @pl.when(c % 2 == 1)
            def _():
                vgw(c, cb1, sg1)
                rs(c, cb1, ss1)

                @pl.when(c + 2 < nch)
                def _():
                    rsw(c, cb1, ss1)
                    vg(c + 2, cb1, sg1)
            return 0
        lax.fori_loop(0, nch, sc_body, 0)

        @pl.when(nch == 1)
        def _():
            rsw(0, cb0, ss0)

        @pl.when((nch > 1) & (nch % 2 == 0))
        def _():
            rsw(nch - 2, cb0, ss0)
            rsw(nch - 1, cb1, ss1)

        @pl.when((nch > 1) & (nch % 2 == 1))
        def _():
            rsw(nch - 2, cb1, ss1)
            rsw(nch - 1, cb0, ss0)


def kernel(mem, values, timestamps, node_ids):
    mesh = plsc.VectorSubcoreMesh(core_axis_name="c", subcore_axis_name="s")
    out = pl.kernel(
        _body,
        out_type=(
            jax.ShapeDtypeStruct((B, D), jnp.float32),
            jax.ShapeDtypeStruct((M, D), jnp.float32),
            jax.ShapeDtypeStruct((M,), jnp.float32),
        ),
        mesh=mesh,
        compiler_params=pltpu.CompilerParams(needs_layout_passes=False),
        scratch_types=[
            pltpu.VMEM((B,), jnp.int32),
            pltpu.VMEM((B,), jnp.float32),
            pltpu.VMEM((PT,), jnp.int32),
            pltpu.VMEM((PT,), jnp.float32),
            pltpu.VMEM((LIST_CAP,), jnp.int32),
            pltpu.VMEM((LIST_CAP,), jnp.int32),
            pltpu.VMEM((NCH_MAX, SCH), jnp.int32),
            pltpu.VMEM((GCH, D), jnp.float32),
            pltpu.VMEM((SCH, D), jnp.float32),
            pltpu.VMEM((CCH, D), jnp.float32),
            pltpu.VMEM((CCH, D), jnp.float32),
            pltpu.SemaphoreType.DMA,
            pltpu.SemaphoreType.DMA,
            pltpu.SemaphoreType.DMA,
            pltpu.SemaphoreType.DMA,
            pltpu.SemaphoreType.DMA,
            pltpu.SemaphoreType.DMA,
            pltpu.SemaphoreType.DMA,
        ],
    )(mem, values, timestamps, node_ids)
    return out

# --- scband reference (transcript-rebuilt; emitter-appended) ---
"""Pipeline reference for scband-temporal-memory-68444598829204 (READ-ONLY COPY).

The authoritative reference and input builder live on the scoring server;
editing this copy changes nothing except your own understanding.
"""

import jax, jax.numpy as jnp
import numpy as np

M = 100000
D = 128
B = 16384


def setup_inputs(seed: int = 0) -> dict:
    key = jax.random.key(seed)
    k1, k2, k3, k4 = jax.random.split(key, 4)
    mem = jax.random.normal(k1, (M, D), dtype=jnp.float32)
    values = jax.random.normal(k2, (B, D), dtype=jnp.float32)
    timestamps = jax.random.uniform(k3, (B,), dtype=jnp.float32)
    node_ids = jax.random.randint(k4, (B,), 0, M, dtype=jnp.int32)
    return {"mem": mem, "values": values, "timestamps": timestamps, "node_ids": node_ids}


def reference(mem, values, timestamps, node_ids):
    # TemporalMemory.get: per-node lookup -> dense gather from the memory table
    gathered = jnp.take(mem, node_ids, axis=0)
    # TemporalMemory.update: per-node overwrite of memory slots (detach semantics,
    # last-write-wins for duplicate ids, matching the python dict loop)
    new_mem = mem.at[node_ids].set(jax.lax.stop_gradient(values))
    # last_update bookkeeping: scatter timestamps by node id
    new_last_update = jnp.zeros((mem.shape[0],), dtype=timestamps.dtype).at[node_ids].set(timestamps)
    return gathered, new_mem, new_last_update

if __name__ == "__main__":
    import jax
    _d = setup_inputs()
    print(jax.jit(kernel)(*tuple(_d.values())))

</pallas_src>

<mosaic_0001>
#map = affine_map<(d0, d1) -> (0, 0)>
#map1 = affine_map<(d0, d1) -> (0)>
module attributes {stable_mosaic.version = 14 : i64} {
  func.func @_body(%arg0: i32, %arg1: i32, %arg2: memref<100000x128xf32, #tpu.memory_space<hbm>>, %arg3: memref<16384x128xf32, #tpu.memory_space<hbm>>, %arg4: memref<16384xf32, #tpu.memory_space<hbm>>, %arg5: memref<16384xi32, #tpu.memory_space<hbm>>, %arg6: memref<16384x128xf32, #tpu.memory_space<hbm>>, %arg7: memref<100000x128xf32, #tpu.memory_space<hbm>>, %arg8: memref<100000xf32, #tpu.memory_space<hbm>>, %arg9: memref<16384xi32, #tpu.memory_space<vmem>>, %arg10: memref<16384xf32, #tpu.memory_space<vmem>>, %arg11: memref<3136xi32, #tpu.memory_space<vmem>>, %arg12: memref<3136xf32, #tpu.memory_space<vmem>>, %arg13: memref<3392xi32, #tpu.memory_space<vmem>>, %arg14: memref<3392xi32, #tpu.memory_space<vmem>>, %arg15: memref<25x128xi32, #tpu.memory_space<vmem>>, %arg16: memref<128x128xf32, #tpu.memory_space<vmem>>, %arg17: memref<128x128xf32, #tpu.memory_space<vmem>>, %arg18: memref<128x128xf32, #tpu.memory_space<vmem>>, %arg19: memref<128x128xf32, #tpu.memory_space<vmem>>, %arg20: memref<!tpu.dma_semaphore, #tpu.memory_space<semaphore_mem>>, %arg21: memref<!tpu.dma_semaphore, #tpu.memory_space<semaphore_mem>>, %arg22: memref<!tpu.dma_semaphore, #tpu.memory_space<semaphore_mem>>, %arg23: memref<!tpu.dma_semaphore, #tpu.memory_space<semaphore_mem>>, %arg24: memref<!tpu.dma_semaphore, #tpu.memory_space<semaphore_mem>>, %arg25: memref<!tpu.dma_semaphore, #tpu.memory_space<semaphore_mem>>, %arg26: memref<!tpu.dma_semaphore, #tpu.memory_space<semaphore_mem>>) attributes {dimension_semantics = [#tpu.dimension_semantics<core_parallel>, #tpu.dimension_semantics<subcore_parallel>], iteration_bounds = array<i64: 2, 16>, scalar_prefetch = 0 : i64, scratch_operands = 18 : i64, tpu.core_type = #tpu.core_type<sc_vector_subcore>, window_params = [{transform_indices = #map}, {transform_indices = #map}, {transform_indices = #map1}, {transform_indices = #map1}, {transform_indices = #map}, {transform_indices = #map}, {transform_indices = #map1}]} {
    %mul3A = arith.constant 2 : i32
    %mul3A_0 = arith.muli %arg1, %mul3A : i32
    %add3A = arith.addi %mul3A_0, %arg0 : i32
    %mul3A_1 = arith.constant 3136 : i32
    %mul3A_2 = arith.muli %add3A, %mul3A_1 : i32
    %eq3A = arith.constant 31 : i32
    %eq3A_3 = arith.cmpi eq, %add3A, %eq3A : i32
    %jit3A = arith.constant 2784 : i32
    %jit3A_4 = arith.constant 3136 : i32
    %select_n3A = arith.select %eq3A_3, %jit3A, %jit3A_4 : i32
    %jit3A_5 = arith.constant 16 : i32
    %div3A = arith.divsi %select_n3A, %jit3A_5 : i32
    %sign3A = arith.constant 0 : i32
    %sign3A_6 = arith.cmpi sgt, %select_n3A, %sign3A : i32
    %sign3A_7 = arith.extui %sign3A_6 : i1 to i32
    %sign3A_8 = arith.constant 0 : i32
    %sign3A_9 = arith.cmpi slt, %select_n3A, %sign3A_8 : i32
    %sign3A_10 = arith.extui %sign3A_9 : i1 to i32
    %sign3A_11 = arith.subi %sign3A_7, %sign3A_10 : i32
    %sign3A_12 = arith.constant 0 : i32
    %sign3A_13 = arith.cmpi sgt, %jit3A_5, %sign3A_12 : i32
    %sign3A_14 = arith.extui %sign3A_13 : i1 to i32
    %sign3A_15 = arith.constant 0 : i32
    %sign3A_16 = arith.cmpi slt, %jit3A_5, %sign3A_15 : i32
    %sign3A_17 = arith.extui %sign3A_16 : i1 to i32
    %sign3A_18 = arith.subi %sign3A_14, %sign3A_17 : i32
    %ne3A = arith.cmpi ne, %sign3A_11, %sign3A_18 : i32
    %rem3A = arith.remsi %select_n3A, %jit3A_5 : i32
    %ne3A_19 = arith.constant 0 : i32
    %ne3A_20 = arith.cmpi ne, %rem3A, %ne3A_19 : i32
    %and3A = arith.andi %ne3A, %ne3A_20 : i1
    %sub3A = arith.constant 1 : i32
    %sub3A_21 = arith.subi %div3A, %sub3A : i32
    %select_n3A_22 = arith.select %and3A, %sub3A_21, %div3A : i32
    %iota3A = tpu.iota {dimensions = array<i32: 0>} : vector<16xi32>
    %jit3A_23 = arith.constant 128 : i32
    %div3A_24 = arith.divsi %select_n3A, %jit3A_23 : i32
    %sign3A_25 = arith.constant 0 : i32
    %sign3A_26 = arith.cmpi sgt, %select_n3A, %sign3A_25 : i32
    %sign3A_27 = arith.extui %sign3A_26 : i1 to i32
    %sign3A_28 = arith.constant 0 : i32
    %sign3A_29 = arith.cmpi slt, %select_n3A, %sign3A_28 : i32
    %sign3A_30 = arith.extui %sign3A_29 : i1 to i32
    %sign3A_31 = arith.subi %sign3A_27, %sign3A_30 : i32
    %sign3A_32 = arith.constant 0 : i32
    %sign3A_33 = arith.cmpi sgt, %jit3A_23, %sign3A_32 : i32
    %sign3A_34 = arith.extui %sign3A_33 : i1 to i32
    %sign3A_35 = arith.constant 0 : i32
    %sign3A_36 = arith.cmpi slt, %jit3A_23, %sign3A_35 : i32
    %sign3A_37 = arith.extui %sign3A_36 : i1 to i32
    %sign3A_38 = arith.subi %sign3A_34, %sign3A_37 : i32
    %ne3A_39 = arith.cmpi ne, %sign3A_31, %sign3A_38 : i32
    %rem3A_40 = arith.remsi %select_n3A, %jit3A_23 : i32
    %ne3A_41 = arith.constant 0 : i32
    %ne3A_42 = arith.cmpi ne, %rem3A_40, %ne3A_41 : i32
    %and3A_43 = arith.andi %ne3A_39, %ne3A_42 : i1
    %sub3A_44 = arith.constant 1 : i32
    %sub3A_45 = arith.subi %div3A_24, %sub3A_44 : i32
    %select_n3A_46 = arith.select %and3A_43, %sub3A_45, %div3A_24 : i32
    %mul3A_47 = arith.constant 128 : i32
    %mul3A_48 = arith.muli %select_n3A_46, %mul3A_47 : i32
    %sub3A_49 = arith.subi %select_n3A, %mul3A_48 : i32
    %jit3A_50 = arith.constant 32 : i32
    %div3A_51 = arith.divsi %sub3A_49, %jit3A_50 : i32
    %sign3A_52 = arith.constant 0 : i32
    %sign3A_53 = arith.cmpi sgt, %sub3A_49, %sign3A_52 : i32
    %sign3A_54 = arith.extui %sign3A_53 : i1 to i32
    %sign3A_55 = arith.constant 0 : i32
    %sign3A_56 = arith.cmpi slt, %sub3A_49, %sign3A_55 : i32
    %sign3A_57 = arith.extui %sign3A_56 : i1 to i32
    %sign3A_58 = arith.subi %sign3A_54, %sign3A_57 : i32
    %sign3A_59 = arith.constant 0 : i32
    %sign3A_60 = arith.cmpi sgt, %jit3A_50, %sign3A_59 : i32
    %sign3A_61 = arith.extui %sign3A_60 : i1 to i32
    %sign3A_62 = arith.constant 0 : i32
    %sign3A_63 = arith.cmpi slt, %jit3A_50, %sign3A_62 : i32
    %sign3A_64 = arith.extui %sign3A_63 : i1 to i32
    %sign3A_65 = arith.subi %sign3A_61, %sign3A_64 : i32
    %ne3A_66 = arith.cmpi ne, %sign3A_58, %sign3A_65 : i32
    %rem3A_67 = arith.remsi %sub3A_49, %jit3A_50 : i32
    %ne3A_68 = arith.constant 0 : i32
    %ne3A_69 = arith.cmpi ne, %rem3A_67, %ne3A_68 : i32
    %and3A_70 = arith.andi %ne3A_66, %ne3A_69 : i1
    %sub3A_71 = arith.constant 1 : i32
    %sub3A_72 = arith.subi %div3A_51, %sub3A_71 : i32
    %select_n3A_73 = arith.select %and3A_70, %sub3A_72, %div3A_51 : i32
    %jit3A_74 = arith.constant 2 : i32
    %div3A_75 = arith.divsi %select_n3A_46, %jit3A_74 : i32
    %sign3A_76 = arith.constant 0 : i32
    %sign3A_77 = arith.cmpi sgt, %select_n3A_46, %sign3A_76 : i32
    %sign3A_78 = arith.extui %sign3A_77 : i1 to i32
    %sign3A_79 = arith.constant 0 : i32
    %sign3A_80 = arith.cmpi slt, %select_n3A_46, %sign3A_79 : i32
    %sign3A_81 = arith.extui %sign3A_80 : i1 to i32
    %sign3A_82 = arith.subi %sign3A_78, %sign3A_81 : i32
    %sign3A_83 = arith.constant 0 : i32
    %sign3A_84 = arith.cmpi sgt, %jit3A_74, %sign3A_83 : i32
    %sign3A_85 = arith.extui %sign3A_84 : i1 to i32
    %sign3A_86 = arith.constant 0 : i32
    %sign3A_87 = arith.cmpi slt, %jit3A_74, %sign3A_86 : i32
    %sign3A_88 = arith.extui %sign3A_87 : i1 to i32
    %sign3A_89 = arith.subi %sign3A_85, %sign3A_88 : i32
    %ne3A_90 = arith.cmpi ne, %sign3A_82, %sign3A_89 : i32
    %rem3A_91 = arith.remsi %select_n3A_46, %jit3A_74 : i32
    %ne3A_92 = arith.constant 0 : i32
    %ne3A_93 = arith.cmpi ne, %rem3A_91, %ne3A_92 : i32
    %and3A_94 = arith.andi %ne3A_90, %ne3A_93 : i1
    %sub3A_95 = arith.constant 1 : i32
    %sub3A_96 = arith.subi %div3A_75, %sub3A_95 : i32
    %select_n3A_97 = arith.select %and3A_94, %sub3A_96, %div3A_75 : i32
    %mul3A_98 = arith.constant 512 : i32
    %mul3A_99 = arith.muli %add3A, %mul3A_98 : i32
    %add3A_100 = arith.constant 0 : i32
    %add3A_101 = arith.addi %mul3A_2, %add3A_100 : i32
    %dma_start3A = arith.constant 0 : i32
    %dma_start3A_102 = tpu.memref_slice %arg2[%add3A_101, %dma_start3A] : memref<100000x128xf32, #tpu.memory_space<hbm>> -> memref<128x128xf32, #tpu.memory_space<hbm>>
    %dma_start3A_103 = arith.constant 0 : i32
    %dma_start3A_104 = tpu.memref_slice %arg2[%add3A_101, %dma_start3A_103] : memref<100000x128xf32, #tpu.memory_space<hbm>> -> memref<128x128xf32, #tpu.memory_space<hbm>>
    tpu.enqueue_dma source(%dma_start3A_104 : memref<128x128xf32, #tpu.memory_space<hbm>>) target(%arg18 : memref<128x128xf32, #tpu.memory_space<vmem>>) target_semaphore(%arg23 : memref<!tpu.dma_semaphore, #tpu.memory_space<semaphore_mem>>)
    tpu.enqueue_dma source(%arg4 : memref<16384xf32, #tpu.memory_space<hbm>>) target(%arg10 : memref<16384xf32, #tpu.memory_space<vmem>>) target_semaphore(%arg20 : memref<!tpu.dma_semaphore, #tpu.memory_space<semaphore_mem>>)
    "tpu.region"() ({
      %run_scoped3A = tpu.sem_alloc : memref<!tpu.dma_semaphore, #tpu.memory_space<semaphore_mem>>
      tpu.enqueue_dma source(%arg5 : memref<16384xi32, #tpu.memory_space<hbm>>) target(%arg9 : memref<16384xi32, #tpu.memory_space<vmem>>) target_semaphore(%run_scoped3A : memref<!tpu.dma_semaphore, #tpu.memory_space<semaphore_mem>>)
      tpu.wait_dma2 semaphore(%run_scoped3A : memref<!tpu.dma_semaphore, #tpu.memory_space<semaphore_mem>>) src(%arg5 : memref<16384xi32, #tpu.memory_space<hbm>>) dst(%arg9 : memref<16384xi32, #tpu.memory_space<vmem>>)
      tpu.yield
    }) : () -> ()
    %add3A_105 = arith.constant 0 : i32
    %add3A_106 = arith.addi %mul3A_99, %add3A_105 : i32
    %dma_start3A_107 = tpu.memref_slice %arg9[%add3A_106] : memref<16384xi32, #tpu.memory_space<vmem>> -> memref<128xi32, #tpu.memory_space<vmem>>
    %dma_start3A_108 = arith.constant 0 : i32
    %dma_start3A_109 = arith.constant 0 : i32
    %dma_start3A_110 = tpu.memref_slice %arg2[%dma_start3A_108, %dma_start3A_109] : memref<100000x128xf32, #tpu.memory_space<hbm>> -> memref<100000x128xf32, #tpu.memory_space<hbm>>
    tpu.enqueue_indirect_dma source(%dma_start3A_110 : memref<100000x128xf32, #tpu.memory_space<hbm>>) target(%arg16 : memref<128x128xf32, #tpu.memory_space<vmem>>) offsets(%dma_start3A_107 : memref<128xi32, #tpu.memory_space<vmem>>) semaphore(%arg21 : memref<!tpu.dma_semaphore, #tpu.memory_space<semaphore_mem>>)
    %add3A_111 = arith.constant 128 : i32
    %add3A_112 = arith.addi %mul3A_99, %add3A_111 : i32
    %dma_start3A_113 = tpu.memref_slice %arg9[%add3A_112] : memref<16384xi32, #tpu.memory_space<vmem>> -> memref<128xi32, #tpu.memory_space<vmem>>
    %dma_start3A_114 = arith.constant 0 : i32
    %dma_start3A_115 = arith.constant 0 : i32
    %dma_start3A_116 = tpu.memref_slice %arg2[%dma_start3A_114, %dma_start3A_115] : memref<100000x128xf32, #tpu.memory_space<hbm>> -> memref<100000x128xf32, #tpu.memory_space<hbm>>
    tpu.enqueue_indirect_dma source(%dma_start3A_116 : memref<100000x128xf32, #tpu.memory_space<hbm>>) target(%arg17 : memref<128x128xf32, #tpu.memory_space<vmem>>) offsets(%dma_start3A_113 : memref<128xi32, #tpu.memory_space<vmem>>) semaphore(%arg22 : memref<!tpu.dma_semaphore, #tpu.memory_space<semaphore_mem>>)
    %scan3A = arith.constant 0 : i32
    %scan3A_117 = arith.constant 0 : i32
    %scan3A_118 = arith.constant 196 : i32
    %scan3A_119 = arith.addi %scan3A_117, %scan3A_118 : i32
    %scan3A_120 = arith.constant 1 : i32
    %scan3A_121 = scf.for %scan3A_271 = %scan3A_117 to %scan3A_119 step %scan3A_120 iter_args(%scan3A_272 = %scan3A) -> (i32)  : i32 {
      %broadcast_in_dim3A = arith.constant -1 : i32
      %broadcast_in_dim3A_273 = vector.broadcast %broadcast_in_dim3A : i32 to vector<16xi32>
      %mul3A_274 = arith.constant 16 : i32
      %mul3A_275 = arith.muli %scan3A_271, %mul3A_274 : i32
      %swap3A = arith.index_cast %mul3A_275 : i32 to index
      %swap3A_276 = tpu.vector_load %arg11[%swap3A] {strides = array<i32>} : memref<3136xi32, #tpu.memory_space<vmem>>, vector<16xi32>,
      tpu.vector_store %arg11[%swap3A], %broadcast_in_dim3A_273 {strides = array<i32>} : memref<3136xi32, #tpu.memory_space<vmem>>, vector<16xi32>,
      %scan3A_277 = arith.constant 0 : i32
      scf.yield %scan3A_277 : i32
    }
    %scan3A_122 = arith.constant 196 : i32
    %while3A = arith.constant 0 : i32
    %while3A_123 = arith.constant 0 : i32
    %while3A_124 = arith.subi %select_n3A_46, %while3A : i32
    %while3A_125 = arith.addi %while3A, %while3A_124 : i32
    %while3A_126 = arith.constant 1 : i32
    %while3A_127 = arith.divsi %while3A_124, %while3A_126 : i32
    %while3A_128 = arith.muli %while3A_127, %while3A_126 : i32
    %while3A_129 = arith.addi %while3A, %while3A_128 : i32
    %while3A_130 = arith.constant 1 : i32
    %while3A_131 = scf.for %while3A_271 = %while3A to %while3A_129 step %while3A_130 iter_args(%while3A_272 = %while3A_123) -> (i32)  : i32 {
      %jit3A_273 = arith.constant 2 : i32
      %eq3A_274 = arith.constant 0 : i32
      %eq3A_275 = arith.cmpi eq, %jit3A_273, %eq3A_274 : i32
      %jit3A_276 = arith.constant 1 : i32
      %select_n3A_277 = arith.select %eq3A_275, %jit3A_276, %jit3A_273 : i32
      %rem3A_278 = arith.remsi %while3A_271, %select_n3A_277 : i32
      %ne3A_279 = arith.constant 0 : i32
      %ne3A_280 = arith.cmpi ne, %rem3A_278, %ne3A_279 : i32
      %lt3A_281 = arith.constant 0 : i32
      %lt3A_282 = arith.cmpi slt, %rem3A_278, %lt3A_281 : i32
      %lt3A_283 = arith.constant 0 : i32
      %lt3A_284 = arith.cmpi slt, %select_n3A_277, %lt3A_283 : i32
      %ne3A_285 = arith.xori %lt3A_282, %lt3A_284 : i1
      %and3A_286 = arith.andi %ne3A_285, %ne3A_280 : i1
      %add3A_287 = arith.addi %rem3A_278, %select_n3A_277 : i32
      %select_n3A_288 = arith.select %and3A_286, %add3A_287, %rem3A_278 : i32
      %eq3A_289 = arith.constant 0 : i32
      %eq3A_290 = arith.cmpi eq, %select_n3A_288, %eq3A_289 : i32
      %convert_element_type3A_291 = arith.extui %eq3A_290 : i1 to i32
      %cond3A_292 = arith.constant 0 : i32
      %cond3A_293 = arith.cmpi ne, %convert_element_type3A_291, %cond3A_292 : i32
      scf.if %cond3A_293 {
        %add3A_496 = arith.constant 1 : i32
        %add3A_497 = arith.addi %while3A_271, %add3A_496 : i32
        %lt3A_498 = arith.cmpi slt, %add3A_497, %select_n3A_46 : i32
        %convert_element_type3A_499 = arith.extui %lt3A_498 : i1 to i32
        %cond3A_500 = arith.constant 0 : i32
        %cond3A_501 = arith.cmpi ne, %convert_element_type3A_499, %cond3A_500 : i32
        scf.if %cond3A_501 {
          %ge3A = arith.constant 1 : i32
          %ge3A_502 = arith.cmpi sge, %while3A_271, %ge3A : i32
          %convert_element_type3A_503 = arith.extui %ge3A_502 : i1 to i32
          %cond3A_504 = arith.constant 0 : i32
          %cond3A_505 = arith.cmpi ne, %convert_element_type3A_503, %cond3A_504 : i32
          scf.if %cond3A_505 {
            %sub3A_515 = arith.constant 1 : i32
            %sub3A_516 = arith.subi %while3A_271, %sub3A_515 : i32
            %mul3A_517 = arith.constant 128 : i32
            %mul3A_518 = arith.muli %sub3A_516, %mul3A_517 : i32
            %add3A_519 = arith.addi %mul3A_2, %mul3A_518 : i32
            %dma_wait3A_520 = arith.constant 0 : i32
            %dma_wait3A_521 = tpu.memref_slice %arg7[%add3A_519, %dma_wait3A_520] : memref<100000x128xf32, #tpu.memory_space<hbm>> -> memref<128x128xf32, #tpu.memory_space<hbm>>
            %dma_wait3A_522 = arith.constant 0 : i32
            %dma_wait3A_523 = tpu.memref_slice %arg7[%add3A_519, %dma_wait3A_522] : memref<100000x128xf32, #tpu.memory_space<hbm>> -> memref<128x128xf32, #tpu.memory_space<hbm>>
            tpu.wait_dma2 semaphore(%arg26 : memref<!tpu.dma_semaphore, #tpu.memory_space<semaphore_mem>>) src(%arg19 : memref<128x128xf32, #tpu.memory_space<vmem>>) dst(%dma_wait3A_523 : memref<128x128xf32, #tpu.memory_space<hbm>>)
          } else {
          }
          %add3A_506 = arith.constant 1 : i32
          %add3A_507 = arith.addi %while3A_271, %add3A_506 : i32
          %mul3A_508 = arith.constant 128 : i32
          %mul3A_509 = arith.muli %add3A_507, %mul3A_508 : i32
          %add3A_510 = arith.addi %mul3A_2, %mul3A_509 : i32
          %dma_start3A_511 = arith.constant 0 : i32
          %dma_start3A_512 = tpu.memref_slice %arg2[%add3A_510, %dma_start3A_511] : memref<100000x128xf32, #tpu.memory_space<hbm>> -> memref<128x128xf32, #tpu.memory_space<hbm>>
          %dma_start3A_513 = arith.constant 0 : i32
          %dma_start3A_514 = tpu.memref_slice %arg2[%add3A_510, %dma_start3A_513] : memref<100000x128xf32, #tpu.memory_space<hbm>> -> memref<128x128xf32, #tpu.memory_space<hbm>>
          tpu.enqueue_dma source(%dma_start3A_514 : memref<128x128xf32, #tpu.memory_space<hbm>>) target(%arg19 : memref<128x128xf32, #tpu.memory_space<vmem>>) target_semaphore(%arg24 : memref<!tpu.dma_semaphore, #tpu.memory_space<semaphore_mem>>)
        } else {
        }
      } else {
      }
      %jit3A_294 = arith.constant 2 : i32
      %eq3A_295 = arith.constant 0 : i32
      %eq3A_296 = arith.cmpi eq, %jit3A_294, %eq3A_295 : i32
      %jit3A_297 = arith.constant 1 : i32
      %select_n3A_298 = arith.select %eq3A_296, %jit3A_297, %jit3A_294 : i32
      %rem3A_299 = arith.remsi %while3A_271, %select_n3A_298 : i32
      %ne3A_300 = arith.constant 0 : i32
      %ne3A_301 = arith.cmpi ne, %rem3A_299, %ne3A_300 : i32
      %lt3A_302 = arith.constant 0 : i32
      %lt3A_303 = arith.cmpi slt, %rem3A_299, %lt3A_302 : i32
      %lt3A_304 = arith.constant 0 : i32
      %lt3A_305 = arith.cmpi slt, %select_n3A_298, %lt3A_304 : i32
      %ne3A_306 = arith.xori %lt3A_303, %lt3A_305 : i1
      %and3A_307 = arith.andi %ne3A_306, %ne3A_301 : i1
      %add3A_308 = arith.addi %rem3A_299, %select_n3A_298 : i32
      %select_n3A_309 = arith.select %and3A_307, %add3A_308, %rem3A_299 : i32
      %eq3A_310 = arith.constant 1 : i32
      %eq3A_311 = arith.cmpi eq, %select_n3A_309, %eq3A_310 : i32
      %convert_element_type3A_312 = arith.extui %eq3A_311 : i1 to i32
      %cond3A_313 = arith.constant 0 : i32
      %cond3A_314 = arith.cmpi ne, %convert_element_type3A_312, %cond3A_313 : i32
      scf.if %cond3A_314 {
        %add3A_496 = arith.constant 1 : i32
        %add3A_497 = arith.addi %while3A_271, %add3A_496 : i32
        %lt3A_498 = arith.cmpi slt, %add3A_497, %select_n3A_46 : i32
        %convert_element_type3A_499 = arith.extui %lt3A_498 : i1 to i32
        %cond3A_500 = arith.constant 0 : i32
        %cond3A_501 = arith.cmpi ne, %convert_element_type3A_499, %cond3A_500 : i32
        scf.if %cond3A_501 {
          %sub3A_502 = arith.constant 1 : i32
          %sub3A_503 = arith.subi %while3A_271, %sub3A_502 : i32
          %mul3A_504 = arith.constant 128 : i32
          %mul3A_505 = arith.muli %sub3A_503, %mul3A_504 : i32
          %add3A_506 = arith.addi %mul3A_2, %mul3A_505 : i32
          %dma_wait3A_507 = arith.constant 0 : i32
          %dma_wait3A_508 = tpu.memref_slice %arg7[%add3A_506, %dma_wait3A_507] : memref<100000x128xf32, #tpu.memory_space<hbm>> -> memref<128x128xf32, #tpu.memory_space<hbm>>
          %dma_wait3A_509 = arith.constant 0 : i32
          %dma_wait3A_510 = tpu.memref_slice %arg7[%add3A_506, %dma_wait3A_509] : memref<100000x128xf32, #tpu.memory_space<hbm>> -> memref<128x128xf32, #tpu.memory_space<hbm>>
          tpu.wait_dma2 semaphore(%arg25 : memref<!tpu.dma_semaphore, #tpu.memory_space<semaphore_mem>>) src(%arg18 : memref<128x128xf32, #tpu.memory_space<vmem>>) dst(%dma_wait3A_510 : memref<128x128xf32, #tpu.memory_space<hbm>>)
          %add3A_511 = arith.constant 1 : i32
          %add3A_512 = arith.addi %while3A_271, %add3A_511 : i32
          %mul3A_513 = arith.constant 128 : i32
          %mul3A_514 = arith.muli %add3A_512, %mul3A_513 : i32
          %add3A_515 = arith.addi %mul3A_2, %mul3A_514 : i32
          %dma_start3A_516 = arith.constant 0 : i32
          %dma_start3A_517 = tpu.memref_slice %arg2[%add3A_515, %dma_start3A_516] : memref<100000x128xf32, #tpu.memory_space<hbm>> -> memref<128x128xf32, #tpu.memory_space<hbm>>
          %dma_start3A_518 = arith.constant 0 : i32
          %dma_start3A_519 = tpu.memref_slice %arg2[%add3A_515, %dma_start3A_518] : memref<100000x128xf32, #tpu.memory_space<hbm>> -> memref<128x128xf32, #tpu.memory_space<hbm>>
          tpu.enqueue_dma source(%dma_start3A_519 : memref<128x128xf32, #tpu.memory_space<hbm>>) target(%arg18 : memref<128x128xf32, #tpu.memory_space<vmem>>) target_semaphore(%arg23 : memref<!tpu.dma_semaphore, #tpu.memory_space<semaphore_mem>>)
        } else {
        }
      } else {
      }
      %min3A = arith.minsi %while3A_271, %select_n3A_97 : i32
      %mul3A_315 = arith.constant 1024 : i32
      %mul3A_316 = arith.muli %min3A, %mul3A_315 : i32
      %div3A_317 = arith.divsi %mul3A_316, %select_n3A_97 : i32
      %sign3A_318 = arith.constant 0 : i32
      %sign3A_319 = arith.cmpi sgt, %mul3A_316, %sign3A_318 : i32
      %sign3A_320 = arith.extui %sign3A_319 : i1 to i32
      %sign3A_321 = arith.constant 0 : i32
      %sign3A_322 = arith.cmpi slt, %mul3A_316, %sign3A_321 : i32
      %sign3A_323 = arith.extui %sign3A_322 : i1 to i32
      %sign3A_324 = arith.subi %sign3A_320, %sign3A_323 : i32
      %sign3A_325 = arith.constant 0 : i32
      %sign3A_326 = arith.cmpi sgt, %select_n3A_97, %sign3A_325 : i32
      %sign3A_327 = arith.extui %sign3A_326 : i1 to i32
      %sign3A_328 = arith.constant 0 : i32
      %sign3A_329 = arith.cmpi slt, %select_n3A_97, %sign3A_328 : i32
      %sign3A_330 = arith.extui %sign3A_329 : i1 to i32
      %sign3A_331 = arith.subi %sign3A_327, %sign3A_330 : i32
      %ne3A_332 = arith.cmpi ne, %sign3A_324, %sign3A_331 : i32
      %rem3A_333 = arith.remsi %mul3A_316, %select_n3A_97 : i32
      %ne3A_334 = arith.constant 0 : i32
      %ne3A_335 = arith.cmpi ne, %rem3A_333, %ne3A_334 : i32
      %and3A_336 = arith.andi %ne3A_332, %ne3A_335 : i1
      %sub3A_337 = arith.constant 1 : i32
      %sub3A_338 = arith.subi %div3A_317, %sub3A_337 : i32
      %select_n3A_339 = arith.select %and3A_336, %sub3A_338, %div3A_317 : i32
      %add3A_340 = arith.constant 1 : i32
      %add3A_341 = arith.addi %while3A_271, %add3A_340 : i32
      %min3A_342 = arith.minsi %add3A_341, %select_n3A_97 : i32
      %mul3A_343 = arith.constant 1024 : i32
      %mul3A_344 = arith.muli %min3A_342, %mul3A_343 : i32
      %div3A_345 = arith.divsi %mul3A_344, %select_n3A_97 : i32
      %sign3A_346 = arith.constant 0 : i32
      %sign3A_347 = arith.cmpi sgt, %mul3A_344, %sign3A_346 : i32
      %sign3A_348 = arith.extui %sign3A_347 : i1 to i32
      %sign3A_349 = arith.constant 0 : i32
      %sign3A_350 = arith.cmpi slt, %mul3A_344, %sign3A_349 : i32
      %sign3A_351 = arith.extui %sign3A_350 : i1 to i32
      %sign3A_352 = arith.subi %sign3A_348, %sign3A_351 : i32
      %sign3A_353 = arith.constant 0 : i32
      %sign3A_354 = arith.cmpi sgt, %select_n3A_97, %sign3A_353 : i32
      %sign3A_355 = arith.extui %sign3A_354 : i1 to i32
      %sign3A_356 = arith.constant 0 : i32
      %sign3A_357 = arith.cmpi slt, %select_n3A_97, %sign3A_356 : i32
      %sign3A_358 = arith.extui %sign3A_357 : i1 to i32
      %sign3A_359 = arith.subi %sign3A_355, %sign3A_358 : i32
      %ne3A_360 = arith.cmpi ne, %sign3A_352, %sign3A_359 : i32
      %rem3A_361 = arith.remsi %mul3A_344, %select_n3A_97 : i32
      %ne3A_362 = arith.constant 0 : i32
      %ne3A_363 = arith.cmpi ne, %rem3A_361, %ne3A_362 : i32
      %and3A_364 = arith.andi %ne3A_360, %ne3A_363 : i1
      %sub3A_365 = arith.constant 1 : i32
      %sub3A_366 = arith.subi %div3A_345, %sub3A_365 : i32
      %select_n3A_367 = arith.select %and3A_364, %sub3A_366, %div3A_345 : i32
      %while3A_368 = arith.constant 0 : i32
      %while3A_369 = arith.subi %select_n3A_367, %select_n3A_339 : i32
      %while3A_370 = arith.addi %select_n3A_339, %while3A_369 : i32
      %while3A_371 = arith.constant 1 : i32
      %while3A_372 = arith.divsi %while3A_369, %while3A_371 : i32
      %while3A_373 = arith.muli %while3A_372, %while3A_371 : i32
      %while3A_374 = arith.addi %select_n3A_339, %while3A_373 : i32
      %while3A_375 = arith.constant 1 : i32
      %while3A_376 = scf.for %while3A_496 = %select_n3A_339 to %while3A_374 step %while3A_375 iter_args(%while3A_497 = %while3A_368) -> (i32)  : i32 {
        %mul3A_498 = arith.constant 16 : i32
        %mul3A_499 = arith.muli %while3A_496, %mul3A_498 : i32
        %get3A = arith.index_cast %mul3A_499 : i32 to index
        %get3A_500 = tpu.vector_load %arg9[%get3A] {strides = array<i32>} : memref<16384xi32, #tpu.memory_space<vmem>>, vector<16xi32>,
        %ge3A = vector.broadcast %mul3A_2 : i32 to vector<16xi32>
        %ge3A_501 = arith.cmpi sge, %get3A_500, %ge3A : vector<16xi32>
        %add3A_502 = arith.addi %mul3A_2, %select_n3A : i32
        %lt3A_503 = vector.broadcast %add3A_502 : i32 to vector<16xi32>
        %lt3A_504 = arith.cmpi slt, %get3A_500, %lt3A_503 : vector<16xi32>
        %and3A_505 = arith.andi %ge3A_501, %lt3A_504 : vector<16xi1>
        %sub3A_506 = vector.broadcast %mul3A_2 : i32 to vector<16xi32>
        %sub3A_507 = arith.subi %get3A_500, %sub3A_506 : vector<16xi32>
        %mul3A_508 = arith.constant 16 : i32
        %mul3A_509 = arith.muli %while3A_496, %mul3A_508 : i32
        %add3A_510 = vector.broadcast %mul3A_509 : i32 to vector<16xi32>
        %add3A_511 = arith.addi %add3A_510, %iota3A : vector<16xi32>
        tpu.vector_store_idx %arg11[%sub3A_507], %add3A_511 masked %and3A_505 : memref<3136xi32, #tpu.memory_space<vmem>>[vector<16xi32>], vector<16xi32>, vector<16xi1>
        %while3A_512 = arith.constant 0 : i32
        scf.yield %while3A_512 : i32
      }
      %while3A_377 = arith.constant 1 : i32
      %while3A_378 = scf.for %while3A_496 = %while3A_374 to %while3A_370 step %while3A_377 iter_args(%while3A_497 = %while3A_376) -> (i32)  : i32 {
        %mul3A_498 = arith.constant 16 : i32
        %mul3A_499 = arith.muli %while3A_496, %mul3A_498 : i32
        %get3A = arith.index_cast %mul3A_499 : i32 to index
        %get3A_500 = tpu.vector_load %arg9[%get3A] {strides = array<i32>} : memref<16384xi32, #tpu.memory_space<vmem>>, vector<16xi32>,
        %ge3A = vector.broadcast %mul3A_2 : i32 to vector<16xi32>
        %ge3A_501 = arith.cmpi sge, %get3A_500, %ge3A : vector<16xi32>
        %add3A_502 = arith.addi %mul3A_2, %select_n3A : i32
        %lt3A_503 = vector.broadcast %add3A_502 : i32 to vector<16xi32>
        %lt3A_504 = arith.cmpi slt, %get3A_500, %lt3A_503 : vector<16xi32>
        %and3A_505 = arith.andi %ge3A_501, %lt3A_504 : vector<16xi1>
        %sub3A_506 = vector.broadcast %mul3A_2 : i32 to vector<16xi32>
        %sub3A_507 = arith.subi %get3A_500, %sub3A_506 : vector<16xi32>
        %mul3A_508 = arith.constant 16 : i32
        %mul3A_509 = arith.muli %while3A_496, %mul3A_508 : i32
        %add3A_510 = vector.broadcast %mul3A_509 : i32 to vector<16xi32>
        %add3A_511 = arith.addi %add3A_510, %iota3A : vector<16xi32>
        tpu.vector_store_idx %arg11[%sub3A_507], %add3A_511 masked %and3A_505 : memref<3136xi32, #tpu.memory_space<vmem>>[vector<16xi32>], vector<16xi32>, vector<16xi1>
        %while3A_512 = arith.constant 0 : i32
        scf.yield %while3A_512 : i32
      }
      %eq3A_379 = arith.cmpi eq, %while3A_271, %select_n3A_97 : i32
      %convert_element_type3A_380 = arith.extui %eq3A_379 : i1 to i32
      %cond3A_381 = arith.constant 0 : i32
      %cond3A_382 = arith.cmpi ne, %convert_element_type3A_380, %cond3A_381 : i32
      scf.if %cond3A_382 {
        tpu.wait_dma2 semaphore(%arg20 : memref<!tpu.dma_semaphore, #tpu.memory_space<semaphore_mem>>) src(%arg4 : memref<16384xf32, #tpu.memory_space<hbm>>) dst(%arg10 : memref<16384xf32, #tpu.memory_space<vmem>>)
        %add3A_496 = arith.constant 0 : i32
        %add3A_497 = arith.addi %mul3A_99, %add3A_496 : i32
        %dma_wait3A_498 = tpu.memref_slice %arg9[%add3A_497] : memref<16384xi32, #tpu.memory_space<vmem>> -> memref<128xi32, #tpu.memory_space<vmem>>
        %dma_wait3A_499 = arith.constant 0 : i32
        %dma_wait3A_500 = arith.constant 0 : i32
        %dma_wait3A_501 = tpu.memref_slice %arg2[%dma_wait3A_499, %dma_wait3A_500] : memref<100000x128xf32, #tpu.memory_space<hbm>> -> memref<100000x128xf32, #tpu.memory_space<hbm>>
        tpu.wait_indirect_dma semaphore(%arg21 : memref<!tpu.dma_semaphore, #tpu.memory_space<semaphore_mem>>) src(%dma_wait3A_501 : memref<100000x128xf32, #tpu.memory_space<hbm>>) dst(%arg16 : memref<128x128xf32, #tpu.memory_space<vmem>>)
        %add3A_502 = arith.constant 0 : i32
        %add3A_503 = arith.addi %mul3A_99, %add3A_502 : i32
        "tpu.region"() ({
          %run_scoped3A = tpu.sem_alloc : memref<!tpu.dma_semaphore, #tpu.memory_space<semaphore_mem>>
          %dma_start3A_510 = arith.constant 0 : i32
          %dma_start3A_511 = tpu.memref_slice %arg6[%add3A_503, %dma_start3A_510] : memref<16384x128xf32, #tpu.memory_space<hbm>> -> memref<128x128xf32, #tpu.memory_space<hbm>>
          %dma_start3A_512 = arith.constant 0 : i32
          %dma_start3A_513 = tpu.memref_slice %arg6[%add3A_503, %dma_start3A_512] : memref<16384x128xf32, #tpu.memory_space<hbm>> -> memref<128x128xf32, #tpu.memory_space<hbm>>
          tpu.enqueue_dma source(%arg16 : memref<128x128xf32, #tpu.memory_space<vmem>>) target(%dma_start3A_513 : memref<128x128xf32, #tpu.memory_space<hbm>>) target_semaphore(%run_scoped3A : memref<!tpu.dma_semaphore, #tpu.memory_space<semaphore_mem>>)
          %dma_wait3A_514 = arith.constant 0 : i32
          %dma_wait3A_515 = tpu.memref_slice %arg6[%add3A_503, %dma_wait3A_514] : memref<16384x128xf32, #tpu.memory_space<hbm>> -> memref<128x128xf32, #tpu.memory_space<hbm>>
          %dma_wait3A_516 = arith.constant 0 : i32
          %dma_wait3A_517 = tpu.memref_slice %arg6[%add3A_503, %dma_wait3A_516] : memref<16384x128xf32, #tpu.memory_space<hbm>> -> memref<128x128xf32, #tpu.memory_space<hbm>>
          tpu.wait_dma2 semaphore(%run_scoped3A : memref<!tpu.dma_semaphore, #tpu.memory_space<semaphore_mem>>) src(%arg16 : memref<128x128xf32, #tpu.memory_space<vmem>>) dst(%dma_wait3A_517 : memref<128x128xf32, #tpu.memory_space<hbm>>)
          tpu.yield
        }) : () -> ()
        %add3A_504 = arith.constant 256 : i32
        %add3A_505 = arith.addi %mul3A_99, %add3A_504 : i32
        %dma_start3A_506 = tpu.memref_slice %arg9[%add3A_505] : memref<16384xi32, #tpu.memory_space<vmem>> -> memref<128xi32, #tpu.memory_space<vmem>>
        %dma_start3A_507 = arith.constant 0 : i32
        %dma_start3A_508 = arith.constant 0 : i32
        %dma_start3A_509 = tpu.memref_slice %arg2[%dma_start3A_507, %dma_start3A_508] : memref<100000x128xf32, #tpu.memory_space<hbm>> -> memref<100000x128xf32, #tpu.memory_space<hbm>>
        tpu.enqueue_indirect_dma source(%dma_start3A_509 : memref<100000x128xf32, #tpu.memory_space<hbm>>) target(%arg16 : memref<128x128xf32, #tpu.memory_space<vmem>>) offsets(%dma_start3A_506 : memref<128xi32, #tpu.memory_space<vmem>>) semaphore(%arg21 : memref<!tpu.dma_semaphore, #tpu.memory_space<semaphore_mem>>)
      } else {
      }
      %add3A_383 = arith.constant 3 : i32
      %add3A_384 = arith.addi %select_n3A_97, %add3A_383 : i32
      %eq3A_385 = arith.cmpi eq, %while3A_271, %add3A_384 : i32
      %convert_element_type3A_386 = arith.extui %eq3A_385 : i1 to i32
      %cond3A_387 = arith.constant 0 : i32
      %cond3A_388 = arith.cmpi ne, %convert_element_type3A_386, %cond3A_387 : i32
      scf.if %cond3A_388 {
        %add3A_496 = arith.constant 128 : i32
        %add3A_497 = arith.addi %mul3A_99, %add3A_496 : i32
        %dma_wait3A_498 = tpu.memref_slice %arg9[%add3A_497] : memref<16384xi32, #tpu.memory_space<vmem>> -> memref<128xi32, #tpu.memory_space<vmem>>
        %dma_wait3A_499 = arith.constant 0 : i32
        %dma_wait3A_500 = arith.constant 0 : i32
        %dma_wait3A_501 = tpu.memref_slice %arg2[%dma_wait3A_499, %dma_wait3A_500] : memref<100000x128xf32, #tpu.memory_space<hbm>> -> memref<100000x128xf32, #tpu.memory_space<hbm>>
        tpu.wait_indirect_dma semaphore(%arg22 : memref<!tpu.dma_semaphore, #tpu.memory_space<semaphore_mem>>) src(%dma_wait3A_501 : memref<100000x128xf32, #tpu.memory_space<hbm>>) dst(%arg17 : memref<128x128xf32, #tpu.memory_space<vmem>>)
        %add3A_502 = arith.constant 128 : i32
        %add3A_503 = arith.addi %mul3A_99, %add3A_502 : i32
        "tpu.region"() ({
          %run_scoped3A = tpu.sem_alloc : memref<!tpu.dma_semaphore, #tpu.memory_space<semaphore_mem>>
          %dma_start3A_510 = arith.constant 0 : i32
          %dma_start3A_511 = tpu.memref_slice %arg6[%add3A_503, %dma_start3A_510] : memref<16384x128xf32, #tpu.memory_space<hbm>> -> memref<128x128xf32, #tpu.memory_space<hbm>>
          %dma_start3A_512 = arith.constant 0 : i32
          %dma_start3A_513 = tpu.memref_slice %arg6[%add3A_503, %dma_start3A_512] : memref<16384x128xf32, #tpu.memory_space<hbm>> -> memref<128x128xf32, #tpu.memory_space<hbm>>
          tpu.enqueue_dma source(%arg17 : memref<128x128xf32, #tpu.memory_space<vmem>>) target(%dma_start3A_513 : memref<128x128xf32, #tpu.memory_space<hbm>>) target_semaphore(%run_scoped3A : memref<!tpu.dma_semaphore, #tpu.memory_space<semaphore_mem>>)
          %dma_wait3A_514 = arith.constant 0 : i32
          %dma_wait3A_515 = tpu.memref_slice %arg6[%add3A_503, %dma_wait3A_514] : memref<16384x128xf32, #tpu.memory_space<hbm>> -> memref<128x128xf32, #tpu.memory_space<hbm>>
          %dma_wait3A_516 = arith.constant 0 : i32
          %dma_wait3A_517 = tpu.memref_slice %arg6[%add3A_503, %dma_wait3A_516] : memref<16384x128xf32, #tpu.memory_space<hbm>> -> memref<128x128xf32, #tpu.memory_space<hbm>>
          tpu.wait_dma2 semaphore(%run_scoped3A : memref<!tpu.dma_semaphore, #tpu.memory_space<semaphore_mem>>) src(%arg17 : memref<128x128xf32, #tpu.memory_space<vmem>>) dst(%dma_wait3A_517 : memref<128x128xf32, #tpu.memory_space<hbm>>)
          tpu.yield
        }) : () -> ()
        %add3A_504 = arith.constant 384 : i32
        %add3A_505 = arith.addi %mul3A_99, %add3A_504 : i32
        %dma_start3A_506 = tpu.memref_slice %arg9[%add3A_505] : memref<16384xi32, #tpu.memory_space<vmem>> -> memref<128xi32, #tpu.memory_space<vmem>>
        %dma_start3A_507 = arith.constant 0 : i32
        %dma_start3A_508 = arith.constant 0 : i32
        %dma_start3A_509 = tpu.memref_slice %arg2[%dma_start3A_507, %dma_start3A_508] : memref<100000x128xf32, #tpu.memory_space<hbm>> -> memref<100000x128xf32, #tpu.memory_space<hbm>>
        tpu.enqueue_indirect_dma source(%dma_start3A_509 : memref<100000x128xf32, #tpu.memory_space<hbm>>) target(%arg17 : memref<128x128xf32, #tpu.memory_space<vmem>>) offsets(%dma_start3A_506 : memref<128xi32, #tpu.memory_space<vmem>>) semaphore(%arg22 : memref<!tpu.dma_semaphore, #tpu.memory_space<semaphore_mem>>)
      } else {
      }
      %max3A = arith.maxsi %while3A_271, %select_n3A_97 : i32
      %sub3A_389 = arith.subi %max3A, %select_n3A_97 : i32
      %mul3A_390 = arith.muli %sub3A_389, %select_n3A_22 : i32
      %sub3A_391 = arith.subi %select_n3A_46, %select_n3A_97 : i32
      %div3A_392 = arith.divsi %mul3A_390, %sub3A_391 : i32
      %sign3A_393 = arith.constant 0 : i32
      %sign3A_394 = arith.cmpi sgt, %mul3A_390, %sign3A_393 : i32
      %sign3A_395 = arith.extui %sign3A_394 : i1 to i32
      %sign3A_396 = arith.constant 0 : i32
      %sign3A_397 = arith.cmpi slt, %mul3A_390, %sign3A_396 : i32
      %sign3A_398 = arith.extui %sign3A_397 : i1 to i32
      %sign3A_399 = arith.subi %sign3A_395, %sign3A_398 : i32
      %sign3A_400 = arith.constant 0 : i32
      %sign3A_401 = arith.cmpi sgt, %sub3A_391, %sign3A_400 : i32
      %sign3A_402 = arith.extui %sign3A_401 : i1 to i32
      %sign3A_403 = arith.constant 0 : i32
      %sign3A_404 = arith.cmpi slt, %sub3A_391, %sign3A_403 : i32
      %sign3A_405 = arith.extui %sign3A_404 : i1 to i32
      %sign3A_406 = arith.subi %sign3A_402, %sign3A_405 : i32
      %ne3A_407 = arith.cmpi ne, %sign3A_399, %sign3A_406 : i32
      %rem3A_408 = arith.remsi %mul3A_390, %sub3A_391 : i32
      %ne3A_409 = arith.constant 0 : i32
      %ne3A_410 = arith.cmpi ne, %rem3A_408, %ne3A_409 : i32
      %and3A_411 = arith.andi %ne3A_407, %ne3A_410 : i1
      %sub3A_412 = arith.constant 1 : i32
      %sub3A_413 = arith.subi %div3A_392, %sub3A_412 : i32
      %select_n3A_414 = arith.select %and3A_411, %sub3A_413, %div3A_392 : i32
      %add3A_415 = arith.constant 1 : i32
      %add3A_416 = arith.addi %while3A_271, %add3A_415 : i32
      %max3A_417 = arith.maxsi %add3A_416, %select_n3A_97 : i32
      %sub3A_418 = arith.subi %max3A_417, %select_n3A_97 : i32
      %mul3A_419 = arith.muli %sub3A_418, %select_n3A_22 : i32
      %sub3A_420 = arith.subi %select_n3A_46, %select_n3A_97 : i32
      %div3A_421 = arith.divsi %mul3A_419, %sub3A_420 : i32
      %sign3A_422 = arith.constant 0 : i32
      %sign3A_423 = arith.cmpi sgt, %mul3A_419, %sign3A_422 : i32
      %sign3A_424 = arith.extui %sign3A_423 : i1 to i32
      %sign3A_425 = arith.constant 0 : i32
      %sign3A_426 = arith.cmpi slt, %mul3A_419, %sign3A_425 : i32
      %sign3A_427 = arith.extui %sign3A_426 : i1 to i32
      %sign3A_428 = arith.subi %sign3A_424, %sign3A_427 : i32
      %sign3A_429 = arith.constant 0 : i32
      %sign3A_430 = arith.cmpi sgt, %sub3A_420, %sign3A_429 : i32
      %sign3A_431 = arith.extui %sign3A_430 : i1 to i32
      %sign3A_432 = arith.constant 0 : i32
      %sign3A_433 = arith.cmpi slt, %sub3A_420, %sign3A_432 : i32
      %sign3A_434 = arith.extui %sign3A_433 : i1 to i32
      %sign3A_435 = arith.subi %sign3A_431, %sign3A_434 : i32
      %ne3A_436 = arith.cmpi ne, %sign3A_428, %sign3A_435 : i32
      %rem3A_437 = arith.remsi %mul3A_419, %sub3A_420 : i32
      %ne3A_438 = arith.constant 0 : i32
      %ne3A_439 = arith.cmpi ne, %rem3A_437, %ne3A_438 : i32
      %and3A_440 = arith.andi %ne3A_436, %ne3A_439 : i1
      %sub3A_441 = arith.constant 1 : i32
      %sub3A_442 = arith.subi %div3A_421, %sub3A_441 : i32
      %select_n3A_443 = arith.select %and3A_440, %sub3A_442, %div3A_421 : i32
      %while3A_444 = arith.subi %select_n3A_443, %select_n3A_414 : i32
      %while3A_445 = arith.addi %select_n3A_414, %while3A_444 : i32
      %while3A_446 = arith.constant 1 : i32
      %while3A_447 = arith.divsi %while3A_444, %while3A_446 : i32
      %while3A_448 = arith.muli %while3A_447, %while3A_446 : i32
      %while3A_449 = arith.addi %select_n3A_414, %while3A_448 : i32
      %while3A_450 = arith.constant 1 : i32
      %while3A_451 = scf.for %while3A_496 = %select_n3A_414 to %while3A_449 step %while3A_450 iter_args(%while3A_497 = %while3A_272) -> (i32)  : i32 {
        %mul3A_498 = arith.constant 16 : i32
        %mul3A_499 = arith.muli %while3A_496, %mul3A_498 : i32
        %get3A = arith.index_cast %mul3A_499 : i32 to index
        %get3A_500 = tpu.vector_load %arg11[%get3A] {strides = array<i32>} : memref<3136xi32, #tpu.memory_space<vmem>>, vector<16xi32>,
        %ge3A = arith.constant 0 : i32
        %ge3A_501 = vector.broadcast %ge3A : i32 to vector<16xi32>
        %ge3A_502 = arith.cmpi sge, %get3A_500, %ge3A_501 : vector<16xi32>
        %gather3A = tpu.vector_load_idx %arg10[%get3A_500] masked %ge3A_502 : memref<16384xf32, #tpu.memory_space<vmem>>[vector<16xi32>], vector<16xf32>, vector<16xi1>
        %jit3A_503 = arith.constant 0.000000e+00 : f32
        %broadcast_in_dim3A = vector.broadcast %jit3A_503 : f32 to vector<16xf32>
        %select_n3A_504 = arith.select %ge3A_502, %gather3A, %broadcast_in_dim3A : vector<16xi1>, vector<16xf32>
        %mul3A_505 = arith.constant 16 : i32
        %mul3A_506 = arith.muli %while3A_496, %mul3A_505 : i32
        %swap3A = arith.index_cast %mul3A_506 : i32 to index
        %swap3A_507 = tpu.vector_load %arg12[%swap3A] {strides = array<i32>} : memref<3136xf32, #tpu.memory_space<vmem>>, vector<16xf32>,
        tpu.vector_store %arg12[%swap3A], %select_n3A_504 {strides = array<i32>} : memref<3136xf32, #tpu.memory_space<vmem>>, vector<16xf32>,
        %swap3A_508 = arith.index_cast %while3A_497 : i32 to index
        %swap3A_509 = tpu.vector_load %arg13[%swap3A_508] masked %ge3A_502 {strides = array<i32>} : memref<3392xi32, #tpu.memory_space<vmem>>, vector<16xi32>, vector<16xi1>
        tpu.vector_store %arg13[%swap3A_508], %get3A_500 masked %ge3A_502 {strides = array<i32>} : memref<3392xi32, #tpu.memory_space<vmem>>, vector<16xi32>, vector<16xi1>
        %mul3A_510 = arith.constant 16 : i32
        %mul3A_511 = arith.muli %while3A_496, %mul3A_510 : i32
        %add3A_512 = arith.addi %mul3A_2, %mul3A_511 : i32
        %add3A_513 = vector.broadcast %add3A_512 : i32 to vector<16xi32>
        %add3A_514 = arith.addi %add3A_513, %iota3A : vector<16xi32>
        %swap3A_515 = arith.index_cast %while3A_497 : i32 to index
        %swap3A_516 = tpu.vector_load %arg14[%swap3A_515] masked %ge3A_502 {strides = array<i32>} : memref<3392xi32, #tpu.memory_space<vmem>>, vector<16xi32>, vector<16xi1>
        tpu.vector_store %arg14[%swap3A_515], %add3A_514 masked %ge3A_502 {strides = array<i32>} : memref<3392xi32, #tpu.memory_space<vmem>>, vector<16xi32>, vector<16xi1>
        %convert_element_type3A_517 = arith.extui %ge3A_502 : vector<16xi1> to vector<16xi32>
        %reduce_sum3A = arith.constant true
        %reduce_sum3A_518 = vector.broadcast %reduce_sum3A : i1 to vector<16xi1>
        %reduce_sum3A_519 = tpu.scan <sum>, %convert_element_type3A_517 masked %reduce_sum3A_518 : vector<16xi32>, vector<16xi1> -> vector<16xi32>
        %reduce_sum3A_520 = vector.extract %reduce_sum3A_519[15] : i32 from vector<16xi32>
        %add3A_521 = arith.addi %while3A_497, %reduce_sum3A_520 : i32
        scf.yield %add3A_521 : i32
      }
      %while3A_452 = arith.constant 1 : i32
      %while3A_453 = scf.for %while3A_496 = %while3A_449 to %while3A_445 step %while3A_452 iter_args(%while3A_497 = %while3A_451) -> (i32)  : i32 {
        %mul3A_498 = arith.constant 16 : i32
        %mul3A_499 = arith.muli %while3A_496, %mul3A_498 : i32
        %get3A = arith.index_cast %mul3A_499 : i32 to index
        %get3A_500 = tpu.vector_load %arg11[%get3A] {strides = array<i32>} : memref<3136xi32, #tpu.memory_space<vmem>>, vector<16xi32>,
        %ge3A = arith.constant 0 : i32
        %ge3A_501 = vector.broadcast %ge3A : i32 to vector<16xi32>
        %ge3A_502 = arith.cmpi sge, %get3A_500, %ge3A_501 : vector<16xi32>
        %gather3A = tpu.vector_load_idx %arg10[%get3A_500] masked %ge3A_502 : memref<16384xf32, #tpu.memory_space<vmem>>[vector<16xi32>], vector<16xf32>, vector<16xi1>
        %jit3A_503 = arith.constant 0.000000e+00 : f32
        %broadcast_in_dim3A = vector.broadcast %jit3A_503 : f32 to vector<16xf32>
        %select_n3A_504 = arith.select %ge3A_502, %gather3A, %broadcast_in_dim3A : vector<16xi1>, vector<16xf32>
        %mul3A_505 = arith.constant 16 : i32
        %mul3A_506 = arith.muli %while3A_496, %mul3A_505 : i32
        %swap3A = arith.index_cast %mul3A_506 : i32 to index
        %swap3A_507 = tpu.vector_load %arg12[%swap3A] {strides = array<i32>} : memref<3136xf32, #tpu.memory_space<vmem>>, vector<16xf32>,
        tpu.vector_store %arg12[%swap3A], %select_n3A_504 {strides = array<i32>} : memref<3136xf32, #tpu.memory_space<vmem>>, vector<16xf32>,
        %swap3A_508 = arith.index_cast %while3A_497 : i32 to index
        %swap3A_509 = tpu.vector_load %arg13[%swap3A_508] masked %ge3A_502 {strides = array<i32>} : memref<3392xi32, #tpu.memory_space<vmem>>, vector<16xi32>, vector<16xi1>
        tpu.vector_store %arg13[%swap3A_508], %get3A_500 masked %ge3A_502 {strides = array<i32>} : memref<3392xi32, #tpu.memory_space<vmem>>, vector<16xi32>, vector<16xi1>
        %mul3A_510 = arith.constant 16 : i32
        %mul3A_511 = arith.muli %while3A_496, %mul3A_510 : i32
        %add3A_512 = arith.addi %mul3A_2, %mul3A_511 : i32
        %add3A_513 = vector.broadcast %add3A_512 : i32 to vector<16xi32>
        %add3A_514 = arith.addi %add3A_513, %iota3A : vector<16xi32>
        %swap3A_515 = arith.index_cast %while3A_497 : i32 to index
        %swap3A_516 = tpu.vector_load %arg14[%swap3A_515] masked %ge3A_502 {strides = array<i32>} : memref<3392xi32, #tpu.memory_space<vmem>>, vector<16xi32>, vector<16xi1>
        tpu.vector_store %arg14[%swap3A_515], %add3A_514 masked %ge3A_502 {strides = array<i32>} : memref<3392xi32, #tpu.memory_space<vmem>>, vector<16xi32>, vector<16xi1>
        %convert_element_type3A_517 = arith.extui %ge3A_502 : vector<16xi1> to vector<16xi32>
        %reduce_sum3A = arith.constant true
        %reduce_sum3A_518 = vector.broadcast %reduce_sum3A : i1 to vector<16xi1>
        %reduce_sum3A_519 = tpu.scan <sum>, %convert_element_type3A_517 masked %reduce_sum3A_518 : vector<16xi32>, vector<16xi1> -> vector<16xi32>
        %reduce_sum3A_520 = vector.extract %reduce_sum3A_519[15] : i32 from vector<16xi32>
        %add3A_521 = arith.addi %while3A_497, %reduce_sum3A_520 : i32
        scf.yield %add3A_521 : i32
      }
      %jit3A_454 = arith.constant 2 : i32
      %eq3A_455 = arith.constant 0 : i32
      %eq3A_456 = arith.cmpi eq, %jit3A_454, %eq3A_455 : i32
      %jit3A_457 = arith.constant 1 : i32
      %select_n3A_458 = arith.select %eq3A_456, %jit3A_457, %jit3A_454 : i32
      %rem3A_459 = arith.remsi %while3A_271, %select_n3A_458 : i32
      %ne3A_460 = arith.constant 0 : i32
      %ne3A_461 = arith.cmpi ne, %rem3A_459, %ne3A_460 : i32
      %lt3A_462 = arith.constant 0 : i32
      %lt3A_463 = arith.cmpi slt, %rem3A_459, %lt3A_462 : i32
      %lt3A_464 = arith.constant 0 : i32
      %lt3A_465 = arith.cmpi slt, %select_n3A_458, %lt3A_464 : i32
      %ne3A_466 = arith.xori %lt3A_463, %lt3A_465 : i1
      %and3A_467 = arith.andi %ne3A_466, %ne3A_461 : i1
      %add3A_468 = arith.addi %rem3A_459, %select_n3A_458 : i32
      %select_n3A_469 = arith.select %and3A_467, %add3A_468, %rem3A_459 : i32
      %eq3A_470 = arith.constant 0 : i32
      %eq3A_471 = arith.cmpi eq, %select_n3A_469, %eq3A_470 : i32
      %convert_element_type3A_472 = arith.extui %eq3A_471 : i1 to i32
      %cond3A_473 = arith.constant 0 : i32
      %cond3A_474 = arith.cmpi ne, %convert_element_type3A_472, %cond3A_473 : i32
      scf.if %cond3A_474 {
        %mul3A_496 = arith.constant 128 : i32
        %mul3A_497 = arith.muli %while3A_271, %mul3A_496 : i32
        %add3A_498 = arith.addi %mul3A_2, %mul3A_497 : i32
        %dma_wait3A_499 = arith.constant 0 : i32
        %dma_wait3A_500 = tpu.memref_slice %arg2[%add3A_498, %dma_wait3A_499] : memref<100000x128xf32, #tpu.memory_space<hbm>> -> memref<128x128xf32, #tpu.memory_space<hbm>>
        %dma_wait3A_501 = arith.constant 0 : i32
        %dma_wait3A_502 = tpu.memref_slice %arg2[%add3A_498, %dma_wait3A_501] : memref<100000x128xf32, #tpu.memory_space<hbm>> -> memref<128x128xf32, #tpu.memory_space<hbm>>
        tpu.wait_dma2 semaphore(%arg23 : memref<!tpu.dma_semaphore, #tpu.memory_space<semaphore_mem>>) src(%dma_wait3A_502 : memref<128x128xf32, #tpu.memory_space<hbm>>) dst(%arg18 : memref<128x128xf32, #tpu.memory_space<vmem>>)
        %mul3A_503 = arith.constant 128 : i32
        %mul3A_504 = arith.muli %while3A_271, %mul3A_503 : i32
        %add3A_505 = arith.addi %mul3A_2, %mul3A_504 : i32
        %dma_start3A_506 = arith.constant 0 : i32
        %dma_start3A_507 = tpu.memref_slice %arg7[%add3A_505, %dma_start3A_506] : memref<100000x128xf32, #tpu.memory_space<hbm>> -> memref<128x128xf32, #tpu.memory_space<hbm>>
        %dma_start3A_508 = arith.constant 0 : i32
        %dma_start3A_509 = tpu.memref_slice %arg7[%add3A_505, %dma_start3A_508] : memref<100000x128xf32, #tpu.memory_space<hbm>> -> memref<128x128xf32, #tpu.memory_space<hbm>>
        tpu.enqueue_dma source(%arg18 : memref<128x128xf32, #tpu.memory_space<vmem>>) target(%dma_start3A_509 : memref<128x128xf32, #tpu.memory_space<hbm>>) target_semaphore(%arg25 : memref<!tpu.dma_semaphore, #tpu.memory_space<semaphore_mem>>)
      } else {
      }
      %jit3A_475 = arith.constant 2 : i32
      %eq3A_476 = arith.constant 0 : i32
      %eq3A_477 = arith.cmpi eq, %jit3A_475, %eq3A_476 : i32
      %jit3A_478 = arith.constant 1 : i32
      %select_n3A_479 = arith.select %eq3A_477, %jit3A_478, %jit3A_475 : i32
      %rem3A_480 = arith.remsi %while3A_271, %select_n3A_479 : i32
      %ne3A_481 = arith.constant 0 : i32
      %ne3A_482 = arith.cmpi ne, %rem3A_480, %ne3A_481 : i32
      %lt3A_483 = arith.constant 0 : i32
      %lt3A_484 = arith.cmpi slt, %rem3A_480, %lt3A_483 : i32
      %lt3A_485 = arith.constant 0 : i32
      %lt3A_486 = arith.cmpi slt, %select_n3A_479, %lt3A_485 : i32
      %ne3A_487 = arith.xori %lt3A_484, %lt3A_486 : i1
      %and3A_488 = arith.andi %ne3A_487, %ne3A_482 : i1
      %add3A_489 = arith.addi %rem3A_480, %select_n3A_479 : i32
      %select_n3A_490 = arith.select %and3A_488, %add3A_489, %rem3A_480 : i32
      %eq3A_491 = arith.constant 1 : i32
      %eq3A_492 = arith.cmpi eq, %select_n3A_490, %eq3A_491 : i32
      %convert_element_type3A_493 = arith.extui %eq3A_492 : i1 to i32
      %cond3A_494 = arith.constant 0 : i32
      %cond3A_495 = arith.cmpi ne, %convert_element_type3A_493, %cond3A_494 : i32
      scf.if %cond3A_495 {
        %mul3A_496 = arith.constant 128 : i32
        %mul3A_497 = arith.muli %while3A_271, %mul3A_496 : i32
        %add3A_498 = arith.addi %mul3A_2, %mul3A_497 : i32
        %dma_wait3A_499 = arith.constant 0 : i32
        %dma_wait3A_500 = tpu.memref_slice %arg2[%add3A_498, %dma_wait3A_499] : memref<100000x128xf32, #tpu.memory_space<hbm>> -> memref<128x128xf32, #tpu.memory_space<hbm>>
        %dma_wait3A_501 = arith.constant 0 : i32
        %dma_wait3A_502 = tpu.memref_slice %arg2[%add3A_498, %dma_wait3A_501] : memref<100000x128xf32, #tpu.memory_space<hbm>> -> memref<128x128xf32, #tpu.memory_space<hbm>>
        tpu.wait_dma2 semaphore(%arg24 : memref<!tpu.dma_semaphore, #tpu.memory_space<semaphore_mem>>) src(%dma_wait3A_502 : memref<128x128xf32, #tpu.memory_space<hbm>>) dst(%arg19 : memref<128x128xf32, #tpu.memory_space<vmem>>)
        %mul3A_503 = arith.constant 128 : i32
        %mul3A_504 = arith.muli %while3A_271, %mul3A_503 : i32
        %add3A_505 = arith.addi %mul3A_2, %mul3A_504 : i32
        %dma_start3A_506 = arith.constant 0 : i32
        %dma_start3A_507 = tpu.memref_slice %arg7[%add3A_505, %dma_start3A_506] : memref<100000x128xf32, #tpu.memory_space<hbm>> -> memref<128x128xf32, #tpu.memory_space<hbm>>
        %dma_start3A_508 = arith.constant 0 : i32
        %dma_start3A_509 = tpu.memref_slice %arg7[%add3A_505, %dma_start3A_508] : memref<100000x128xf32, #tpu.memory_space<hbm>> -> memref<128x128xf32, #tpu.memory_space<hbm>>
        tpu.enqueue_dma source(%arg19 : memref<128x128xf32, #tpu.memory_space<vmem>>) target(%dma_start3A_509 : memref<128x128xf32, #tpu.memory_space<hbm>>) target_semaphore(%arg26 : memref<!tpu.dma_semaphore, #tpu.memory_space<semaphore_mem>>)
      } else {
      }
      scf.yield %while3A_453 : i32
    }
    %while3A_132 = arith.constant 1 : i32
    %while3A_133 = scf.for %while3A_271 = %while3A_129 to %while3A_125 step %while3A_132 iter_args(%while3A_272 = %while3A_131) -> (i32)  : i32 {
      %jit3A_273 = arith.constant 2 : i32
      %eq3A_274 = arith.constant 0 : i32
      %eq3A_275 = arith.cmpi eq, %jit3A_273, %eq3A_274 : i32
      %jit3A_276 = arith.constant 1 : i32
      %select_n3A_277 = arith.select %eq3A_275, %jit3A_276, %jit3A_273 : i32
      %rem3A_278 = arith.remsi %while3A_271, %select_n3A_277 : i32
      %ne3A_279 = arith.constant 0 : i32
      %ne3A_280 = arith.cmpi ne, %rem3A_278, %ne3A_279 : i32
      %lt3A_281 = arith.constant 0 : i32
      %lt3A_282 = arith.cmpi slt, %rem3A_278, %lt3A_281 : i32
      %lt3A_283 = arith.constant 0 : i32
      %lt3A_284 = arith.cmpi slt, %select_n3A_277, %lt3A_283 : i32
      %ne3A_285 = arith.xori %lt3A_282, %lt3A_284 : i1
      %and3A_286 = arith.andi %ne3A_285, %ne3A_280 : i1
      %add3A_287 = arith.addi %rem3A_278, %select_n3A_277 : i32
      %select_n3A_288 = arith.select %and3A_286, %add3A_287, %rem3A_278 : i32
      %eq3A_289 = arith.constant 0 : i32
      %eq3A_290 = arith.cmpi eq, %select_n3A_288, %eq3A_289 : i32
      %convert_element_type3A_291 = arith.extui %eq3A_290 : i1 to i32
      %cond3A_292 = arith.constant 0 : i32
      %cond3A_293 = arith.cmpi ne, %convert_element_type3A_291, %cond3A_292 : i32
      scf.if %cond3A_293 {
        %add3A_496 = arith.constant 1 : i32
        %add3A_497 = arith.addi %while3A_271, %add3A_496 : i32
        %lt3A_498 = arith.cmpi slt, %add3A_497, %select_n3A_46 : i32
        %convert_element_type3A_499 = arith.extui %lt3A_498 : i1 to i32
        %cond3A_500 = arith.constant 0 : i32
        %cond3A_501 = arith.cmpi ne, %convert_element_type3A_499, %cond3A_500 : i32
        scf.if %cond3A_501 {
          %ge3A = arith.constant 1 : i32
          %ge3A_502 = arith.cmpi sge, %while3A_271, %ge3A : i32
          %convert_element_type3A_503 = arith.extui %ge3A_502 : i1 to i32
          %cond3A_504 = arith.constant 0 : i32
          %cond3A_505 = arith.cmpi ne, %convert_element_type3A_503, %cond3A_504 : i32
          scf.if %cond3A_505 {
            %sub3A_515 = arith.constant 1 : i32
            %sub3A_516 = arith.subi %while3A_271, %sub3A_515 : i32
            %mul3A_517 = arith.constant 128 : i32
            %mul3A_518 = arith.muli %sub3A_516, %mul3A_517 : i32
            %add3A_519 = arith.addi %mul3A_2, %mul3A_518 : i32
            %dma_wait3A_520 = arith.constant 0 : i32
            %dma_wait3A_521 = tpu.memref_slice %arg7[%add3A_519, %dma_wait3A_520] : memref<100000x128xf32, #tpu.memory_space<hbm>> -> memref<128x128xf32, #tpu.memory_space<hbm>>
            %dma_wait3A_522 = arith.constant 0 : i32
            %dma_wait3A_523 = tpu.memref_slice %arg7[%add3A_519, %dma_wait3A_522] : memref<100000x128xf32, #tpu.memory_space<hbm>> -> memref<128x128xf32, #tpu.memory_space<hbm>>
            tpu.wait_dma2 semaphore(%arg26 : memref<!tpu.dma_semaphore, #tpu.memory_space<semaphore_mem>>) src(%arg19 : memref<128x128xf32, #tpu.memory_space<vmem>>) dst(%dma_wait3A_523 : memref<128x128xf32, #tpu.memory_space<hbm>>)
          } else {
          }
          %add3A_506 = arith.constant 1 : i32
          %add3A_507 = arith.addi %while3A_271, %add3A_506 : i32
          %mul3A_508 = arith.constant 128 : i32
          %mul3A_509 = arith.muli %add3A_507, %mul3A_508 : i32
          %add3A_510 = arith.addi %mul3A_2, %mul3A_509 : i32
          %dma_start3A_511 = arith.constant 0 : i32
          %dma_start3A_512 = tpu.memref_slice %arg2[%add3A_510, %dma_start3A_511] : memref<100000x128xf32, #tpu.memory_space<hbm>> -> memref<128x128xf32, #tpu.memory_space<hbm>>
          %dma_start3A_513 = arith.constant 0 : i32
          %dma_start3A_514 = tpu.memref_slice %arg2[%add3A_510, %dma_start3A_513] : memref<100000x128xf32, #tpu.memory_space<hbm>> -> memref<128x128xf32, #tpu.memory_space<hbm>>
          tpu.enqueue_dma source(%dma_start3A_514 : memref<128x128xf32, #tpu.memory_space<hbm>>) target(%arg19 : memref<128x128xf32, #tpu.memory_space<vmem>>) target_semaphore(%arg24 : memref<!tpu.dma_semaphore, #tpu.memory_space<semaphore_mem>>)
        } else {
        }
      } else {
      }
      %jit3A_294 = arith.constant 2 : i32
      %eq3A_295 = arith.constant 0 : i32
      %eq3A_296 = arith.cmpi eq, %jit3A_294, %eq3A_295 : i32
      %jit3A_297 = arith.constant 1 : i32
      %select_n3A_298 = arith.select %eq3A_296, %jit3A_297, %jit3A_294 : i32
      %rem3A_299 = arith.remsi %while3A_271, %select_n3A_298 : i32
      %ne3A_300 = arith.constant 0 : i32
      %ne3A_301 = arith.cmpi ne, %rem3A_299, %ne3A_300 : i32
      %lt3A_302 = arith.constant 0 : i32
      %lt3A_303 = arith.cmpi slt, %rem3A_299, %lt3A_302 : i32
      %lt3A_304 = arith.constant 0 : i32
      %lt3A_305 = arith.cmpi slt, %select_n3A_298, %lt3A_304 : i32
      %ne3A_306 = arith.xori %lt3A_303, %lt3A_305 : i1
      %and3A_307 = arith.andi %ne3A_306, %ne3A_301 : i1
      %add3A_308 = arith.addi %rem3A_299, %select_n3A_298 : i32
      %select_n3A_309 = arith.select %and3A_307, %add3A_308, %rem3A_299 : i32
      %eq3A_310 = arith.constant 1 : i32
      %eq3A_311 = arith.cmpi eq, %select_n3A_309, %eq3A_310 : i32
      %convert_element_type3A_312 = arith.extui %eq3A_311 : i1 to i32
      %cond3A_313 = arith.constant 0 : i32
      %cond3A_314 = arith.cmpi ne, %convert_element_type3A_312, %cond3A_313 : i32
      scf.if %cond3A_314 {
        %add3A_496 = arith.constant 1 : i32
        %add3A_497 = arith.addi %while3A_271, %add3A_496 : i32
        %lt3A_498 = arith.cmpi slt, %add3A_497, %select_n3A_46 : i32
        %convert_element_type3A_499 = arith.extui %lt3A_498 : i1 to i32
        %cond3A_500 = arith.constant 0 : i32
        %cond3A_501 = arith.cmpi ne, %convert_element_type3A_499, %cond3A_500 : i32
        scf.if %cond3A_501 {
          %sub3A_502 = arith.constant 1 : i32
          %sub3A_503 = arith.subi %while3A_271, %sub3A_502 : i32
          %mul3A_504 = arith.constant 128 : i32
          %mul3A_505 = arith.muli %sub3A_503, %mul3A_504 : i32
          %add3A_506 = arith.addi %mul3A_2, %mul3A_505 : i32
          %dma_wait3A_507 = arith.constant 0 : i32
          %dma_wait3A_508 = tpu.memref_slice %arg7[%add3A_506, %dma_wait3A_507] : memref<100000x128xf32, #tpu.memory_space<hbm>> -> memref<128x128xf32, #tpu.memory_space<hbm>>
          %dma_wait3A_509 = arith.constant 0 : i32
          %dma_wait3A_510 = tpu.memref_slice %arg7[%add3A_506, %dma_wait3A_509] : memref<100000x128xf32, #tpu.memory_space<hbm>> -> memref<128x128xf32, #tpu.memory_space<hbm>>
          tpu.wait_dma2 semaphore(%arg25 : memref<!tpu.dma_semaphore, #tpu.memory_space<semaphore_mem>>) src(%arg18 : memref<128x128xf32, #tpu.memory_space<vmem>>) dst(%dma_wait3A_510 : memref<128x128xf32, #tpu.memory_space<hbm>>)
          %add3A_511 = arith.constant 1 : i32
          %add3A_512 = arith.addi %while3A_271, %add3A_511 : i32
          %mul3A_513 = arith.constant 128 : i32
          %mul3A_514 = arith.muli %add3A_512, %mul3A_513 : i32
          %add3A_515 = arith.addi %mul3A_2, %mul3A_514 : i32
          %dma_start3A_516 = arith.constant 0 : i32
          %dma_start3A_517 = tpu.memref_slice %arg2[%add3A_515, %dma_start3A_516] : memref<100000x128xf32, #tpu.memory_space<hbm>> -> memref<128x128xf32, #tpu.memory_space<hbm>>
          %dma_start3A_518 = arith.constant 0 : i32
          %dma_start3A_519 = tpu.memref_slice %arg2[%add3A_515, %dma_start3A_518] : memref<100000x128xf32, #tpu.memory_space<hbm>> -> memref<128x128xf32, #tpu.memory_space<hbm>>
          tpu.enqueue_dma source(%dma_start3A_519 : memref<128x128xf32, #tpu.memory_space<hbm>>) target(%arg18 : memref<128x128xf32, #tpu.memory_space<vmem>>) target_semaphore(%arg23 : memref<!tpu.dma_semaphore, #tpu.memory_space<semaphore_mem>>)
        } else {
        }
      } else {
      }
      %min3A = arith.minsi %while3A_271, %select_n3A_97 : i32
      %mul3A_315 = arith.constant 1024 : i32
      %mul3A_316 = arith.muli %min3A, %mul3A_315 : i32
      %div3A_317 = arith.divsi %mul3A_316, %select_n3A_97 : i32
      %sign3A_318 = arith.constant 0 : i32
      %sign3A_319 = arith.cmpi sgt, %mul3A_316, %sign3A_318 : i32
      %sign3A_320 = arith.extui %sign3A_319 : i1 to i32
      %sign3A_321 = arith.constant 0 : i32
      %sign3A_322 = arith.cmpi slt, %mul3A_316, %sign3A_321 : i32
      %sign3A_323 = arith.extui %sign3A_322 : i1 to i32
      %sign3A_324 = arith.subi %sign3A_320, %sign3A_323 : i32
      %sign3A_325 = arith.constant 0 : i32
      %sign3A_326 = arith.cmpi sgt, %select_n3A_97, %sign3A_325 : i32
      %sign3A_327 = arith.extui %sign3A_326 : i1 to i32
      %sign3A_328 = arith.constant 0 : i32
      %sign3A_329 = arith.cmpi slt, %select_n3A_97, %sign3A_328 : i32
      %sign3A_330 = arith.extui %sign3A_329 : i1 to i32
      %sign3A_331 = arith.subi %sign3A_327, %sign3A_330 : i32
      %ne3A_332 = arith.cmpi ne, %sign3A_324, %sign3A_331 : i32
      %rem3A_333 = arith.remsi %mul3A_316, %select_n3A_97 : i32
      %ne3A_334 = arith.constant 0 : i32
      %ne3A_335 = arith.cmpi ne, %rem3A_333, %ne3A_334 : i32
      %and3A_336 = arith.andi %ne3A_332, %ne3A_335 : i1
      %sub3A_337 = arith.constant 1 : i32
      %sub3A_338 = arith.subi %div3A_317, %sub3A_337 : i32
      %select_n3A_339 = arith.select %and3A_336, %sub3A_338, %div3A_317 : i32
      %add3A_340 = arith.constant 1 : i32
      %add3A_341 = arith.addi %while3A_271, %add3A_340 : i32
      %min3A_342 = arith.minsi %add3A_341, %select_n3A_97 : i32
      %mul3A_343 = arith.constant 1024 : i32
      %mul3A_344 = arith.muli %min3A_342, %mul3A_343 : i32
      %div3A_345 = arith.divsi %mul3A_344, %select_n3A_97 : i32
      %sign3A_346 = arith.constant 0 : i32
      %sign3A_347 = arith.cmpi sgt, %mul3A_344, %sign3A_346 : i32
      %sign3A_348 = arith.extui %sign3A_347 : i1 to i32
      %sign3A_349 = arith.constant 0 : i32
      %sign3A_350 = arith.cmpi slt, %mul3A_344, %sign3A_349 : i32
      %sign3A_351 = arith.extui %sign3A_350 : i1 to i32
      %sign3A_352 = arith.subi %sign3A_348, %sign3A_351 : i32
      %sign3A_353 = arith.constant 0 : i32
      %sign3A_354 = arith.cmpi sgt, %select_n3A_97, %sign3A_353 : i32
      %sign3A_355 = arith.extui %sign3A_354 : i1 to i32
      %sign3A_356 = arith.constant 0 : i32
      %sign3A_357 = arith.cmpi slt, %select_n3A_97, %sign3A_356 : i32
      %sign3A_358 = arith.extui %sign3A_357 : i1 to i32
      %sign3A_359 = arith.subi %sign3A_355, %sign3A_358 : i32
      %ne3A_360 = arith.cmpi ne, %sign3A_352, %sign3A_359 : i32
      %rem3A_361 = arith.remsi %mul3A_344, %select_n3A_97 : i32
      %ne3A_362 = arith.constant 0 : i32
      %ne3A_363 = arith.cmpi ne, %rem3A_361, %ne3A_362 : i32
      %and3A_364 = arith.andi %ne3A_360, %ne3A_363 : i1
      %sub3A_365 = arith.constant 1 : i32
      %sub3A_366 = arith.subi %div3A_345, %sub3A_365 : i32
      %select_n3A_367 = arith.select %and3A_364, %sub3A_366, %div3A_345 : i32
      %while3A_368 = arith.constant 0 : i32
      %while3A_369 = arith.subi %select_n3A_367, %select_n3A_339 : i32
      %while3A_370 = arith.addi %select_n3A_339, %while3A_369 : i32
      %while3A_371 = arith.constant 1 : i32
      %while3A_372 = arith.divsi %while3A_369, %while3A_371 : i32
      %while3A_373 = arith.muli %while3A_372, %while3A_371 : i32
      %while3A_374 = arith.addi %select_n3A_339, %while3A_373 : i32
      %while3A_375 = arith.constant 1 : i32
      %while3A_376 = scf.for %while3A_496 = %select_n3A_339 to %while3A_374 step %while3A_375 iter_args(%while3A_497 = %while3A_368) -> (i32)  : i32 {
        %mul3A_498 = arith.constant 16 : i32
        %mul3A_499 = arith.muli %while3A_496, %mul3A_498 : i32
        %get3A = arith.index_cast %mul3A_499 : i32 to index
        %get3A_500 = tpu.vector_load %arg9[%get3A] {strides = array<i32>} : memref<16384xi32, #tpu.memory_space<vmem>>, vector<16xi32>,
        %ge3A = vector.broadcast %mul3A_2 : i32 to vector<16xi32>
        %ge3A_501 = arith.cmpi sge, %get3A_500, %ge3A : vector<16xi32>
        %add3A_502 = arith.addi %mul3A_2, %select_n3A : i32
        %lt3A_503 = vector.broadcast %add3A_502 : i32 to vector<16xi32>
        %lt3A_504 = arith.cmpi slt, %get3A_500, %lt3A_503 : vector<16xi32>
        %and3A_505 = arith.andi %ge3A_501, %lt3A_504 : vector<16xi1>
        %sub3A_506 = vector.broadcast %mul3A_2 : i32 to vector<16xi32>
        %sub3A_507 = arith.subi %get3A_500, %sub3A_506 : vector<16xi32>
        %mul3A_508 = arith.constant 16 : i32
        %mul3A_509 = arith.muli %while3A_496, %mul3A_508 : i32
        %add3A_510 = vector.broadcast %mul3A_509 : i32 to vector<16xi32>
        %add3A_511 = arith.addi %add3A_510, %iota3A : vector<16xi32>
        tpu.vector_store_idx %arg11[%sub3A_507], %add3A_511 masked %and3A_505 : memref<3136xi32, #tpu.memory_space<vmem>>[vector<16xi32>], vector<16xi32>, vector<16xi1>
        %while3A_512 = arith.constant 0 : i32
        scf.yield %while3A_512 : i32
      }
      %while3A_377 = arith.constant 1 : i32
      %while3A_378 = scf.for %while3A_496 = %while3A_374 to %while3A_370 step %while3A_377 iter_args(%while3A_497 = %while3A_376) -> (i32)  : i32 {
        %mul3A_498 = arith.constant 16 : i32
        %mul3A_499 = arith.muli %while3A_496, %mul3A_498 : i32
        %get3A = arith.index_cast %mul3A_499 : i32 to index
        %get3A_500 = tpu.vector_load %arg9[%get3A] {strides = array<i32>} : memref<16384xi32, #tpu.memory_space<vmem>>, vector<16xi32>,
        %ge3A = vector.broadcast %mul3A_2 : i32 to vector<16xi32>
        %ge3A_501 = arith.cmpi sge, %get3A_500, %ge3A : vector<16xi32>
        %add3A_502 = arith.addi %mul3A_2, %select_n3A : i32
        %lt3A_503 = vector.broadcast %add3A_502 : i32 to vector<16xi32>
        %lt3A_504 = arith.cmpi slt, %get3A_500, %lt3A_503 : vector<16xi32>
        %and3A_505 = arith.andi %ge3A_501, %lt3A_504 : vector<16xi1>
        %sub3A_506 = vector.broadcast %mul3A_2 : i32 to vector<16xi32>
        %sub3A_507 = arith.subi %get3A_500, %sub3A_506 : vector<16xi32>
        %mul3A_508 = arith.constant 16 : i32
        %mul3A_509 = arith.muli %while3A_496, %mul3A_508 : i32
        %add3A_510 = vector.broadcast %mul3A_509 : i32 to vector<16xi32>
        %add3A_511 = arith.addi %add3A_510, %iota3A : vector<16xi32>
        tpu.vector_store_idx %arg11[%sub3A_507], %add3A_511 masked %and3A_505 : memref<3136xi32, #tpu.memory_space<vmem>>[vector<16xi32>], vector<16xi32>, vector<16xi1>
        %while3A_512 = arith.constant 0 : i32
        scf.yield %while3A_512 : i32
      }
      %eq3A_379 = arith.cmpi eq, %while3A_271, %select_n3A_97 : i32
      %convert_element_type3A_380 = arith.extui %eq3A_379 : i1 to i32
      %cond3A_381 = arith.constant 0 : i32
      %cond3A_382 = arith.cmpi ne, %convert_element_type3A_380, %cond3A_381 : i32
      scf.if %cond3A_382 {
        tpu.wait_dma2 semaphore(%arg20 : memref<!tpu.dma_semaphore, #tpu.memory_space<semaphore_mem>>) src(%arg4 : memref<16384xf32, #tpu.memory_space<hbm>>) dst(%arg10 : memref<16384xf32, #tpu.memory_space<vmem>>)
        %add3A_496 = arith.constant 0 : i32
        %add3A_497 = arith.addi %mul3A_99, %add3A_496 : i32
        %dma_wait3A_498 = tpu.memref_slice %arg9[%add3A_497] : memref<16384xi32, #tpu.memory_space<vmem>> -> memref<128xi32, #tpu.memory_space<vmem>>
        %dma_wait3A_499 = arith.constant 0 : i32
        %dma_wait3A_500 = arith.constant 0 : i32
        %dma_wait3A_501 = tpu.memref_slice %arg2[%dma_wait3A_499, %dma_wait3A_500] : memref<100000x128xf32, #tpu.memory_space<hbm>> -> memref<100000x128xf32, #tpu.memory_space<hbm>>
        tpu.wait_indirect_dma semaphore(%arg21 : memref<!tpu.dma_semaphore, #tpu.memory_space<semaphore_mem>>) src(%dma_wait3A_501 : memref<100000x128xf32, #tpu.memory_space<hbm>>) dst(%arg16 : memref<128x128xf32, #tpu.memory_space<vmem>>)
        %add3A_502 = arith.constant 0 : i32
        %add3A_503 = arith.addi %mul3A_99, %add3A_502 : i32
        "tpu.region"() ({
          %run_scoped3A = tpu.sem_alloc : memref<!tpu.dma_semaphore, #tpu.memory_space<semaphore_mem>>
          %dma_start3A_510 = arith.constant 0 : i32
          %dma_start3A_511 = tpu.memref_slice %arg6[%add3A_503, %dma_start3A_510] : memref<16384x128xf32, #tpu.memory_space<hbm>> -> memref<128x128xf32, #tpu.memory_space<hbm>>
          %dma_start3A_512 = arith.constant 0 : i32
          %dma_start3A_513 = tpu.memref_slice %arg6[%add3A_503, %dma_start3A_512] : memref<16384x128xf32, #tpu.memory_space<hbm>> -> memref<128x128xf32, #tpu.memory_space<hbm>>
          tpu.enqueue_dma source(%arg16 : memref<128x128xf32, #tpu.memory_space<vmem>>) target(%dma_start3A_513 : memref<128x128xf32, #tpu.memory_space<hbm>>) target_semaphore(%run_scoped3A : memref<!tpu.dma_semaphore, #tpu.memory_space<semaphore_mem>>)
          %dma_wait3A_514 = arith.constant 0 : i32
          %dma_wait3A_515 = tpu.memref_slice %arg6[%add3A_503, %dma_wait3A_514] : memref<16384x128xf32, #tpu.memory_space<hbm>> -> memref<128x128xf32, #tpu.memory_space<hbm>>
          %dma_wait3A_516 = arith.constant 0 : i32
          %dma_wait3A_517 = tpu.memref_slice %arg6[%add3A_503, %dma_wait3A_516] : memref<16384x128xf32, #tpu.memory_space<hbm>> -> memref<128x128xf32, #tpu.memory_space<hbm>>
          tpu.wait_dma2 semaphore(%run_scoped3A : memref<!tpu.dma_semaphore, #tpu.memory_space<semaphore_mem>>) src(%arg16 : memref<128x128xf32, #tpu.memory_space<vmem>>) dst(%dma_wait3A_517 : memref<128x128xf32, #tpu.memory_space<hbm>>)
          tpu.yield
        }) : () -> ()
        %add3A_504 = arith.constant 256 : i32
        %add3A_505 = arith.addi %mul3A_99, %add3A_504 : i32
        %dma_start3A_506 = tpu.memref_slice %arg9[%add3A_505] : memref<16384xi32, #tpu.memory_space<vmem>> -> memref<128xi32, #tpu.memory_space<vmem>>
        %dma_start3A_507 = arith.constant 0 : i32
        %dma_start3A_508 = arith.constant 0 : i32
        %dma_start3A_509 = tpu.memref_slice %arg2[%dma_start3A_507, %dma_start3A_508] : memref<100000x128xf32, #tpu.memory_space<hbm>> -> memref<100000x128xf32, #tpu.memory_space<hbm>>
        tpu.enqueue_indirect_dma source(%dma_start3A_509 : memref<100000x128xf32, #tpu.memory_space<hbm>>) target(%arg16 : memref<128x128xf32, #tpu.memory_space<vmem>>) offsets(%dma_start3A_506 : memref<128xi32, #tpu.memory_space<vmem>>) semaphore(%arg21 : memref<!tpu.dma_semaphore, #tpu.memory_space<semaphore_mem>>)
      } else {
      }
      %add3A_383 = arith.constant 3 : i32
      %add3A_384 = arith.addi %select_n3A_97, %add3A_383 : i32
      %eq3A_385 = arith.cmpi eq, %while3A_271, %add3A_384 : i32
      %convert_element_type3A_386 = arith.extui %eq3A_385 : i1 to i32
      %cond3A_387 = arith.constant 0 : i32
      %cond3A_388 = arith.cmpi ne, %convert_element_type3A_386, %cond3A_387 : i32
      scf.if %cond3A_388 {
        %add3A_496 = arith.constant 128 : i32
        %add3A_497 = arith.addi %mul3A_99, %add3A_496 : i32
        %dma_wait3A_498 = tpu.memref_slice %arg9[%add3A_497] : memref<16384xi32, #tpu.memory_space<vmem>> -> memref<128xi32, #tpu.memory_space<vmem>>
        %dma_wait3A_499 = arith.constant 0 : i32
        %dma_wait3A_500 = arith.constant 0 : i32
        %dma_wait3A_501 = tpu.memref_slice %arg2[%dma_wait3A_499, %dma_wait3A_500] : memref<100000x128xf32, #tpu.memory_space<hbm>> -> memref<100000x128xf32, #tpu.memory_space<hbm>>
        tpu.wait_indirect_dma semaphore(%arg22 : memref<!tpu.dma_semaphore, #tpu.memory_space<semaphore_mem>>) src(%dma_wait3A_501 : memref<100000x128xf32, #tpu.memory_space<hbm>>) dst(%arg17 : memref<128x128xf32, #tpu.memory_space<vmem>>)
        %add3A_502 = arith.constant 128 : i32
        %add3A_503 = arith.addi %mul3A_99, %add3A_502 : i32
        "tpu.region"() ({
          %run_scoped3A = tpu.sem_alloc : memref<!tpu.dma_semaphore, #tpu.memory_space<semaphore_mem>>
          %dma_start3A_510 = arith.constant 0 : i32
          %dma_start3A_511 = tpu.memref_slice %arg6[%add3A_503, %dma_start3A_510] : memref<16384x128xf32, #tpu.memory_space<hbm>> -> memref<128x128xf32, #tpu.memory_space<hbm>>
          %dma_start3A_512 = arith.constant 0 : i32
          %dma_start3A_513 = tpu.memref_slice %arg6[%add3A_503, %dma_start3A_512] : memref<16384x128xf32, #tpu.memory_space<hbm>> -> memref<128x128xf32, #tpu.memory_space<hbm>>
          tpu.enqueue_dma source(%arg17 : memref<128x128xf32, #tpu.memory_space<vmem>>) target(%dma_start3A_513 : memref<128x128xf32, #tpu.memory_space<hbm>>) target_semaphore(%run_scoped3A : memref<!tpu.dma_semaphore, #tpu.memory_space<semaphore_mem>>)
          %dma_wait3A_514 = arith.constant 0 : i32
          %dma_wait3A_515 = tpu.memref_slice %arg6[%add3A_503, %dma_wait3A_514] : memref<16384x128xf32, #tpu.memory_space<hbm>> -> memref<128x128xf32, #tpu.memory_space<hbm>>
          %dma_wait3A_516 = arith.constant 0 : i32
          %dma_wait3A_517 = tpu.memref_slice %arg6[%add3A_503, %dma_wait3A_516] : memref<16384x128xf32, #tpu.memory_space<hbm>> -> memref<128x128xf32, #tpu.memory_space<hbm>>
          tpu.wait_dma2 semaphore(%run_scoped3A : memref<!tpu.dma_semaphore, #tpu.memory_space<semaphore_mem>>) src(%arg17 : memref<128x128xf32, #tpu.memory_space<vmem>>) dst(%dma_wait3A_517 : memref<128x128xf32, #tpu.memory_space<hbm>>)
          tpu.yield
        }) : () -> ()
        %add3A_504 = arith.constant 384 : i32
        %add3A_505 = arith.addi %mul3A_99, %add3A_504 : i32
        %dma_start3A_506 = tpu.memref_slice %arg9[%add3A_505] : memref<16384xi32, #tpu.memory_space<vmem>> -> memref<128xi32, #tpu.memory_space<vmem>>
        %dma_start3A_507 = arith.constant 0 : i32
        %dma_start3A_508 = arith.constant 0 : i32
        %dma_start3A_509 = tpu.memref_slice %arg2[%dma_start3A_507, %dma_start3A_508] : memref<100000x128xf32, #tpu.memory_space<hbm>> -> memref<100000x128xf32, #tpu.memory_space<hbm>>
        tpu.enqueue_indirect_dma source(%dma_start3A_509 : memref<100000x128xf32, #tpu.memory_space<hbm>>) target(%arg17 : memref<128x128xf32, #tpu.memory_space<vmem>>) offsets(%dma_start3A_506 : memref<128xi32, #tpu.memory_space<vmem>>) semaphore(%arg22 : memref<!tpu.dma_semaphore, #tpu.memory_space<semaphore_mem>>)
      } else {
      }
      %max3A = arith.maxsi %while3A_271, %select_n3A_97 : i32
      %sub3A_389 = arith.subi %max3A, %select_n3A_97 : i32
      %mul3A_390 = arith.muli %sub3A_389, %select_n3A_22 : i32
      %sub3A_391 = arith.subi %select_n3A_46, %select_n3A_97 : i32
      %div3A_392 = arith.divsi %mul3A_390, %sub3A_391 : i32
      %sign3A_393 = arith.constant 0 : i32
      %sign3A_394 = arith.cmpi sgt, %mul3A_390, %sign3A_393 : i32
      %sign3A_395 = arith.extui %sign3A_394 : i1 to i32
      %sign3A_396 = arith.constant 0 : i32
      %sign3A_397 = arith.cmpi slt, %mul3A_390, %sign3A_396 : i32
      %sign3A_398 = arith.extui %sign3A_397 : i1 to i32
      %sign3A_399 = arith.subi %sign3A_395, %sign3A_398 : i32
      %sign3A_400 = arith.constant 0 : i32
      %sign3A_401 = arith.cmpi sgt, %sub3A_391, %sign3A_400 : i32
      %sign3A_402 = arith.extui %sign3A_401 : i1 to i32
      %sign3A_403 = arith.constant 0 : i32
      %sign3A_404 = arith.cmpi slt, %sub3A_391, %sign3A_403 : i32
      %sign3A_405 = arith.extui %sign3A_404 : i1 to i32
      %sign3A_406 = arith.subi %sign3A_402, %sign3A_405 : i32
      %ne3A_407 = arith.cmpi ne, %sign3A_399, %sign3A_406 : i32
      %rem3A_408 = arith.remsi %mul3A_390, %sub3A_391 : i32
      %ne3A_409 = arith.constant 0 : i32
      %ne3A_410 = arith.cmpi ne, %rem3A_408, %ne3A_409 : i32
      %and3A_411 = arith.andi %ne3A_407, %ne3A_410 : i1
      %sub3A_412 = arith.constant 1 : i32
      %sub3A_413 = arith.subi %div3A_392, %sub3A_412 : i32
      %select_n3A_414 = arith.select %and3A_411, %sub3A_413, %div3A_392 : i32
      %add3A_415 = arith.constant 1 : i32
      %add3A_416 = arith.addi %while3A_271, %add3A_415 : i32
      %max3A_417 = arith.maxsi %add3A_416, %select_n3A_97 : i32
      %sub3A_418 = arith.subi %max3A_417, %select_n3A_97 : i32
      %mul3A_419 = arith.muli %sub3A_418, %select_n3A_22 : i32
      %sub3A_420 = arith.subi %select_n3A_46, %select_n3A_97 : i32
      %div3A_421 = arith.divsi %mul3A_419, %sub3A_420 : i32
      %sign3A_422 = arith.constant 0 : i32
      %sign3A_423 = arith.cmpi sgt, %mul3A_419, %sign3A_422 : i32
      %sign3A_424 = arith.extui %sign3A_423 : i1 to i32
      %sign3A_425 = arith.constant 0 : i32
      %sign3A_426 = arith.cmpi slt, %mul3A_419, %sign3A_425 : i32
      %sign3A_427 = arith.extui %sign3A_426 : i1 to i32
      %sign3A_428 = arith.subi %sign3A_424, %sign3A_427 : i32
      %sign3A_429 = arith.constant 0 : i32
      %sign3A_430 = arith.cmpi sgt, %sub3A_420, %sign3A_429 : i32
      %sign3A_431 = arith.extui %sign3A_430 : i1 to i32
      %sign3A_432 = arith.constant 0 : i32
      %sign3A_433 = arith.cmpi slt, %sub3A_420, %sign3A_432 : i32
      %sign3A_434 = arith.extui %sign3A_433 : i1 to i32
      %sign3A_435 = arith.subi %sign3A_431, %sign3A_434 : i32
      %ne3A_436 = arith.cmpi ne, %sign3A_428, %sign3A_435 : i32
      %rem3A_437 = arith.remsi %mul3A_419, %sub3A_420 : i32
      %ne3A_438 = arith.constant 0 : i32
      %ne3A_439 = arith.cmpi ne, %rem3A_437, %ne3A_438 : i32
      %and3A_440 = arith.andi %ne3A_436, %ne3A_439 : i1
      %sub3A_441 = arith.constant 1 : i32
      %sub3A_442 = arith.subi %div3A_421, %sub3A_441 : i32
      %select_n3A_443 = arith.select %and3A_440, %sub3A_442, %div3A_421 : i32
      %while3A_444 = arith.subi %select_n3A_443, %select_n3A_414 : i32
      %while3A_445 = arith.addi %select_n3A_414, %while3A_444 : i32
      %while3A_446 = arith.constant 1 : i32
      %while3A_447 = arith.divsi %while3A_444, %while3A_446 : i32
      %while3A_448 = arith.muli %while3A_447, %while3A_446 : i32
      %while3A_449 = arith.addi %select_n3A_414, %while3A_448 : i32
      %while3A_450 = arith.constant 1 : i32
      %while3A_451 = scf.for %while3A_496 = %select_n3A_414 to %while3A_449 step %while3A_450 iter_args(%while3A_497 = %while3A_272) -> (i32)  : i32 {
        %mul3A_498 = arith.constant 16 : i32
        %mul3A_499 = arith.muli %while3A_496, %mul3A_498 : i32
        %get3A = arith.index_cast %mul3A_499 : i32 to index
        %get3A_500 = tpu.vector_load %arg11[%get3A] {strides = array<i32>} : memref<3136xi32, #tpu.memory_space<vmem>>, vector<16xi32>,
        %ge3A = arith.constant 0 : i32
        %ge3A_501 = vector.broadcast %ge3A : i32 to vector<16xi32>
        %ge3A_502 = arith.cmpi sge, %get3A_500, %ge3A_501 : vector<16xi32>
        %gather3A = tpu.vector_load_idx %arg10[%get3A_500] masked %ge3A_502 : memref<16384xf32, #tpu.memory_space<vmem>>[vector<16xi32>], vector<16xf32>, vector<16xi1>
        %jit3A_503 = arith.constant 0.000000e+00 : f32
        %broadcast_in_dim3A = vector.broadcast %jit3A_503 : f32 to vector<16xf32>
        %select_n3A_504 = arith.select %ge3A_502, %gather3A, %broadcast_in_dim3A : vector<16xi1>, vector<16xf32>
        %mul3A_505 = arith.constant 16 : i32
        %mul3A_506 = arith.muli %while3A_496, %mul3A_505 : i32
        %swap3A = arith.index_cast %mul3A_506 : i32 to index
        %swap3A_507 = tpu.vector_load %arg12[%swap3A] {strides = array<i32>} : memref<3136xf32, #tpu.memory_space<vmem>>, vector<16xf32>,
        tpu.vector_store %arg12[%swap3A], %select_n3A_504 {strides = array<i32>} : memref<3136xf32, #tpu.memory_space<vmem>>, vector<16xf32>,
        %swap3A_508 = arith.index_cast %while3A_497 : i32 to index
        %swap3A_509 = tpu.vector_load %arg13[%swap3A_508] masked %ge3A_502 {strides = array<i32>} : memref<3392xi32, #tpu.memory_space<vmem>>, vector<16xi32>, vector<16xi1>
        tpu.vector_store %arg13[%swap3A_508], %get3A_500 masked %ge3A_502 {strides = array<i32>} : memref<3392xi32, #tpu.memory_space<vmem>>, vector<16xi32>, vector<16xi1>
        %mul3A_510 = arith.constant 16 : i32
        %mul3A_511 = arith.muli %while3A_496, %mul3A_510 : i32
        %add3A_512 = arith.addi %mul3A_2, %mul3A_511 : i32
        %add3A_513 = vector.broadcast %add3A_512 : i32 to vector<16xi32>
        %add3A_514 = arith.addi %add3A_513, %iota3A : vector<16xi32>
        %swap3A_515 = arith.index_cast %while3A_497 : i32 to index
        %swap3A_516 = tpu.vector_load %arg14[%swap3A_515] masked %ge3A_502 {strides = array<i32>} : memref<3392xi32, #tpu.memory_space<vmem>>, vector<16xi32>, vector<16xi1>
        tpu.vector_store %arg14[%swap3A_515], %add3A_514 masked %ge3A_502 {strides = array<i32>} : memref<3392xi32, #tpu.memory_space<vmem>>, vector<16xi32>, vector<16xi1>
        %convert_element_type3A_517 = arith.extui %ge3A_502 : vector<16xi1> to vector<16xi32>
        %reduce_sum3A = arith.constant true
        %reduce_sum3A_518 = vector.broadcast %reduce_sum3A : i1 to vector<16xi1>
        %reduce_sum3A_519 = tpu.scan <sum>, %convert_element_type3A_517 masked %reduce_sum3A_518 : vector<16xi32>, vector<16xi1> -> vector<16xi32>
        %reduce_sum3A_520 = vector.extract %reduce_sum3A_519[15] : i32 from vector<16xi32>
        %add3A_521 = arith.addi %while3A_497, %reduce_sum3A_520 : i32
        scf.yield %add3A_521 : i32
      }
      %while3A_452 = arith.constant 1 : i32
      %while3A_453 = scf.for %while3A_496 = %while3A_449 to %while3A_445 step %while3A_452 iter_args(%while3A_497 = %while3A_451) -> (i32)  : i32 {
        %mul3A_498 = arith.constant 16 : i32
        %mul3A_499 = arith.muli %while3A_496, %mul3A_498 : i32
        %get3A = arith.index_cast %mul3A_499 : i32 to index
        %get3A_500 = tpu.vector_load %arg11[%get3A] {strides = array<i32>} : memref<3136xi32, #tpu.memory_space<vmem>>, vector<16xi32>,
        %ge3A = arith.constant 0 : i32
        %ge3A_501 = vector.broadcast %ge3A : i32 to vector<16xi32>
        %ge3A_502 = arith.cmpi sge, %get3A_500, %ge3A_501 : vector<16xi32>
        %gather3A = tpu.vector_load_idx %arg10[%get3A_500] masked %ge3A_502 : memref<16384xf32, #tpu.memory_space<vmem>>[vector<16xi32>], vector<16xf32>, vector<16xi1>
        %jit3A_503 = arith.constant 0.000000e+00 : f32
        %broadcast_in_dim3A = vector.broadcast %jit3A_503 : f32 to vector<16xf32>
        %select_n3A_504 = arith.select %ge3A_502, %gather3A, %broadcast_in_dim3A : vector<16xi1>, vector<16xf32>
        %mul3A_505 = arith.constant 16 : i32
        %mul3A_506 = arith.muli %while3A_496, %mul3A_505 : i32
        %swap3A = arith.index_cast %mul3A_506 : i32 to index
        %swap3A_507 = tpu.vector_load %arg12[%swap3A] {strides = array<i32>} : memref<3136xf32, #tpu.memory_space<vmem>>, vector<16xf32>,
        tpu.vector_store %arg12[%swap3A], %select_n3A_504 {strides = array<i32>} : memref<3136xf32, #tpu.memory_space<vmem>>, vector<16xf32>,
        %swap3A_508 = arith.index_cast %while3A_497 : i32 to index
        %swap3A_509 = tpu.vector_load %arg13[%swap3A_508] masked %ge3A_502 {strides = array<i32>} : memref<3392xi32, #tpu.memory_space<vmem>>, vector<16xi32>, vector<16xi1>
        tpu.vector_store %arg13[%swap3A_508], %get3A_500 masked %ge3A_502 {strides = array<i32>} : memref<3392xi32, #tpu.memory_space<vmem>>, vector<16xi32>, vector<16xi1>
        %mul3A_510 = arith.constant 16 : i32
        %mul3A_511 = arith.muli %while3A_496, %mul3A_510 : i32
        %add3A_512 = arith.addi %mul3A_2, %mul3A_511 : i32
        %add3A_513 = vector.broadcast %add3A_512 : i32 to vector<16xi32>
        %add3A_514 = arith.addi %add3A_513, %iota3A : vector<16xi32>
        %swap3A_515 = arith.index_cast %while3A_497 : i32 to index
        %swap3A_516 = tpu.vector_load %arg14[%swap3A_515] masked %ge3A_502 {strides = array<i32>} : memref<3392xi32, #tpu.memory_space<vmem>>, vector<16xi32>, vector<16xi1>
        tpu.vector_store %arg14[%swap3A_515], %add3A_514 masked %ge3A_502 {strides = array<i32>} : memref<3392xi32, #tpu.memory_space<vmem>>, vector<16xi32>, vector<16xi1>
        %convert_element_type3A_517 = arith.extui %ge3A_502 : vector<16xi1> to vector<16xi32>
        %reduce_sum3A = arith.constant true
        %reduce_sum3A_518 = vector.broadcast %reduce_sum3A : i1 to vector<16xi1>
        %reduce_sum3A_519 = tpu.scan <sum>, %convert_element_type3A_517 masked %reduce_sum3A_518 : vector<16xi32>, vector<16xi1> -> vector<16xi32>
        %reduce_sum3A_520 = vector.extract %reduce_sum3A_519[15] : i32 from vector<16xi32>
        %add3A_521 = arith.addi %while3A_497, %reduce_sum3A_520 : i32
        scf.yield %add3A_521 : i32
      }
      %jit3A_454 = arith.constant 2 : i32
      %eq3A_455 = arith.constant 0 : i32
      %eq3A_456 = arith.cmpi eq, %jit3A_454, %eq3A_455 : i32
      %jit3A_457 = arith.constant 1 : i32
      %select_n3A_458 = arith.select %eq3A_456, %jit3A_457, %jit3A_454 : i32
      %rem3A_459 = arith.remsi %while3A_271, %select_n3A_458 : i32
      %ne3A_460 = arith.constant 0 : i32
      %ne3A_461 = arith.cmpi ne, %rem3A_459, %ne3A_460 : i32
      %lt3A_462 = arith.constant 0 : i32
      %lt3A_463 = arith.cmpi slt, %rem3A_459, %lt3A_462 : i32
      %lt3A_464 = arith.constant 0 : i32
      %lt3A_465 = arith.cmpi slt, %select_n3A_458, %lt3A_464 : i32
      %ne3A_466 = arith.xori %lt3A_463, %lt3A_465 : i1
      %and3A_467 = arith.andi %ne3A_466, %ne3A_461 : i1
      %add3A_468 = arith.addi %rem3A_459, %select_n3A_458 : i32
      %select_n3A_469 = arith.select %and3A_467, %add3A_468, %rem3A_459 : i32
      %eq3A_470 = arith.constant 0 : i32
      %eq3A_471 = arith.cmpi eq, %select_n3A_469, %eq3A_470 : i32
      %convert_element_type3A_472 = arith.extui %eq3A_471 : i1 to i32
      %cond3A_473 = arith.constant 0 : i32
      %cond3A_474 = arith.cmpi ne, %convert_element_type3A_472, %cond3A_473 : i32
      scf.if %cond3A_474 {
        %mul3A_496 = arith.constant 128 : i32
        %mul3A_497 = arith.muli %while3A_271, %mul3A_496 : i32
        %add3A_498 = arith.addi %mul3A_2, %mul3A_497 : i32
        %dma_wait3A_499 = arith.constant 0 : i32
        %dma_wait3A_500 = tpu.memref_slice %arg2[%add3A_498, %dma_wait3A_499] : memref<100000x128xf32, #tpu.memory_space<hbm>> -> memref<128x128xf32, #tpu.memory_space<hbm>>
        %dma_wait3A_501 = arith.constant 0 : i32
        %dma_wait3A_502 = tpu.memref_slice %arg2[%add3A_498, %dma_wait3A_501] : memref<100000x128xf32, #tpu.memory_space<hbm>> -> memref<128x128xf32, #tpu.memory_space<hbm>>
        tpu.wait_dma2 semaphore(%arg23 : memref<!tpu.dma_semaphore, #tpu.memory_space<semaphore_mem>>) src(%dma_wait3A_502 : memref<128x128xf32, #tpu.memory_space<hbm>>) dst(%arg18 : memref<128x128xf32, #tpu.memory_space<vmem>>)
        %mul3A_503 = arith.constant 128 : i32
        %mul3A_504 = arith.muli %while3A_271, %mul3A_503 : i32
        %add3A_505 = arith.addi %mul3A_2, %mul3A_504 : i32
        %dma_start3A_506 = arith.constant 0 : i32
        %dma_start3A_507 = tpu.memref_slice %arg7[%add3A_505, %dma_start3A_506] : memref<100000x128xf32, #tpu.memory_space<hbm>> -> memref<128x128xf32, #tpu.memory_space<hbm>>
        %dma_start3A_508 = arith.constant 0 : i32
        %dma_start3A_509 = tpu.memref_slice %arg7[%add3A_505, %dma_start3A_508] : memref<100000x128xf32, #tpu.memory_space<hbm>> -> memref<128x128xf32, #tpu.memory_space<hbm>>
        tpu.enqueue_dma source(%arg18 : memref<128x128xf32, #tpu.memory_space<vmem>>) target(%dma_start3A_509 : memref<128x128xf32, #tpu.memory_space<hbm>>) target_semaphore(%arg25 : memref<!tpu.dma_semaphore, #tpu.memory_space<semaphore_mem>>)
      } else {
      }
      %jit3A_475 = arith.constant 2 : i32
      %eq3A_476 = arith.constant 0 : i32
      %eq3A_477 = arith.cmpi eq, %jit3A_475, %eq3A_476 : i32
      %jit3A_478 = arith.constant 1 : i32
      %select_n3A_479 = arith.select %eq3A_477, %jit3A_478, %jit3A_475 : i32
      %rem3A_480 = arith.remsi %while3A_271, %select_n3A_479 : i32
      %ne3A_481 = arith.constant 0 : i32
      %ne3A_482 = arith.cmpi ne, %rem3A_480, %ne3A_481 : i32
      %lt3A_483 = arith.constant 0 : i32
      %lt3A_484 = arith.cmpi slt, %rem3A_480, %lt3A_483 : i32
      %lt3A_485 = arith.constant 0 : i32
      %lt3A_486 = arith.cmpi slt, %select_n3A_479, %lt3A_485 : i32
      %ne3A_487 = arith.xori %lt3A_484, %lt3A_486 : i1
      %and3A_488 = arith.andi %ne3A_487, %ne3A_482 : i1
      %add3A_489 = arith.addi %rem3A_480, %select_n3A_479 : i32
      %select_n3A_490 = arith.select %and3A_488, %add3A_489, %rem3A_480 : i32
      %eq3A_491 = arith.constant 1 : i32
      %eq3A_492 = arith.cmpi eq, %select_n3A_490, %eq3A_491 : i32
      %convert_element_type3A_493 = arith.extui %eq3A_492 : i1 to i32
      %cond3A_494 = arith.constant 0 : i32
      %cond3A_495 = arith.cmpi ne, %convert_element_type3A_493, %cond3A_494 : i32
      scf.if %cond3A_495 {
        %mul3A_496 = arith.constant 128 : i32
        %mul3A_497 = arith.muli %while3A_271, %mul3A_496 : i32
        %add3A_498 = arith.addi %mul3A_2, %mul3A_497 : i32
        %dma_wait3A_499 = arith.constant 0 : i32
        %dma_wait3A_500 = tpu.memref_slice %arg2[%add3A_498, %dma_wait3A_499] : memref<100000x128xf32, #tpu.memory_space<hbm>> -> memref<128x128xf32, #tpu.memory_space<hbm>>
        %dma_wait3A_501 = arith.constant 0 : i32
        %dma_wait3A_502 = tpu.memref_slice %arg2[%add3A_498, %dma_wait3A_501] : memref<100000x128xf32, #tpu.memory_space<hbm>> -> memref<128x128xf32, #tpu.memory_space<hbm>>
        tpu.wait_dma2 semaphore(%arg24 : memref<!tpu.dma_semaphore, #tpu.memory_space<semaphore_mem>>) src(%dma_wait3A_502 : memref<128x128xf32, #tpu.memory_space<hbm>>) dst(%arg19 : memref<128x128xf32, #tpu.memory_space<vmem>>)
        %mul3A_503 = arith.constant 128 : i32
        %mul3A_504 = arith.muli %while3A_271, %mul3A_503 : i32
        %add3A_505 = arith.addi %mul3A_2, %mul3A_504 : i32
        %dma_start3A_506 = arith.constant 0 : i32
        %dma_start3A_507 = tpu.memref_slice %arg7[%add3A_505, %dma_start3A_506] : memref<100000x128xf32, #tpu.memory_space<hbm>> -> memref<128x128xf32, #tpu.memory_space<hbm>>
        %dma_start3A_508 = arith.constant 0 : i32
        %dma_start3A_509 = tpu.memref_slice %arg7[%add3A_505, %dma_start3A_508] : memref<100000x128xf32, #tpu.memory_space<hbm>> -> memref<128x128xf32, #tpu.memory_space<hbm>>
        tpu.enqueue_dma source(%arg19 : memref<128x128xf32, #tpu.memory_space<vmem>>) target(%dma_start3A_509 : memref<128x128xf32, #tpu.memory_space<hbm>>) target_semaphore(%arg26 : memref<!tpu.dma_semaphore, #tpu.memory_space<semaphore_mem>>)
      } else {
      }
      scf.yield %while3A_453 : i32
    }
    %jit3A_134 = arith.constant 2 : i32
    %eq3A_135 = arith.constant 0 : i32
    %eq3A_136 = arith.cmpi eq, %jit3A_134, %eq3A_135 : i32
    %jit3A_137 = arith.constant 1 : i32
    %select_n3A_138 = arith.select %eq3A_136, %jit3A_137, %jit3A_134 : i32
    %rem3A_139 = arith.remsi %select_n3A_46, %select_n3A_138 : i32
    %ne3A_140 = arith.constant 0 : i32
    %ne3A_141 = arith.cmpi ne, %rem3A_139, %ne3A_140 : i32
    %lt3A = arith.constant 0 : i32
    %lt3A_142 = arith.cmpi slt, %rem3A_139, %lt3A : i32
    %lt3A_143 = arith.constant 0 : i32
    %lt3A_144 = arith.cmpi slt, %select_n3A_138, %lt3A_143 : i32
    %ne3A_145 = arith.xori %lt3A_142, %lt3A_144 : i1
    %and3A_146 = arith.andi %ne3A_145, %ne3A_141 : i1
    %add3A_147 = arith.addi %rem3A_139, %select_n3A_138 : i32
    %select_n3A_148 = arith.select %and3A_146, %add3A_147, %rem3A_139 : i32
    %eq3A_149 = arith.constant 0 : i32
    %eq3A_150 = arith.cmpi eq, %select_n3A_148, %eq3A_149 : i32
    %convert_element_type3A = arith.extui %eq3A_150 : i1 to i32
    %cond3A = arith.constant 0 : i32
    %cond3A_151 = arith.cmpi ne, %convert_element_type3A, %cond3A : i32
    scf.if %cond3A_151 {
      %sub3A_271 = arith.constant 2 : i32
      %sub3A_272 = arith.subi %select_n3A_46, %sub3A_271 : i32
      %mul3A_273 = arith.constant 128 : i32
      %mul3A_274 = arith.muli %sub3A_272, %mul3A_273 : i32
      %add3A_275 = arith.addi %mul3A_2, %mul3A_274 : i32
      %dma_wait3A_276 = arith.constant 0 : i32
      %dma_wait3A_277 = tpu.memref_slice %arg7[%add3A_275, %dma_wait3A_276] : memref<100000x128xf32, #tpu.memory_space<hbm>> -> memref<128x128xf32, #tpu.memory_space<hbm>>
      %dma_wait3A_278 = arith.constant 0 : i32
      %dma_wait3A_279 = tpu.memref_slice %arg7[%add3A_275, %dma_wait3A_278] : memref<100000x128xf32, #tpu.memory_space<hbm>> -> memref<128x128xf32, #tpu.memory_space<hbm>>
      tpu.wait_dma2 semaphore(%arg25 : memref<!tpu.dma_semaphore, #tpu.memory_space<semaphore_mem>>) src(%arg18 : memref<128x128xf32, #tpu.memory_space<vmem>>) dst(%dma_wait3A_279 : memref<128x128xf32, #tpu.memory_space<hbm>>)
      %sub3A_280 = arith.constant 1 : i32
      %sub3A_281 = arith.subi %select_n3A_46, %sub3A_280 : i32
      %mul3A_282 = arith.constant 128 : i32
      %mul3A_283 = arith.muli %sub3A_281, %mul3A_282 : i32
      %add3A_284 = arith.addi %mul3A_2, %mul3A_283 : i32
      %dma_wait3A_285 = arith.constant 0 : i32
      %dma_wait3A_286 = tpu.memref_slice %arg7[%add3A_284, %dma_wait3A_285] : memref<100000x128xf32, #tpu.memory_space<hbm>> -> memref<128x128xf32, #tpu.memory_space<hbm>>
      %dma_wait3A_287 = arith.constant 0 : i32
      %dma_wait3A_288 = tpu.memref_slice %arg7[%add3A_284, %dma_wait3A_287] : memref<100000x128xf32, #tpu.memory_space<hbm>> -> memref<128x128xf32, #tpu.memory_space<hbm>>
      tpu.wait_dma2 semaphore(%arg26 : memref<!tpu.dma_semaphore, #tpu.memory_space<semaphore_mem>>) src(%arg19 : memref<128x128xf32, #tpu.memory_space<vmem>>) dst(%dma_wait3A_288 : memref<128x128xf32, #tpu.memory_space<hbm>>)
    } else {
    }
    %jit3A_152 = arith.constant 2 : i32
    %eq3A_153 = arith.constant 0 : i32
    %eq3A_154 = arith.cmpi eq, %jit3A_152, %eq3A_153 : i32
    %jit3A_155 = arith.constant 1 : i32
    %select_n3A_156 = arith.select %eq3A_154, %jit3A_155, %jit3A_152 : i32
    %rem3A_157 = arith.remsi %select_n3A_46, %select_n3A_156 : i32
    %ne3A_158 = arith.constant 0 : i32
    %ne3A_159 = arith.cmpi ne, %rem3A_157, %ne3A_158 : i32
    %lt3A_160 = arith.constant 0 : i32
    %lt3A_161 = arith.cmpi slt, %rem3A_157, %lt3A_160 : i32
    %lt3A_162 = arith.constant 0 : i32
    %lt3A_163 = arith.cmpi slt, %select_n3A_156, %lt3A_162 : i32
    %ne3A_164 = arith.xori %lt3A_161, %lt3A_163 : i1
    %and3A_165 = arith.andi %ne3A_164, %ne3A_159 : i1
    %add3A_166 = arith.addi %rem3A_157, %select_n3A_156 : i32
    %select_n3A_167 = arith.select %and3A_165, %add3A_166, %rem3A_157 : i32
    %eq3A_168 = arith.constant 1 : i32
    %eq3A_169 = arith.cmpi eq, %select_n3A_167, %eq3A_168 : i32
    %convert_element_type3A_170 = arith.extui %eq3A_169 : i1 to i32
    %cond3A_171 = arith.constant 0 : i32
    %cond3A_172 = arith.cmpi ne, %convert_element_type3A_170, %cond3A_171 : i32
    scf.if %cond3A_172 {
      %sub3A_271 = arith.constant 2 : i32
      %sub3A_272 = arith.subi %select_n3A_46, %sub3A_271 : i32
      %mul3A_273 = arith.constant 128 : i32
      %mul3A_274 = arith.muli %sub3A_272, %mul3A_273 : i32
      %add3A_275 = arith.addi %mul3A_2, %mul3A_274 : i32
      %dma_wait3A_276 = arith.constant 0 : i32
      %dma_wait3A_277 = tpu.memref_slice %arg7[%add3A_275, %dma_wait3A_276] : memref<100000x128xf32, #tpu.memory_space<hbm>> -> memref<128x128xf32, #tpu.memory_space<hbm>>
      %dma_wait3A_278 = arith.constant 0 : i32
      %dma_wait3A_279 = tpu.memref_slice %arg7[%add3A_275, %dma_wait3A_278] : memref<100000x128xf32, #tpu.memory_space<hbm>> -> memref<128x128xf32, #tpu.memory_space<hbm>>
      tpu.wait_dma2 semaphore(%arg26 : memref<!tpu.dma_semaphore, #tpu.memory_space<semaphore_mem>>) src(%arg19 : memref<128x128xf32, #tpu.memory_space<vmem>>) dst(%dma_wait3A_279 : memref<128x128xf32, #tpu.memory_space<hbm>>)
      %sub3A_280 = arith.constant 1 : i32
      %sub3A_281 = arith.subi %select_n3A_46, %sub3A_280 : i32
      %mul3A_282 = arith.constant 128 : i32
      %mul3A_283 = arith.muli %sub3A_281, %mul3A_282 : i32
      %add3A_284 = arith.addi %mul3A_2, %mul3A_283 : i32
      %dma_wait3A_285 = arith.constant 0 : i32
      %dma_wait3A_286 = tpu.memref_slice %arg7[%add3A_284, %dma_wait3A_285] : memref<100000x128xf32, #tpu.memory_space<hbm>> -> memref<128x128xf32, #tpu.memory_space<hbm>>
      %dma_wait3A_287 = arith.constant 0 : i32
      %dma_wait3A_288 = tpu.memref_slice %arg7[%add3A_284, %dma_wait3A_287] : memref<100000x128xf32, #tpu.memory_space<hbm>> -> memref<128x128xf32, #tpu.memory_space<hbm>>
      tpu.wait_dma2 semaphore(%arg25 : memref<!tpu.dma_semaphore, #tpu.memory_space<semaphore_mem>>) src(%arg18 : memref<128x128xf32, #tpu.memory_space<vmem>>) dst(%dma_wait3A_288 : memref<128x128xf32, #tpu.memory_space<hbm>>)
    } else {
    }
    %mul3A_173 = arith.constant 128 : i32
    %mul3A_174 = arith.muli %select_n3A_46, %mul3A_173 : i32
    %add3A_175 = arith.addi %mul3A_2, %mul3A_174 : i32
    %while3A_176 = arith.constant 0 : i32
    %while3A_177 = arith.constant 0 : i32
    %while3A_178 = arith.subi %select_n3A_73, %while3A_176 : i32
    %while3A_179 = arith.addi %while3A_176, %while3A_178 : i32
    %while3A_180 = arith.constant 1 : i32
    %while3A_181 = arith.divsi %while3A_178, %while3A_180 : i32
    %while3A_182 = arith.muli %while3A_181, %while3A_180 : i32
    %while3A_183 = arith.addi %while3A_176, %while3A_182 : i32
    %while3A_184 = arith.constant 1 : i32
    %while3A_185 = scf.for %while3A_271 = %while3A_176 to %while3A_183 step %while3A_184 iter_args(%while3A_272 = %while3A_177) -> (i32)  : i32 {
      %mul3A_273 = arith.constant 32 : i32
      %mul3A_274 = arith.muli %while3A_271, %mul3A_273 : i32
      %add3A_275 = arith.addi %add3A_175, %mul3A_274 : i32
      %dma_start3A_276 = arith.constant 0 : i32
      %dma_start3A_277 = arith.constant 0 : i32
      %dma_start3A_278 = tpu.memref_slice %arg18[%dma_start3A_276, %dma_start3A_277] : memref<128x128xf32, #tpu.memory_space<vmem>> -> memref<32x128xf32, #tpu.memory_space<vmem>>
      %dma_start3A_279 = arith.constant 0 : i32
      %dma_start3A_280 = tpu.memref_slice %arg2[%add3A_275, %dma_start3A_279] : memref<100000x128xf32, #tpu.memory_space<hbm>> -> memref<32x128xf32, #tpu.memory_space<hbm>>
      %dma_start3A_281 = arith.constant 0 : i32
      %dma_start3A_282 = arith.constant 0 : i32
      %dma_start3A_283 = tpu.memref_slice %arg18[%dma_start3A_281, %dma_start3A_282] : memref<128x128xf32, #tpu.memory_space<vmem>> -> memref<32x128xf32, #tpu.memory_space<vmem>>
      %dma_start3A_284 = arith.constant 0 : i32
      %dma_start3A_285 = tpu.memref_slice %arg2[%add3A_275, %dma_start3A_284] : memref<100000x128xf32, #tpu.memory_space<hbm>> -> memref<32x128xf32, #tpu.memory_space<hbm>>
      tpu.enqueue_dma source(%dma_start3A_285 : memref<32x128xf32, #tpu.memory_space<hbm>>) target(%dma_start3A_283 : memref<32x128xf32, #tpu.memory_space<vmem>>) target_semaphore(%arg23 : memref<!tpu.dma_semaphore, #tpu.memory_space<semaphore_mem>>)
      %dma_wait3A_286 = arith.constant 0 : i32
      %dma_wait3A_287 = arith.constant 0 : i32
      %dma_wait3A_288 = tpu.memref_slice %arg18[%dma_wait3A_286, %dma_wait3A_287] : memref<128x128xf32, #tpu.memory_space<vmem>> -> memref<32x128xf32, #tpu.memory_space<vmem>>
      %dma_wait3A_289 = arith.constant 0 : i32
      %dma_wait3A_290 = tpu.memref_slice %arg2[%add3A_275, %dma_wait3A_289] : memref<100000x128xf32, #tpu.memory_space<hbm>> -> memref<32x128xf32, #tpu.memory_space<hbm>>
      %dma_wait3A_291 = arith.constant 0 : i32
      %dma_wait3A_292 = arith.constant 0 : i32
      %dma_wait3A_293 = tpu.memref_slice %arg18[%dma_wait3A_291, %dma_wait3A_292] : memref<128x128xf32, #tpu.memory_space<vmem>> -> memref<32x128xf32, #tpu.memory_space<vmem>>
      %dma_wait3A_294 = arith.constant 0 : i32
      %dma_wait3A_295 = tpu.memref_slice %arg2[%add3A_275, %dma_wait3A_294] : memref<100000x128xf32, #tpu.memory_space<hbm>> -> memref<32x128xf32, #tpu.memory_space<hbm>>
      tpu.wait_dma2 semaphore(%arg23 : memref<!tpu.dma_semaphore, #tpu.memory_space<semaphore_mem>>) src(%dma_wait3A_295 : memref<32x128xf32, #tpu.memory_space<hbm>>) dst(%dma_wait3A_293 : memref<32x128xf32, #tpu.memory_space<vmem>>)
      %mul3A_296 = arith.constant 32 : i32
      %mul3A_297 = arith.muli %while3A_271, %mul3A_296 : i32
      %add3A_298 = arith.addi %add3A_175, %mul3A_297 : i32
      %dma_start3A_299 = arith.constant 0 : i32
      %dma_start3A_300 = arith.constant 0 : i32
      %dma_start3A_301 = tpu.memref_slice %arg18[%dma_start3A_299, %dma_start3A_300] : memref<128x128xf32, #tpu.memory_space<vmem>> -> memref<32x128xf32, #tpu.memory_space<vmem>>
      %dma_start3A_302 = arith.constant 0 : i32
      %dma_start3A_303 = tpu.memref_slice %arg7[%add3A_298, %dma_start3A_302] : memref<100000x128xf32, #tpu.memory_space<hbm>> -> memref<32x128xf32, #tpu.memory_space<hbm>>
      %dma_start3A_304 = arith.constant 0 : i32
      %dma_start3A_305 = tpu.memref_slice %arg7[%add3A_298, %dma_start3A_304] : memref<100000x128xf32, #tpu.memory_space<hbm>> -> memref<32x128xf32, #tpu.memory_space<hbm>>
      %dma_start3A_306 = arith.constant 0 : i32
      %dma_start3A_307 = arith.constant 0 : i32
      %dma_start3A_308 = tpu.memref_slice %arg18[%dma_start3A_306, %dma_start3A_307] : memref<128x128xf32, #tpu.memory_space<vmem>> -> memref<32x128xf32, #tpu.memory_space<vmem>>
      tpu.enqueue_dma source(%dma_start3A_308 : memref<32x128xf32, #tpu.memory_space<vmem>>) target(%dma_start3A_305 : memref<32x128xf32, #tpu.memory_space<hbm>>) target_semaphore(%arg25 : memref<!tpu.dma_semaphore, #tpu.memory_space<semaphore_mem>>)
      %dma_wait3A_309 = arith.constant 0 : i32
      %dma_wait3A_310 = arith.constant 0 : i32
      %dma_wait3A_311 = tpu.memref_slice %arg18[%dma_wait3A_309, %dma_wait3A_310] : memref<128x128xf32, #tpu.memory_space<vmem>> -> memref<32x128xf32, #tpu.memory_space<vmem>>
      %dma_wait3A_312 = arith.constant 0 : i32
      %dma_wait3A_313 = tpu.memref_slice %arg7[%add3A_298, %dma_wait3A_312] : memref<100000x128xf32, #tpu.memory_space<hbm>> -> memref<32x128xf32, #tpu.memory_space<hbm>>
      %dma_wait3A_314 = arith.constant 0 : i32
      %dma_wait3A_315 = tpu.memref_slice %arg7[%add3A_298, %dma_wait3A_314] : memref<100000x128xf32, #tpu.memory_space<hbm>> -> memref<32x128xf32, #tpu.memory_space<hbm>>
      %dma_wait3A_316 = arith.constant 0 : i32
      %dma_wait3A_317 = arith.constant 0 : i32
      %dma_wait3A_318 = tpu.memref_slice %arg18[%dma_wait3A_316, %dma_wait3A_317] : memref<128x128xf32, #tpu.memory_space<vmem>> -> memref<32x128xf32, #tpu.memory_space<vmem>>
      tpu.wait_dma2 semaphore(%arg25 : memref<!tpu.dma_semaphore, #tpu.memory_space<semaphore_mem>>) src(%dma_wait3A_318 : memref<32x128xf32, #tpu.memory_space<vmem>>) dst(%dma_wait3A_315 : memref<32x128xf32, #tpu.memory_space<hbm>>)
      %while3A_319 = arith.constant 0 : i32
      scf.yield %while3A_319 : i32
    }
    %while3A_186 = arith.constant 1 : i32
    %while3A_187 = scf.for %while3A_271 = %while3A_183 to %while3A_179 step %while3A_186 iter_args(%while3A_272 = %while3A_185) -> (i32)  : i32 {
      %mul3A_273 = arith.constant 32 : i32
      %mul3A_274 = arith.muli %while3A_271, %mul3A_273 : i32
      %add3A_275 = arith.addi %add3A_175, %mul3A_274 : i32
      %dma_start3A_276 = arith.constant 0 : i32
      %dma_start3A_277 = arith.constant 0 : i32
      %dma_start3A_278 = tpu.memref_slice %arg18[%dma_start3A_276, %dma_start3A_277] : memref<128x128xf32, #tpu.memory_space<vmem>> -> memref<32x128xf32, #tpu.memory_space<vmem>>
      %dma_start3A_279 = arith.constant 0 : i32
      %dma_start3A_280 = tpu.memref_slice %arg2[%add3A_275, %dma_start3A_279] : memref<100000x128xf32, #tpu.memory_space<hbm>> -> memref<32x128xf32, #tpu.memory_space<hbm>>
      %dma_start3A_281 = arith.constant 0 : i32
      %dma_start3A_282 = arith.constant 0 : i32
      %dma_start3A_283 = tpu.memref_slice %arg18[%dma_start3A_281, %dma_start3A_282] : memref<128x128xf32, #tpu.memory_space<vmem>> -> memref<32x128xf32, #tpu.memory_space<vmem>>
      %dma_start3A_284 = arith.constant 0 : i32
      %dma_start3A_285 = tpu.memref_slice %arg2[%add3A_275, %dma_start3A_284] : memref<100000x128xf32, #tpu.memory_space<hbm>> -> memref<32x128xf32, #tpu.memory_space<hbm>>
      tpu.enqueue_dma source(%dma_start3A_285 : memref<32x128xf32, #tpu.memory_space<hbm>>) target(%dma_start3A_283 : memref<32x128xf32, #tpu.memory_space<vmem>>) target_semaphore(%arg23 : memref<!tpu.dma_semaphore, #tpu.memory_space<semaphore_mem>>)
      %dma_wait3A_286 = arith.constant 0 : i32
      %dma_wait3A_287 = arith.constant 0 : i32
      %dma_wait3A_288 = tpu.memref_slice %arg18[%dma_wait3A_286, %dma_wait3A_287] : memref<128x128xf32, #tpu.memory_space<vmem>> -> memref<32x128xf32, #tpu.memory_space<vmem>>
      %dma_wait3A_289 = arith.constant 0 : i32
      %dma_wait3A_290 = tpu.memref_slice %arg2[%add3A_275, %dma_wait3A_289] : memref<100000x128xf32, #tpu.memory_space<hbm>> -> memref<32x128xf32, #tpu.memory_space<hbm>>
      %dma_wait3A_291 = arith.constant 0 : i32
      %dma_wait3A_292 = arith.constant 0 : i32
      %dma_wait3A_293 = tpu.memref_slice %arg18[%dma_wait3A_291, %dma_wait3A_292] : memref<128x128xf32, #tpu.memory_space<vmem>> -> memref<32x128xf32, #tpu.memory_space<vmem>>
      %dma_wait3A_294 = arith.constant 0 : i32
      %dma_wait3A_295 = tpu.memref_slice %arg2[%add3A_275, %dma_wait3A_294] : memref<100000x128xf32, #tpu.memory_space<hbm>> -> memref<32x128xf32, #tpu.memory_space<hbm>>
      tpu.wait_dma2 semaphore(%arg23 : memref<!tpu.dma_semaphore, #tpu.memory_space<semaphore_mem>>) src(%dma_wait3A_295 : memref<32x128xf32, #tpu.memory_space<hbm>>) dst(%dma_wait3A_293 : memref<32x128xf32, #tpu.memory_space<vmem>>)
      %mul3A_296 = arith.constant 32 : i32
      %mul3A_297 = arith.muli %while3A_271, %mul3A_296 : i32
      %add3A_298 = arith.addi %add3A_175, %mul3A_297 : i32
      %dma_start3A_299 = arith.constant 0 : i32
      %dma_start3A_300 = arith.constant 0 : i32
      %dma_start3A_301 = tpu.memref_slice %arg18[%dma_start3A_299, %dma_start3A_300] : memref<128x128xf32, #tpu.memory_space<vmem>> -> memref<32x128xf32, #tpu.memory_space<vmem>>
      %dma_start3A_302 = arith.constant 0 : i32
      %dma_start3A_303 = tpu.memref_slice %arg7[%add3A_298, %dma_start3A_302] : memref<100000x128xf32, #tpu.memory_space<hbm>> -> memref<32x128xf32, #tpu.memory_space<hbm>>
      %dma_start3A_304 = arith.constant 0 : i32
      %dma_start3A_305 = tpu.memref_slice %arg7[%add3A_298, %dma_start3A_304] : memref<100000x128xf32, #tpu.memory_space<hbm>> -> memref<32x128xf32, #tpu.memory_space<hbm>>
      %dma_start3A_306 = arith.constant 0 : i32
      %dma_start3A_307 = arith.constant 0 : i32
      %dma_start3A_308 = tpu.memref_slice %arg18[%dma_start3A_306, %dma_start3A_307] : memref<128x128xf32, #tpu.memory_space<vmem>> -> memref<32x128xf32, #tpu.memory_space<vmem>>
      tpu.enqueue_dma source(%dma_start3A_308 : memref<32x128xf32, #tpu.memory_space<vmem>>) target(%dma_start3A_305 : memref<32x128xf32, #tpu.memory_space<hbm>>) target_semaphore(%arg25 : memref<!tpu.dma_semaphore, #tpu.memory_space<semaphore_mem>>)
      %dma_wait3A_309 = arith.constant 0 : i32
      %dma_wait3A_310 = arith.constant 0 : i32
      %dma_wait3A_311 = tpu.memref_slice %arg18[%dma_wait3A_309, %dma_wait3A_310] : memref<128x128xf32, #tpu.memory_space<vmem>> -> memref<32x128xf32, #tpu.memory_space<vmem>>
      %dma_wait3A_312 = arith.constant 0 : i32
      %dma_wait3A_313 = tpu.memref_slice %arg7[%add3A_298, %dma_wait3A_312] : memref<100000x128xf32, #tpu.memory_space<hbm>> -> memref<32x128xf32, #tpu.memory_space<hbm>>
      %dma_wait3A_314 = arith.constant 0 : i32
      %dma_wait3A_315 = tpu.memref_slice %arg7[%add3A_298, %dma_wait3A_314] : memref<100000x128xf32, #tpu.memory_space<hbm>> -> memref<32x128xf32, #tpu.memory_space<hbm>>
      %dma_wait3A_316 = arith.constant 0 : i32
      %dma_wait3A_317 = arith.constant 0 : i32
      %dma_wait3A_318 = tpu.memref_slice %arg18[%dma_wait3A_316, %dma_wait3A_317] : memref<128x128xf32, #tpu.memory_space<vmem>> -> memref<32x128xf32, #tpu.memory_space<vmem>>
      tpu.wait_dma2 semaphore(%arg25 : memref<!tpu.dma_semaphore, #tpu.memory_space<semaphore_mem>>) src(%dma_wait3A_318 : memref<32x128xf32, #tpu.memory_space<vmem>>) dst(%dma_wait3A_315 : memref<32x128xf32, #tpu.memory_space<hbm>>)
      %while3A_319 = arith.constant 0 : i32
      scf.yield %while3A_319 : i32
    }
    %gt3A = arith.constant 0 : i32
    %gt3A_188 = arith.cmpi sgt, %while3A_133, %gt3A : i32
    %convert_element_type3A_189 = arith.extui %gt3A_188 : i1 to i32
    %cond3A_190 = arith.constant 0 : i32
    %cond3A_191 = arith.cmpi ne, %convert_element_type3A_189, %cond3A_190 : i32
    scf.if %cond3A_191 {
      %sub3A_271 = arith.constant 1 : i32
      %sub3A_272 = arith.subi %while3A_133, %sub3A_271 : i32
      %broadcast_in_dim3A = vector.broadcast %sub3A_272 : i32 to vector<16xi32>
      %gather3A = tpu.vector_load_idx %arg13[%broadcast_in_dim3A] : memref<3392xi32, #tpu.memory_space<vmem>>[vector<16xi32>], vector<16xi32>,
      %gather3A_273 = tpu.vector_load_idx %arg14[%broadcast_in_dim3A] : memref<3392xi32, #tpu.memory_space<vmem>>[vector<16xi32>], vector<16xi32>,
      %add3A_274 = arith.constant 0 : i32
      %add3A_275 = arith.addi %while3A_133, %add3A_274 : i32
      %swap3A = arith.index_cast %add3A_275 : i32 to index
      %swap3A_276 = tpu.vector_load %arg13[%swap3A] {strides = array<i32>} : memref<3392xi32, #tpu.memory_space<vmem>>, vector<16xi32>,
      tpu.vector_store %arg13[%swap3A], %gather3A {strides = array<i32>} : memref<3392xi32, #tpu.memory_space<vmem>>, vector<16xi32>,
      %add3A_277 = arith.constant 0 : i32
      %add3A_278 = arith.addi %while3A_133, %add3A_277 : i32
      %swap3A_279 = arith.index_cast %add3A_278 : i32 to index
      %swap3A_280 = tpu.vector_load %arg14[%swap3A_279] {strides = array<i32>} : memref<3392xi32, #tpu.memory_space<vmem>>, vector<16xi32>,
      tpu.vector_store %arg14[%swap3A_279], %gather3A_273 {strides = array<i32>} : memref<3392xi32, #tpu.memory_space<vmem>>, vector<16xi32>,
      %add3A_281 = arith.constant 16 : i32
      %add3A_282 = arith.addi %while3A_133, %add3A_281 : i32
      %swap3A_283 = arith.index_cast %add3A_282 : i32 to index
      %swap3A_284 = tpu.vector_load %arg13[%swap3A_283] {strides = array<i32>} : memref<3392xi32, #tpu.memory_space<vmem>>, vector<16xi32>,
      tpu.vector_store %arg13[%swap3A_283], %gather3A {strides = array<i32>} : memref<3392xi32, #tpu.memory_space<vmem>>, vector<16xi32>,
      %add3A_285 = arith.constant 16 : i32
      %add3A_286 = arith.addi %while3A_133, %add3A_285 : i32
      %swap3A_287 = arith.index_cast %add3A_286 : i32 to index
      %swap3A_288 = tpu.vector_load %arg14[%swap3A_287] {strides = array<i32>} : memref<3392xi32, #tpu.memory_space<vmem>>, vector<16xi32>,
      tpu.vector_store %arg14[%swap3A_287], %gather3A_273 {strides = array<i32>} : memref<3392xi32, #tpu.memory_space<vmem>>, vector<16xi32>,
      %add3A_289 = arith.constant 32 : i32
      %add3A_290 = arith.addi %while3A_133, %add3A_289 : i32
      %swap3A_291 = arith.index_cast %add3A_290 : i32 to index
      %swap3A_292 = tpu.vector_load %arg13[%swap3A_291] {strides = array<i32>} : memref<3392xi32, #tpu.memory_space<vmem>>, vector<16xi32>,
      tpu.vector_store %arg13[%swap3A_291], %gather3A {strides = array<i32>} : memref<3392xi32, #tpu.memory_space<vmem>>, vector<16xi32>,
      %add3A_293 = arith.constant 32 : i32
      %add3A_294 = arith.addi %while3A_133, %add3A_293 : i32
      %swap3A_295 = arith.index_cast %add3A_294 : i32 to index
      %swap3A_296 = tpu.vector_load %arg14[%swap3A_295] {strides = array<i32>} : memref<3392xi32, #tpu.memory_space<vmem>>, vector<16xi32>,
      tpu.vector_store %arg14[%swap3A_295], %gather3A_273 {strides = array<i32>} : memref<3392xi32, #tpu.memory_space<vmem>>, vector<16xi32>,
      %add3A_297 = arith.constant 48 : i32
      %add3A_298 = arith.addi %while3A_133, %add3A_297 : i32
      %swap3A_299 = arith.index_cast %add3A_298 : i32 to index
      %swap3A_300 = tpu.vector_load %arg13[%swap3A_299] {strides = array<i32>} : memref<3392xi32, #tpu.memory_space<vmem>>, vector<16xi32>,
      tpu.vector_store %arg13[%swap3A_299], %gather3A {strides = array<i32>} : memref<3392xi32, #tpu.memory_space<vmem>>, vector<16xi32>,
      %add3A_301 = arith.constant 48 : i32
      %add3A_302 = arith.addi %while3A_133, %add3A_301 : i32
      %swap3A_303 = arith.index_cast %add3A_302 : i32 to index
      %swap3A_304 = tpu.vector_load %arg14[%swap3A_303] {strides = array<i32>} : memref<3392xi32, #tpu.memory_space<vmem>>, vector<16xi32>,
      tpu.vector_store %arg14[%swap3A_303], %gather3A_273 {strides = array<i32>} : memref<3392xi32, #tpu.memory_space<vmem>>, vector<16xi32>,
      %add3A_305 = arith.constant 64 : i32
      %add3A_306 = arith.addi %while3A_133, %add3A_305 : i32
      %swap3A_307 = arith.index_cast %add3A_306 : i32 to index
      %swap3A_308 = tpu.vector_load %arg13[%swap3A_307] {strides = array<i32>} : memref<3392xi32, #tpu.memory_space<vmem>>, vector<16xi32>,
      tpu.vector_store %arg13[%swap3A_307], %gather3A {strides = array<i32>} : memref<3392xi32, #tpu.memory_space<vmem>>, vector<16xi32>,
      %add3A_309 = arith.constant 64 : i32
      %add3A_310 = arith.addi %while3A_133, %add3A_309 : i32
      %swap3A_311 = arith.index_cast %add3A_310 : i32 to index
      %swap3A_312 = tpu.vector_load %arg14[%swap3A_311] {strides = array<i32>} : memref<3392xi32, #tpu.memory_space<vmem>>, vector<16xi32>,
      tpu.vector_store %arg14[%swap3A_311], %gather3A_273 {strides = array<i32>} : memref<3392xi32, #tpu.memory_space<vmem>>, vector<16xi32>,
      %add3A_313 = arith.constant 80 : i32
      %add3A_314 = arith.addi %while3A_133, %add3A_313 : i32
      %swap3A_315 = arith.index_cast %add3A_314 : i32 to index
      %swap3A_316 = tpu.vector_load %arg13[%swap3A_315] {strides = array<i32>} : memref<3392xi32, #tpu.memory_space<vmem>>, vector<16xi32>,
      tpu.vector_store %arg13[%swap3A_315], %gather3A {strides = array<i32>} : memref<3392xi32, #tpu.memory_space<vmem>>, vector<16xi32>,
      %add3A_317 = arith.constant 80 : i32
      %add3A_318 = arith.addi %while3A_133, %add3A_317 : i32
      %swap3A_319 = arith.index_cast %add3A_318 : i32 to index
      %swap3A_320 = tpu.vector_load %arg14[%swap3A_319] {strides = array<i32>} : memref<3392xi32, #tpu.memory_space<vmem>>, vector<16xi32>,
      tpu.vector_store %arg14[%swap3A_319], %gather3A_273 {strides = array<i32>} : memref<3392xi32, #tpu.memory_space<vmem>>, vector<16xi32>,
      %add3A_321 = arith.constant 96 : i32
      %add3A_322 = arith.addi %while3A_133, %add3A_321 : i32
      %swap3A_323 = arith.index_cast %add3A_322 : i32 to index
      %swap3A_324 = tpu.vector_load %arg13[%swap3A_323] {strides = array<i32>} : memref<3392xi32, #tpu.memory_space<vmem>>, vector<16xi32>,
      tpu.vector_store %arg13[%swap3A_323], %gather3A {strides = array<i32>} : memref<3392xi32, #tpu.memory_space<vmem>>, vector<16xi32>,
      %add3A_325 = arith.constant 96 : i32
      %add3A_326 = arith.addi %while3A_133, %add3A_325 : i32
      %swap3A_327 = arith.index_cast %add3A_326 : i32 to index
      %swap3A_328 = tpu.vector_load %arg14[%swap3A_327] {strides = array<i32>} : memref<3392xi32, #tpu.memory_space<vmem>>, vector<16xi32>,
      tpu.vector_store %arg14[%swap3A_327], %gather3A_273 {strides = array<i32>} : memref<3392xi32, #tpu.memory_space<vmem>>, vector<16xi32>,
      %add3A_329 = arith.constant 112 : i32
      %add3A_330 = arith.addi %while3A_133, %add3A_329 : i32
      %swap3A_331 = arith.index_cast %add3A_330 : i32 to index
      %swap3A_332 = tpu.vector_load %arg13[%swap3A_331] {strides = array<i32>} : memref<3392xi32, #tpu.memory_space<vmem>>, vector<16xi32>,
      tpu.vector_store %arg13[%swap3A_331], %gather3A {strides = array<i32>} : memref<3392xi32, #tpu.memory_space<vmem>>, vector<16xi32>,
      %add3A_333 = arith.constant 112 : i32
      %add3A_334 = arith.addi %while3A_133, %add3A_333 : i32
      %swap3A_335 = arith.index_cast %add3A_334 : i32 to index
      %swap3A_336 = tpu.vector_load %arg14[%swap3A_335] {strides = array<i32>} : memref<3392xi32, #tpu.memory_space<vmem>>, vector<16xi32>,
      tpu.vector_store %arg14[%swap3A_335], %gather3A_273 {strides = array<i32>} : memref<3392xi32, #tpu.memory_space<vmem>>, vector<16xi32>,
    } else {
    }
    %add3A_192 = arith.constant 128 : i32
    %add3A_193 = arith.addi %while3A_133, %add3A_192 : i32
    %sub3A_194 = arith.constant 1 : i32
    %sub3A_195 = arith.subi %add3A_193, %sub3A_194 : i32
    %jit3A_196 = arith.constant 128 : i32
    %div3A_197 = arith.divsi %sub3A_195, %jit3A_196 : i32
    %sign3A_198 = arith.constant 0 : i32
    %sign3A_199 = arith.cmpi sgt, %sub3A_195, %sign3A_198 : i32
    %sign3A_200 = arith.extui %sign3A_199 : i1 to i32
    %sign3A_201 = arith.constant 0 : i32
    %sign3A_202 = arith.cmpi slt, %sub3A_195, %sign3A_201 : i32
    %sign3A_203 = arith.extui %sign3A_202 : i1 to i32
    %sign3A_204 = arith.subi %sign3A_200, %sign3A_203 : i32
    %sign3A_205 = arith.constant 0 : i32
    %sign3A_206 = arith.cmpi sgt, %jit3A_196, %sign3A_205 : i32
    %sign3A_207 = arith.extui %sign3A_206 : i1 to i32
    %sign3A_208 = arith.constant 0 : i32
    %sign3A_209 = arith.cmpi slt, %jit3A_196, %sign3A_208 : i32
    %sign3A_210 = arith.extui %sign3A_209 : i1 to i32
    %sign3A_211 = arith.subi %sign3A_207, %sign3A_210 : i32
    %ne3A_212 = arith.cmpi ne, %sign3A_204, %sign3A_211 : i32
    %rem3A_213 = arith.remsi %sub3A_195, %jit3A_196 : i32
    %ne3A_214 = arith.constant 0 : i32
    %ne3A_215 = arith.cmpi ne, %rem3A_213, %ne3A_214 : i32
    %and3A_216 = arith.andi %ne3A_212, %ne3A_215 : i1
    %sub3A_217 = arith.constant 1 : i32
    %sub3A_218 = arith.subi %div3A_197, %sub3A_217 : i32
    %select_n3A_219 = arith.select %and3A_216, %sub3A_218, %div3A_197 : i32
    %mul3A_220 = arith.constant 8 : i32
    %mul3A_221 = arith.muli %select_n3A_219, %mul3A_220 : i32
    %while3A_222 = arith.constant 0 : i32
    %while3A_223 = arith.constant 0 : i32
    %while3A_224 = arith.subi %mul3A_221, %while3A_222 : i32
    %while3A_225 = arith.addi %while3A_222, %while3A_224 : i32
    %while3A_226 = arith.constant 1 : i32
    %while3A_227 = arith.divsi %while3A_224, %while3A_226 : i32
    %while3A_228 = arith.muli %while3A_227, %while3A_226 : i32
    %while3A_229 = arith.addi %while3A_222, %while3A_228 : i32
    %while3A_230 = arith.constant 1 : i32
    %while3A_231 = scf.for %while3A_271 = %while3A_222 to %while3A_229 step %while3A_230 iter_args(%while3A_272 = %while3A_223) -> (i32)  : i32 {
      %mul3A_273 = arith.constant 16 : i32
      %mul3A_274 = arith.muli %while3A_271, %mul3A_273 : i32
      %get3A = arith.index_cast %mul3A_274 : i32 to index
      %get3A_275 = tpu.vector_load %arg14[%get3A] {strides = array<i32>} : memref<3392xi32, #tpu.memory_space<vmem>>, vector<16xi32>,
      %jit3A_276 = arith.constant 8 : i32
      %div3A_277 = arith.divsi %while3A_271, %jit3A_276 : i32
      %sign3A_278 = arith.constant 0 : i32
      %sign3A_279 = arith.cmpi sgt, %while3A_271, %sign3A_278 : i32
      %sign3A_280 = arith.extui %sign3A_279 : i1 to i32
      %sign3A_281 = arith.constant 0 : i32
      %sign3A_282 = arith.cmpi slt, %while3A_271, %sign3A_281 : i32
      %sign3A_283 = arith.extui %sign3A_282 : i1 to i32
      %sign3A_284 = arith.subi %sign3A_280, %sign3A_283 : i32
      %sign3A_285 = arith.constant 0 : i32
      %sign3A_286 = arith.cmpi sgt, %jit3A_276, %sign3A_285 : i32
      %sign3A_287 = arith.extui %sign3A_286 : i1 to i32
      %sign3A_288 = arith.constant 0 : i32
      %sign3A_289 = arith.cmpi slt, %jit3A_276, %sign3A_288 : i32
      %sign3A_290 = arith.extui %sign3A_289 : i1 to i32
      %sign3A_291 = arith.subi %sign3A_287, %sign3A_290 : i32
      %ne3A_292 = arith.cmpi ne, %sign3A_284, %sign3A_291 : i32
      %rem3A_293 = arith.remsi %while3A_271, %jit3A_276 : i32
      %ne3A_294 = arith.constant 0 : i32
      %ne3A_295 = arith.cmpi ne, %rem3A_293, %ne3A_294 : i32
      %and3A_296 = arith.andi %ne3A_292, %ne3A_295 : i1
      %sub3A_297 = arith.constant 1 : i32
      %sub3A_298 = arith.subi %div3A_277, %sub3A_297 : i32
      %select_n3A_299 = arith.select %and3A_296, %sub3A_298, %div3A_277 : i32
      %jit3A_300 = arith.constant 8 : i32
      %eq3A_301 = arith.constant 0 : i32
      %eq3A_302 = arith.cmpi eq, %jit3A_300, %eq3A_301 : i32
      %jit3A_303 = arith.constant 1 : i32
      %select_n3A_304 = arith.select %eq3A_302, %jit3A_303, %jit3A_300 : i32
      %rem3A_305 = arith.remsi %while3A_271, %select_n3A_304 : i32
      %ne3A_306 = arith.constant 0 : i32
      %ne3A_307 = arith.cmpi ne, %rem3A_305, %ne3A_306 : i32
      %lt3A_308 = arith.constant 0 : i32
      %lt3A_309 = arith.cmpi slt, %rem3A_305, %lt3A_308 : i32
      %lt3A_310 = arith.constant 0 : i32
      %lt3A_311 = arith.cmpi slt, %select_n3A_304, %lt3A_310 : i32
      %ne3A_312 = arith.xori %lt3A_309, %lt3A_311 : i1
      %and3A_313 = arith.andi %ne3A_312, %ne3A_307 : i1
      %add3A_314 = arith.addi %rem3A_305, %select_n3A_304 : i32
      %select_n3A_315 = arith.select %and3A_313, %add3A_314, %rem3A_305 : i32
      %mul3A_316 = arith.constant 16 : i32
      %mul3A_317 = arith.muli %select_n3A_315, %mul3A_316 : i32
      %swap3A = arith.index_cast %select_n3A_299 : i32 to index
      %swap3A_318 = arith.index_cast %mul3A_317 : i32 to index
      %swap3A_319 = tpu.vector_load %arg15[%swap3A, %swap3A_318] {strides = array<i32>} : memref<25x128xi32, #tpu.memory_space<vmem>>, vector<16xi32>,
      tpu.vector_store %arg15[%swap3A, %swap3A_318], %get3A_275 {strides = array<i32>} : memref<25x128xi32, #tpu.memory_space<vmem>>, vector<16xi32>,
      %while3A_320 = arith.constant 0 : i32
      scf.yield %while3A_320 : i32
    }
    %while3A_232 = arith.constant 1 : i32
    %while3A_233 = scf.for %while3A_271 = %while3A_229 to %while3A_225 step %while3A_232 iter_args(%while3A_272 = %while3A_231) -> (i32)  : i32 {
      %mul3A_273 = arith.constant 16 : i32
      %mul3A_274 = arith.muli %while3A_271, %mul3A_273 : i32
      %get3A = arith.index_cast %mul3A_274 : i32 to index
      %get3A_275 = tpu.vector_load %arg14[%get3A] {strides = array<i32>} : memref<3392xi32, #tpu.memory_space<vmem>>, vector<16xi32>,
      %jit3A_276 = arith.constant 8 : i32
      %div3A_277 = arith.divsi %while3A_271, %jit3A_276 : i32
      %sign3A_278 = arith.constant 0 : i32
      %sign3A_279 = arith.cmpi sgt, %while3A_271, %sign3A_278 : i32
      %sign3A_280 = arith.extui %sign3A_279 : i1 to i32
      %sign3A_281 = arith.constant 0 : i32
      %sign3A_282 = arith.cmpi slt, %while3A_271, %sign3A_281 : i32
      %sign3A_283 = arith.extui %sign3A_282 : i1 to i32
      %sign3A_284 = arith.subi %sign3A_280, %sign3A_283 : i32
      %sign3A_285 = arith.constant 0 : i32
      %sign3A_286 = arith.cmpi sgt, %jit3A_276, %sign3A_285 : i32
      %sign3A_287 = arith.extui %sign3A_286 : i1 to i32
      %sign3A_288 = arith.constant 0 : i32
      %sign3A_289 = arith.cmpi slt, %jit3A_276, %sign3A_288 : i32
      %sign3A_290 = arith.extui %sign3A_289 : i1 to i32
      %sign3A_291 = arith.subi %sign3A_287, %sign3A_290 : i32
      %ne3A_292 = arith.cmpi ne, %sign3A_284, %sign3A_291 : i32
      %rem3A_293 = arith.remsi %while3A_271, %jit3A_276 : i32
      %ne3A_294 = arith.constant 0 : i32
      %ne3A_295 = arith.cmpi ne, %rem3A_293, %ne3A_294 : i32
      %and3A_296 = arith.andi %ne3A_292, %ne3A_295 : i1
      %sub3A_297 = arith.constant 1 : i32
      %sub3A_298 = arith.subi %div3A_277, %sub3A_297 : i32
      %select_n3A_299 = arith.select %and3A_296, %sub3A_298, %div3A_277 : i32
      %jit3A_300 = arith.constant 8 : i32
      %eq3A_301 = arith.constant 0 : i32
      %eq3A_302 = arith.cmpi eq, %jit3A_300, %eq3A_301 : i32
      %jit3A_303 = arith.constant 1 : i32
      %select_n3A_304 = arith.select %eq3A_302, %jit3A_303, %jit3A_300 : i32
      %rem3A_305 = arith.remsi %while3A_271, %select_n3A_304 : i32
      %ne3A_306 = arith.constant 0 : i32
      %ne3A_307 = arith.cmpi ne, %rem3A_305, %ne3A_306 : i32
      %lt3A_308 = arith.constant 0 : i32
      %lt3A_309 = arith.cmpi slt, %rem3A_305, %lt3A_308 : i32
      %lt3A_310 = arith.constant 0 : i32
      %lt3A_311 = arith.cmpi slt, %select_n3A_304, %lt3A_310 : i32
      %ne3A_312 = arith.xori %lt3A_309, %lt3A_311 : i1
      %and3A_313 = arith.andi %ne3A_312, %ne3A_307 : i1
      %add3A_314 = arith.addi %rem3A_305, %select_n3A_304 : i32
      %select_n3A_315 = arith.select %and3A_313, %add3A_314, %rem3A_305 : i32
      %mul3A_316 = arith.constant 16 : i32
      %mul3A_317 = arith.muli %select_n3A_315, %mul3A_316 : i32
      %swap3A = arith.index_cast %select_n3A_299 : i32 to index
      %swap3A_318 = arith.index_cast %mul3A_317 : i32 to index
      %swap3A_319 = tpu.vector_load %arg15[%swap3A, %swap3A_318] {strides = array<i32>} : memref<25x128xi32, #tpu.memory_space<vmem>>, vector<16xi32>,
      tpu.vector_store %arg15[%swap3A, %swap3A_318], %get3A_275 {strides = array<i32>} : memref<25x128xi32, #tpu.memory_space<vmem>>, vector<16xi32>,
      %while3A_320 = arith.constant 0 : i32
      scf.yield %while3A_320 : i32
    }
    %gt3A_234 = arith.constant 0 : i32
    %gt3A_235 = arith.cmpi sgt, %select_n3A_219, %gt3A_234 : i32
    %convert_element_type3A_236 = arith.extui %gt3A_235 : i1 to i32
    %cond3A_237 = arith.constant 0 : i32
    %cond3A_238 = arith.cmpi ne, %convert_element_type3A_236, %cond3A_237 : i32
    scf.if %cond3A_238 {
      %dma_start3A_271 = arith.constant 0 : i32
      %dma_start3A_272 = tpu.memref_slice %arg13[%dma_start3A_271] : memref<3392xi32, #tpu.memory_space<vmem>> -> memref<128xi32, #tpu.memory_space<vmem>>
      %dma_start3A_273 = arith.constant 0 : i32
      %dma_start3A_274 = arith.constant 0 : i32
      %dma_start3A_275 = tpu.memref_slice %arg3[%dma_start3A_273, %dma_start3A_274] : memref<16384x128xf32, #tpu.memory_space<hbm>> -> memref<16384x128xf32, #tpu.memory_space<hbm>>
      tpu.enqueue_indirect_dma source(%dma_start3A_275 : memref<16384x128xf32, #tpu.memory_space<hbm>>) target(%arg18 : memref<128x128xf32, #tpu.memory_space<vmem>>) offsets(%dma_start3A_272 : memref<128xi32, #tpu.memory_space<vmem>>) semaphore(%arg23 : memref<!tpu.dma_semaphore, #tpu.memory_space<semaphore_mem>>)
    } else {
    }
    %gt3A_239 = arith.constant 1 : i32
    %gt3A_240 = arith.cmpi sgt, %select_n3A_219, %gt3A_239 : i32
    %convert_element_type3A_241 = arith.extui %gt3A_240 : i1 to i32
    %cond3A_242 = arith.constant 0 : i32
    %cond3A_243 = arith.cmpi ne, %convert_element_type3A_241, %cond3A_242 : i32
    scf.if %cond3A_243 {
      %dma_start3A_271 = arith.constant 128 : i32
      %dma_start3A_272 = tpu.memref_slice %arg13[%dma_start3A_271] : memref<3392xi32, #tpu.memory_space<vmem>> -> memref<128xi32, #tpu.memory_space<vmem>>
      %dma_start3A_273 = arith.constant 0 : i32
      %dma_start3A_274 = arith.constant 0 : i32
      %dma_start3A_275 = tpu.memref_slice %arg3[%dma_start3A_273, %dma_start3A_274] : memref<16384x128xf32, #tpu.memory_space<hbm>> -> memref<16384x128xf32, #tpu.memory_space<hbm>>
      tpu.enqueue_indirect_dma source(%dma_start3A_275 : memref<16384x128xf32, #tpu.memory_space<hbm>>) target(%arg19 : memref<128x128xf32, #tpu.memory_space<vmem>>) offsets(%dma_start3A_272 : memref<128xi32, #tpu.memory_space<vmem>>) semaphore(%arg24 : memref<!tpu.dma_semaphore, #tpu.memory_space<semaphore_mem>>)
    } else {
    }
    %add3A_244 = arith.constant 256 : i32
    %add3A_245 = arith.addi %mul3A_99, %add3A_244 : i32
    %dma_wait3A = tpu.memref_slice %arg9[%add3A_245] : memref<16384xi32, #tpu.memory_space<vmem>> -> memref<128xi32, #tpu.memory_space<vmem>>
    %dma_wait3A_246 = arith.constant 0 : i32
    %dma_wait3A_247 = arith.constant 0 : i32
    %dma_wait3A_248 = tpu.memref_slice %arg2[%dma_wait3A_246, %dma_wait3A_247] : memref<100000x128xf32, #tpu.memory_space<hbm>> -> memref<100000x128xf32, #tpu.memory_space<hbm>>
    tpu.wait_indirect_dma semaphore(%arg21 : memref<!tpu.dma_semaphore, #tpu.memory_space<semaphore_mem>>) src(%dma_wait3A_248 : memref<100000x128xf32, #tpu.memory_space<hbm>>) dst(%arg16 : memref<128x128xf32, #tpu.memory_space<vmem>>)
    %add3A_249 = arith.constant 256 : i32
    %add3A_250 = arith.addi %mul3A_99, %add3A_249 : i32
    "tpu.region"() ({
      %run_scoped3A = tpu.sem_alloc : memref<!tpu.dma_semaphore, #tpu.memory_space<semaphore_mem>>
      %dma_start3A_271 = arith.constant 0 : i32
      %dma_start3A_272 = tpu.memref_slice %arg6[%add3A_250, %dma_start3A_271] : memref<16384x128xf32, #tpu.memory_space<hbm>> -> memref<128x128xf32, #tpu.memory_space<hbm>>
      %dma_start3A_273 = arith.constant 0 : i32
      %dma_start3A_274 = tpu.memref_slice %arg6[%add3A_250, %dma_start3A_273] : memref<16384x128xf32, #tpu.memory_space<hbm>> -> memref<128x128xf32, #tpu.memory_space<hbm>>
      tpu.enqueue_dma source(%arg16 : memref<128x128xf32, #tpu.memory_space<vmem>>) target(%dma_start3A_274 : memref<128x128xf32, #tpu.memory_space<hbm>>) target_semaphore(%run_scoped3A : memref<!tpu.dma_semaphore, #tpu.memory_space<semaphore_mem>>)
      %dma_wait3A_275 = arith.constant 0 : i32
      %dma_wait3A_276 = tpu.memref_slice %arg6[%add3A_250, %dma_wait3A_275] : memref<16384x128xf32, #tpu.memory_space<hbm>> -> memref<128x128xf32, #tpu.memory_space<hbm>>
      %dma_wait3A_277 = arith.constant 0 : i32
      %dma_wait3A_278 = tpu.memref_slice %arg6[%add3A_250, %dma_wait3A_277] : memref<16384x128xf32, #tpu.memory_space<hbm>> -> memref<128x128xf32, #tpu.memory_space<hbm>>
      tpu.wait_dma2 semaphore(%run_scoped3A : memref<!tpu.dma_semaphore, #tpu.memory_space<semaphore_mem>>) src(%arg16 : memref<128x128xf32, #tpu.memory_space<vmem>>) dst(%dma_wait3A_278 : memref<128x128xf32, #tpu.memory_space<hbm>>)
      tpu.yield
    }) : () -> ()
    %add3A_251 = arith.constant 384 : i32
    %add3A_252 = arith.addi %mul3A_99, %add3A_251 : i32
    %dma_wait3A_253 = tpu.memref_slice %arg9[%add3A_252] : memref<16384xi32, #tpu.memory_space<vmem>> -> memref<128xi32, #tpu.memory_space<vmem>>
    %dma_wait3A_254 = arith.constant 0 : i32
    %dma_wait3A_255 = arith.constant 0 : i32
    %dma_wait3A_256 = tpu.memref_slice %arg2[%dma_wait3A_254, %dma_wait3A_255] : memref<100000x128xf32, #tpu.memory_space<hbm>> -> memref<100000x128xf32, #tpu.memory_space<hbm>>
    tpu.wait_indirect_dma semaphore(%arg22 : memref<!tpu.dma_semaphore, #tpu.memory_space<semaphore_mem>>) src(%dma_wait3A_256 : memref<100000x128xf32, #tpu.memory_space<hbm>>) dst(%arg17 : memref<128x128xf32, #tpu.memory_space<vmem>>)
    %add3A_257 = arith.constant 384 : i32
    %add3A_258 = arith.addi %mul3A_99, %add3A_257 : i32
    "tpu.region"() ({
      %run_scoped3A = tpu.sem_alloc : memref<!tpu.dma_semaphore, #tpu.memory_space<semaphore_mem>>
      %dma_start3A_271 = arith.constant 0 : i32
      %dma_start3A_272 = tpu.memref_slice %arg6[%add3A_258, %dma_start3A_271] : memref<16384x128xf32, #tpu.memory_space<hbm>> -> memref<128x128xf32, #tpu.memory_space<hbm>>
      %dma_start3A_273 = arith.constant 0 : i32
      %dma_start3A_274 = tpu.memref_slice %arg6[%add3A_258, %dma_start3A_273] : memref<16384x128xf32, #tpu.memory_space<hbm>> -> memref<128x128xf32, #tpu.memory_space<hbm>>
      tpu.enqueue_dma source(%arg17 : memref<128x128xf32, #tpu.memory_space<vmem>>) target(%dma_start3A_274 : memref<128x128xf32, #tpu.memory_space<hbm>>) target_semaphore(%run_scoped3A : memref<!tpu.dma_semaphore, #tpu.memory_space<semaphore_mem>>)
      %dma_wait3A_275 = arith.constant 0 : i32
      %dma_wait3A_276 = tpu.memref_slice %arg6[%add3A_258, %dma_wait3A_275] : memref<16384x128xf32, #tpu.memory_space<hbm>> -> memref<128x128xf32, #tpu.memory_space<hbm>>
      %dma_wait3A_277 = arith.constant 0 : i32
      %dma_wait3A_278 = tpu.memref_slice %arg6[%add3A_258, %dma_wait3A_277] : memref<16384x128xf32, #tpu.memory_space<hbm>> -> memref<128x128xf32, #tpu.memory_space<hbm>>
      tpu.wait_dma2 semaphore(%run_scoped3A : memref<!tpu.dma_semaphore, #tpu.memory_space<semaphore_mem>>) src(%arg17 : memref<128x128xf32, #tpu.memory_space<vmem>>) dst(%dma_wait3A_278 : memref<128x128xf32, #tpu.memory_space<hbm>>)
      tpu.yield
    }) : () -> ()
    %not3A = arith.constant true
    %not3A_259 = arith.xori %eq3A_3, %not3A : i1
    %convert_element_type3A_260 = arith.extui %not3A_259 : i1 to i32
    %cond3A_261 = arith.constant 0 : i32
    %cond3A_262 = arith.cmpi ne, %convert_element_type3A_260, %cond3A_261 : i32
    scf.if %cond3A_262 {
      "tpu.region"() ({
        %run_scoped3A = tpu.sem_alloc : memref<!tpu.dma_semaphore, #tpu.memory_space<semaphore_mem>>
        %dma_start3A_271 = arith.constant 0 : i32
        %dma_start3A_272 = tpu.memref_slice %arg12[%dma_start3A_271] : memref<3136xf32, #tpu.memory_space<vmem>> -> memref<3136xf32, #tpu.memory_space<vmem>>
        %dma_start3A_273 = tpu.memref_slice %arg8[%mul3A_2] : memref<100000xf32, #tpu.memory_space<hbm>> -> memref<3136xf32, #tpu.memory_space<hbm>>
        %dma_start3A_274 = tpu.memref_slice %arg8[%mul3A_2] : memref<100000xf32, #tpu.memory_space<hbm>> -> memref<3136xf32, #tpu.memory_space<hbm>>
        %dma_start3A_275 = arith.constant 0 : i32
        %dma_start3A_276 = tpu.memref_slice %arg12[%dma_start3A_275] : memref<3136xf32, #tpu.memory_space<vmem>> -> memref<3136xf32, #tpu.memory_space<vmem>>
        tpu.enqueue_dma source(%dma_start3A_276 : memref<3136xf32, #tpu.memory_space<vmem>>) target(%dma_start3A_274 : memref<3136xf32, #tpu.memory_space<hbm>>) target_semaphore(%run_scoped3A : memref<!tpu.dma_semaphore, #tpu.memory_space<semaphore_mem>>)
        %dma_wait3A_277 = arith.constant 0 : i32
        %dma_wait3A_278 = tpu.memref_slice %arg12[%dma_wait3A_277] : memref<3136xf32, #tpu.memory_space<vmem>> -> memref<3136xf32, #tpu.memory_space<vmem>>
        %dma_wait3A_279 = tpu.memref_slice %arg8[%mul3A_2] : memref<100000xf32, #tpu.memory_space<hbm>> -> memref<3136xf32, #tpu.memory_space<hbm>>
        %dma_wait3A_280 = tpu.memref_slice %arg8[%mul3A_2] : memref<100000xf32, #tpu.memory_space<hbm>> -> memref<3136xf32, #tpu.memory_space<hbm>>
        %dma_wait3A_281 = arith.constant 0 : i32
        %dma_wait3A_282 = tpu.memref_slice %arg12[%dma_wait3A_281] : memref<3136xf32, #tpu.memory_space<vmem>> -> memref<3136xf32, #tpu.memory_space<vmem>>
        tpu.wait_dma2 semaphore(%run_scoped3A : memref<!tpu.dma_semaphore, #tpu.memory_space<semaphore_mem>>) src(%dma_wait3A_282 : memref<3136xf32, #tpu.memory_space<vmem>>) dst(%dma_wait3A_280 : memref<3136xf32, #tpu.memory_space<hbm>>)
        tpu.yield
      }) : () -> ()
    } else {
    }
    %convert_element_type3A_263 = arith.extui %eq3A_3 : i1 to i32
    %cond3A_264 = arith.constant 0 : i32
    %cond3A_265 = arith.cmpi ne, %convert_element_type3A_263, %cond3A_264 : i32
    scf.if %cond3A_265 {
      "tpu.region"() ({
        %run_scoped3A = tpu.sem_alloc : memref<!tpu.dma_semaphore, #tpu.memory_space<semaphore_mem>>
        %dma_start3A_271 = arith.constant 0 : i32
        %dma_start3A_272 = tpu.memref_slice %arg12[%dma_start3A_271] : memref<3136xf32, #tpu.memory_space<vmem>> -> memref<2784xf32, #tpu.memory_space<vmem>>
        %dma_start3A_273 = tpu.memref_slice %arg8[%mul3A_2] : memref<100000xf32, #tpu.memory_space<hbm>> -> memref<2784xf32, #tpu.memory_space<hbm>>
        %dma_start3A_274 = tpu.memref_slice %arg8[%mul3A_2] : memref<100000xf32, #tpu.memory_space<hbm>> -> memref<2784xf32, #tpu.memory_space<hbm>>
        %dma_start3A_275 = arith.constant 0 : i32
        %dma_start3A_276 = tpu.memref_slice %arg12[%dma_start3A_275] : memref<3136xf32, #tpu.memory_space<vmem>> -> memref<2784xf32, #tpu.memory_space<vmem>>
        tpu.enqueue_dma source(%dma_start3A_276 : memref<2784xf32, #tpu.memory_space<vmem>>) target(%dma_start3A_274 : memref<2784xf32, #tpu.memory_space<hbm>>) target_semaphore(%run_scoped3A : memref<!tpu.dma_semaphore, #tpu.memory_space<semaphore_mem>>)
        %dma_wait3A_277 = arith.constant 0 : i32
        %dma_wait3A_278 = tpu.memref_slice %arg12[%dma_wait3A_277] : memref<3136xf32, #tpu.memory_space<vmem>> -> memref<2784xf32, #tpu.memory_space<vmem>>
        %dma_wait3A_279 = tpu.memref_slice %arg8[%mul3A_2] : memref<100000xf32, #tpu.memory_space<hbm>> -> memref<2784xf32, #tpu.memory_space<hbm>>
        %dma_wait3A_280 = tpu.memref_slice %arg8[%mul3A_2] : memref<100000xf32, #tpu.memory_space<hbm>> -> memref<2784xf32, #tpu.memory_space<hbm>>
        %dma_wait3A_281 = arith.constant 0 : i32
        %dma_wait3A_282 = tpu.memref_slice %arg12[%dma_wait3A_281] : memref<3136xf32, #tpu.memory_space<vmem>> -> memref<2784xf32, #tpu.memory_space<vmem>>
        tpu.wait_dma2 semaphore(%run_scoped3A : memref<!tpu.dma_semaphore, #tpu.memory_space<semaphore_mem>>) src(%dma_wait3A_282 : memref<2784xf32, #tpu.memory_space<vmem>>) dst(%dma_wait3A_280 : memref<2784xf32, #tpu.memory_space<hbm>>)
        tpu.yield
      }) : () -> ()
    } else {
    }
    %gt3A_266 = arith.constant 0 : i32
    %gt3A_267 = arith.cmpi sgt, %select_n3A_219, %gt3A_266 : i32
    %convert_element_type3A_268 = arith.extui %gt3A_267 : i1 to i32
    %cond3A_269 = arith.constant 0 : i32
    %cond3A_270 = arith.cmpi ne, %convert_element_type3A_268, %cond3A_269 : i32
    scf.if %cond3A_270 {
      %while3A_271 = arith.constant 0 : i32
      %while3A_272 = arith.constant 0 : i32
      %while3A_273 = arith.subi %select_n3A_219, %while3A_271 : i32
      %while3A_274 = arith.addi %while3A_271, %while3A_273 : i32
      %while3A_275 = arith.constant 1 : i32
      %while3A_276 = arith.divsi %while3A_273, %while3A_275 : i32
      %while3A_277 = arith.muli %while3A_276, %while3A_275 : i32
      %while3A_278 = arith.addi %while3A_271, %while3A_277 : i32
      %while3A_279 = arith.constant 1 : i32
      %while3A_280 = scf.for %while3A_336 = %while3A_271 to %while3A_278 step %while3A_279 iter_args(%while3A_337 = %while3A_272) -> (i32)  : i32 {
        %jit3A_338 = arith.constant 2 : i32
        %eq3A_339 = arith.constant 0 : i32
        %eq3A_340 = arith.cmpi eq, %jit3A_338, %eq3A_339 : i32
        %jit3A_341 = arith.constant 1 : i32
        %select_n3A_342 = arith.select %eq3A_340, %jit3A_341, %jit3A_338 : i32
        %rem3A_343 = arith.remsi %while3A_336, %select_n3A_342 : i32
        %ne3A_344 = arith.constant 0 : i32
        %ne3A_345 = arith.cmpi ne, %rem3A_343, %ne3A_344 : i32
        %lt3A_346 = arith.constant 0 : i32
        %lt3A_347 = arith.cmpi slt, %rem3A_343, %lt3A_346 : i32
        %lt3A_348 = arith.constant 0 : i32
        %lt3A_349 = arith.cmpi slt, %select_n3A_342, %lt3A_348 : i32
        %ne3A_350 = arith.xori %lt3A_347, %lt3A_349 : i1
        %and3A_351 = arith.andi %ne3A_350, %ne3A_345 : i1
        %add3A_352 = arith.addi %rem3A_343, %select_n3A_342 : i32
        %select_n3A_353 = arith.select %and3A_351, %add3A_352, %rem3A_343 : i32
        %eq3A_354 = arith.constant 0 : i32
        %eq3A_355 = arith.cmpi eq, %select_n3A_353, %eq3A_354 : i32
        %convert_element_type3A_356 = arith.extui %eq3A_355 : i1 to i32
        %cond3A_357 = arith.constant 0 : i32
        %cond3A_358 = arith.cmpi ne, %convert_element_type3A_356, %cond3A_357 : i32
        scf.if %cond3A_358 {
          %mul3A_381 = arith.constant 128 : i32
          %mul3A_382 = arith.muli %while3A_336, %mul3A_381 : i32
          %dma_wait3A_383 = tpu.memref_slice %arg13[%mul3A_382] : memref<3392xi32, #tpu.memory_space<vmem>> -> memref<128xi32, #tpu.memory_space<vmem>>
          %dma_wait3A_384 = arith.constant 0 : i32
          %dma_wait3A_385 = arith.constant 0 : i32
          %dma_wait3A_386 = tpu.memref_slice %arg3[%dma_wait3A_384, %dma_wait3A_385] : memref<16384x128xf32, #tpu.memory_space<hbm>> -> memref<16384x128xf32, #tpu.memory_space<hbm>>
          tpu.wait_indirect_dma semaphore(%arg23 : memref<!tpu.dma_semaphore, #tpu.memory_space<semaphore_mem>>) src(%dma_wait3A_386 : memref<16384x128xf32, #tpu.memory_space<hbm>>) dst(%arg18 : memref<128x128xf32, #tpu.memory_space<vmem>>)
          %dma_start3A_387 = arith.constant 0 : i32
          %dma_start3A_388 = tpu.memref_slice %arg15[%while3A_336, %dma_start3A_387] : memref<25x128xi32, #tpu.memory_space<vmem>> -> memref<1x128xi32, #tpu.memory_space<vmem>>
          %dma_start3A_389 = tpu.memref_squeeze %dma_start3A_388 : memref<1x128xi32, #tpu.memory_space<vmem>> -> memref<128xi32, #tpu.memory_space<vmem>>
          %dma_start3A_390 = arith.constant 0 : i32
          %dma_start3A_391 = arith.constant 0 : i32
          %dma_start3A_392 = tpu.memref_slice %arg7[%dma_start3A_390, %dma_start3A_391] : memref<100000x128xf32, #tpu.memory_space<hbm>> -> memref<100000x128xf32, #tpu.memory_space<hbm>>
          tpu.enqueue_indirect_dma source(%arg18 : memref<128x128xf32, #tpu.memory_space<vmem>>) target(%dma_start3A_392 : memref<100000x128xf32, #tpu.memory_space<hbm>>) offsets(%dma_start3A_389 : memref<128xi32, #tpu.memory_space<vmem>>) semaphore(%arg25 : memref<!tpu.dma_semaphore, #tpu.memory_space<semaphore_mem>>)
          %add3A_393 = arith.constant 2 : i32
          %add3A_394 = arith.addi %while3A_336, %add3A_393 : i32
          %lt3A_395 = arith.cmpi slt, %add3A_394, %select_n3A_219 : i32
          %convert_element_type3A_396 = arith.extui %lt3A_395 : i1 to i32
          %cond3A_397 = arith.constant 0 : i32
          %cond3A_398 = arith.cmpi ne, %convert_element_type3A_396, %cond3A_397 : i32
          scf.if %cond3A_398 {
            %dma_wait3A_399 = arith.constant 0 : i32
            %dma_wait3A_400 = tpu.memref_slice %arg15[%while3A_336, %dma_wait3A_399] : memref<25x128xi32, #tpu.memory_space<vmem>> -> memref<1x128xi32, #tpu.memory_space<vmem>>
            %dma_wait3A_401 = tpu.memref_squeeze %dma_wait3A_400 : memref<1x128xi32, #tpu.memory_space<vmem>> -> memref<128xi32, #tpu.memory_space<vmem>>
            %dma_wait3A_402 = arith.constant 0 : i32
            %dma_wait3A_403 = arith.constant 0 : i32
            %dma_wait3A_404 = tpu.memref_slice %arg7[%dma_wait3A_402, %dma_wait3A_403] : memref<100000x128xf32, #tpu.memory_space<hbm>> -> memref<100000x128xf32, #tpu.memory_space<hbm>>
            tpu.wait_indirect_dma semaphore(%arg25 : memref<!tpu.dma_semaphore, #tpu.memory_space<semaphore_mem>>) src(%arg18 : memref<128x128xf32, #tpu.memory_space<vmem>>) dst(%dma_wait3A_404 : memref<100000x128xf32, #tpu.memory_space<hbm>>)
            %add3A_405 = arith.constant 2 : i32
            %add3A_406 = arith.addi %while3A_336, %add3A_405 : i32
            %mul3A_407 = arith.constant 128 : i32
            %mul3A_408 = arith.muli %add3A_406, %mul3A_407 : i32
            %dma_start3A_409 = tpu.memref_slice %arg13[%mul3A_408] : memref<3392xi32, #tpu.memory_space<vmem>> -> memref<128xi32, #tpu.memory_space<vmem>>
            %dma_start3A_410 = arith.constant 0 : i32
            %dma_start3A_411 = arith.constant 0 : i32
            %dma_start3A_412 = tpu.memref_slice %arg3[%dma_start3A_410, %dma_start3A_411] : memref<16384x128xf32, #tpu.memory_space<hbm>> -> memref<16384x128xf32, #tpu.memory_space<hbm>>
            tpu.enqueue_indirect_dma source(%dma_start3A_412 : memref<16384x128xf32, #tpu.memory_space<hbm>>) target(%arg18 : memref<128x128xf32, #tpu.memory_space<vmem>>) offsets(%dma_start3A_409 : memref<128xi32, #tpu.memory_space<vmem>>) semaphore(%arg23 : memref<!tpu.dma_semaphore, #tpu.memory_space<semaphore_mem>>)
          } else {
          }
        } else {
        }
        %jit3A_359 = arith.constant 2 : i32
        %eq3A_360 = arith.constant 0 : i32
        %eq3A_361 = arith.cmpi eq, %jit3A_359, %eq3A_360 : i32
        %jit3A_362 = arith.constant 1 : i32
        %select_n3A_363 = arith.select %eq3A_361, %jit3A_362, %jit3A_359 : i32
        %rem3A_364 = arith.remsi %while3A_336, %select_n3A_363 : i32
        %ne3A_365 = arith.constant 0 : i32
        %ne3A_366 = arith.cmpi ne, %rem3A_364, %ne3A_365 : i32
        %lt3A_367 = arith.constant 0 : i32
        %lt3A_368 = arith.cmpi slt, %rem3A_364, %lt3A_367 : i32
        %lt3A_369 = arith.constant 0 : i32
        %lt3A_370 = arith.cmpi slt, %select_n3A_363, %lt3A_369 : i32
        %ne3A_371 = arith.xori %lt3A_368, %lt3A_370 : i1
        %and3A_372 = arith.andi %ne3A_371, %ne3A_366 : i1
        %add3A_373 = arith.addi %rem3A_364, %select_n3A_363 : i32
        %select_n3A_374 = arith.select %and3A_372, %add3A_373, %rem3A_364 : i32
        %eq3A_375 = arith.constant 1 : i32
        %eq3A_376 = arith.cmpi eq, %select_n3A_374, %eq3A_375 : i32
        %convert_element_type3A_377 = arith.extui %eq3A_376 : i1 to i32
        %cond3A_378 = arith.constant 0 : i32
        %cond3A_379 = arith.cmpi ne, %convert_element_type3A_377, %cond3A_378 : i32
        scf.if %cond3A_379 {
          %mul3A_381 = arith.constant 128 : i32
          %mul3A_382 = arith.muli %while3A_336, %mul3A_381 : i32
          %dma_wait3A_383 = tpu.memref_slice %arg13[%mul3A_382] : memref<3392xi32, #tpu.memory_space<vmem>> -> memref<128xi32, #tpu.memory_space<vmem>>
          %dma_wait3A_384 = arith.constant 0 : i32
          %dma_wait3A_385 = arith.constant 0 : i32
          %dma_wait3A_386 = tpu.memref_slice %arg3[%dma_wait3A_384, %dma_wait3A_385] : memref<16384x128xf32, #tpu.memory_space<hbm>> -> memref<16384x128xf32, #tpu.memory_space<hbm>>
          tpu.wait_indirect_dma semaphore(%arg24 : memref<!tpu.dma_semaphore, #tpu.memory_space<semaphore_mem>>) src(%dma_wait3A_386 : memref<16384x128xf32, #tpu.memory_space<hbm>>) dst(%arg19 : memref<128x128xf32, #tpu.memory_space<vmem>>)
          %dma_start3A_387 = arith.constant 0 : i32
          %dma_start3A_388 = tpu.memref_slice %arg15[%while3A_336, %dma_start3A_387] : memref<25x128xi32, #tpu.memory_space<vmem>> -> memref<1x128xi32, #tpu.memory_space<vmem>>
          %dma_start3A_389 = tpu.memref_squeeze %dma_start3A_388 : memref<1x128xi32, #tpu.memory_space<vmem>> -> memref<128xi32, #tpu.memory_space<vmem>>
          %dma_start3A_390 = arith.constant 0 : i32
          %dma_start3A_391 = arith.constant 0 : i32
          %dma_start3A_392 = tpu.memref_slice %arg7[%dma_start3A_390, %dma_start3A_391] : memref<100000x128xf32, #tpu.memory_space<hbm>> -> memref<100000x128xf32, #tpu.memory_space<hbm>>
          tpu.enqueue_indirect_dma source(%arg19 : memref<128x128xf32, #tpu.memory_space<vmem>>) target(%dma_start3A_392 : memref<100000x128xf32, #tpu.memory_space<hbm>>) offsets(%dma_start3A_389 : memref<128xi32, #tpu.memory_space<vmem>>) semaphore(%arg26 : memref<!tpu.dma_semaphore, #tpu.memory_space<semaphore_mem>>)
          %add3A_393 = arith.constant 2 : i32
          %add3A_394 = arith.addi %while3A_336, %add3A_393 : i32
          %lt3A_395 = arith.cmpi slt, %add3A_394, %select_n3A_219 : i32
          %convert_element_type3A_396 = arith.extui %lt3A_395 : i1 to i32
          %cond3A_397 = arith.constant 0 : i32
          %cond3A_398 = arith.cmpi ne, %convert_element_type3A_396, %cond3A_397 : i32
          scf.if %cond3A_398 {
            %dma_wait3A_399 = arith.constant 0 : i32
            %dma_wait3A_400 = tpu.memref_slice %arg15[%while3A_336, %dma_wait3A_399] : memref<25x128xi32, #tpu.memory_space<vmem>> -> memref<1x128xi32, #tpu.memory_space<vmem>>
            %dma_wait3A_401 = tpu.memref_squeeze %dma_wait3A_400 : memref<1x128xi32, #tpu.memory_space<vmem>> -> memref<128xi32, #tpu.memory_space<vmem>>
            %dma_wait3A_402 = arith.constant 0 : i32
            %dma_wait3A_403 = arith.constant 0 : i32
            %dma_wait3A_404 = tpu.memref_slice %arg7[%dma_wait3A_402, %dma_wait3A_403] : memref<100000x128xf32, #tpu.memory_space<hbm>> -> memref<100000x128xf32, #tpu.memory_space<hbm>>
            tpu.wait_indirect_dma semaphore(%arg26 : memref<!tpu.dma_semaphore, #tpu.memory_space<semaphore_mem>>) src(%arg19 : memref<128x128xf32, #tpu.memory_space<vmem>>) dst(%dma_wait3A_404 : memref<100000x128xf32, #tpu.memory_space<hbm>>)
            %add3A_405 = arith.constant 2 : i32
            %add3A_406 = arith.addi %while3A_336, %add3A_405 : i32
            %mul3A_407 = arith.constant 128 : i32
            %mul3A_408 = arith.muli %add3A_406, %mul3A_407 : i32
            %dma_start3A_409 = tpu.memref_slice %arg13[%mul3A_408] : memref<3392xi32, #tpu.memory_space<vmem>> -> memref<128xi32, #tpu.memory_space<vmem>>
            %dma_start3A_410 = arith.constant 0 : i32
            %dma_start3A_411 = arith.constant 0 : i32
            %dma_start3A_412 = tpu.memref_slice %arg3[%dma_start3A_410, %dma_start3A_411] : memref<16384x128xf32, #tpu.memory_space<hbm>> -> memref<16384x128xf32, #tpu.memory_space<hbm>>
            tpu.enqueue_indirect_dma source(%dma_start3A_412 : memref<16384x128xf32, #tpu.memory_space<hbm>>) target(%arg19 : memref<128x128xf32, #tpu.memory_space<vmem>>) offsets(%dma_start3A_409 : memref<128xi32, #tpu.memory_space<vmem>>) semaphore(%arg24 : memref<!tpu.dma_semaphore, #tpu.memory_space<semaphore_mem>>)
          } else {
          }
        } else {
        }
        %while3A_380 = arith.constant 0 : i32
        scf.yield %while3A_380 : i32
      }
      %while3A_281 = arith.constant 1 : i32
      %while3A_282 = scf.for %while3A_336 = %while3A_278 to %while3A_274 step %while3A_281 iter_args(%while3A_337 = %while3A_280) -> (i32)  : i32 {
        %jit3A_338 = arith.constant 2 : i32
        %eq3A_339 = arith.constant 0 : i32
        %eq3A_340 = arith.cmpi eq, %jit3A_338, %eq3A_339 : i32
        %jit3A_341 = arith.constant 1 : i32
        %select_n3A_342 = arith.select %eq3A_340, %jit3A_341, %jit3A_338 : i32
        %rem3A_343 = arith.remsi %while3A_336, %select_n3A_342 : i32
        %ne3A_344 = arith.constant 0 : i32
        %ne3A_345 = arith.cmpi ne, %rem3A_343, %ne3A_344 : i32
        %lt3A_346 = arith.constant 0 : i32
        %lt3A_347 = arith.cmpi slt, %rem3A_343, %lt3A_346 : i32
        %lt3A_348 = arith.constant 0 : i32
        %lt3A_349 = arith.cmpi slt, %select_n3A_342, %lt3A_348 : i32
        %ne3A_350 = arith.xori %lt3A_347, %lt3A_349 : i1
        %and3A_351 = arith.andi %ne3A_350, %ne3A_345 : i1
        %add3A_352 = arith.addi %rem3A_343, %select_n3A_342 : i32
        %select_n3A_353 = arith.select %and3A_351, %add3A_352, %rem3A_343 : i32
        %eq3A_354 = arith.constant 0 : i32
        %eq3A_355 = arith.cmpi eq, %select_n3A_353, %eq3A_354 : i32
        %convert_element_type3A_356 = arith.extui %eq3A_355 : i1 to i32
        %cond3A_357 = arith.constant 0 : i32
        %cond3A_358 = arith.cmpi ne, %convert_element_type3A_356, %cond3A_357 : i32
        scf.if %cond3A_358 {
          %mul3A_381 = arith.constant 128 : i32
          %mul3A_382 = arith.muli %while3A_336, %mul3A_381 : i32
          %dma_wait3A_383 = tpu.memref_slice %arg13[%mul3A_382] : memref<3392xi32, #tpu.memory_space<vmem>> -> memref<128xi32, #tpu.memory_space<vmem>>
          %dma_wait3A_384 = arith.constant 0 : i32
          %dma_wait3A_385 = arith.constant 0 : i32
          %dma_wait3A_386 = tpu.memref_slice %arg3[%dma_wait3A_384, %dma_wait3A_385] : memref<16384x128xf32, #tpu.memory_space<hbm>> -> memref<16384x128xf32, #tpu.memory_space<hbm>>
          tpu.wait_indirect_dma semaphore(%arg23 : memref<!tpu.dma_semaphore, #tpu.memory_space<semaphore_mem>>) src(%dma_wait3A_386 : memref<16384x128xf32, #tpu.memory_space<hbm>>) dst(%arg18 : memref<128x128xf32, #tpu.memory_space<vmem>>)
          %dma_start3A_387 = arith.constant 0 : i32
          %dma_start3A_388 = tpu.memref_slice %arg15[%while3A_336, %dma_start3A_387] : memref<25x128xi32, #tpu.memory_space<vmem>> -> memref<1x128xi32, #tpu.memory_space<vmem>>
          %dma_start3A_389 = tpu.memref_squeeze %dma_start3A_388 : memref<1x128xi32, #tpu.memory_space<vmem>> -> memref<128xi32, #tpu.memory_space<vmem>>
          %dma_start3A_390 = arith.constant 0 : i32
          %dma_start3A_391 = arith.constant 0 : i32
          %dma_start3A_392 = tpu.memref_slice %arg7[%dma_start3A_390, %dma_start3A_391] : memref<100000x128xf32, #tpu.memory_space<hbm>> -> memref<100000x128xf32, #tpu.memory_space<hbm>>
          tpu.enqueue_indirect_dma source(%arg18 : memref<128x128xf32, #tpu.memory_space<vmem>>) target(%dma_start3A_392 : memref<100000x128xf32, #tpu.memory_space<hbm>>) offsets(%dma_start3A_389 : memref<128xi32, #tpu.memory_space<vmem>>) semaphore(%arg25 : memref<!tpu.dma_semaphore, #tpu.memory_space<semaphore_mem>>)
          %add3A_393 = arith.constant 2 : i32
          %add3A_394 = arith.addi %while3A_336, %add3A_393 : i32
          %lt3A_395 = arith.cmpi slt, %add3A_394, %select_n3A_219 : i32
          %convert_element_type3A_396 = arith.extui %lt3A_395 : i1 to i32
          %cond3A_397 = arith.constant 0 : i32
          %cond3A_398 = arith.cmpi ne, %convert_element_type3A_396, %cond3A_397 : i32
          scf.if %cond3A_398 {
            %dma_wait3A_399 = arith.constant 0 : i32
            %dma_wait3A_400 = tpu.memref_slice %arg15[%while3A_336, %dma_wait3A_399] : memref<25x128xi32, #tpu.memory_space<vmem>> -> memref<1x128xi32, #tpu.memory_space<vmem>>
            %dma_wait3A_401 = tpu.memref_squeeze %dma_wait3A_400 : memref<1x128xi32, #tpu.memory_space<vmem>> -> memref<128xi32, #tpu.memory_space<vmem>>
            %dma_wait3A_402 = arith.constant 0 : i32
            %dma_wait3A_403 = arith.constant 0 : i32
            %dma_wait3A_404 = tpu.memref_slice %arg7[%dma_wait3A_402, %dma_wait3A_403] : memref<100000x128xf32, #tpu.memory_space<hbm>> -> memref<100000x128xf32, #tpu.memory_space<hbm>>
            tpu.wait_indirect_dma semaphore(%arg25 : memref<!tpu.dma_semaphore, #tpu.memory_space<semaphore_mem>>) src(%arg18 : memref<128x128xf32, #tpu.memory_space<vmem>>) dst(%dma_wait3A_404 : memref<100000x128xf32, #tpu.memory_space<hbm>>)
            %add3A_405 = arith.constant 2 : i32
            %add3A_406 = arith.addi %while3A_336, %add3A_405 : i32
            %mul3A_407 = arith.constant 128 : i32
            %mul3A_408 = arith.muli %add3A_406, %mul3A_407 : i32
            %dma_start3A_409 = tpu.memref_slice %arg13[%mul3A_408] : memref<3392xi32, #tpu.memory_space<vmem>> -> memref<128xi32, #tpu.memory_space<vmem>>
            %dma_start3A_410 = arith.constant 0 : i32
            %dma_start3A_411 = arith.constant 0 : i32
            %dma_start3A_412 = tpu.memref_slice %arg3[%dma_start3A_410, %dma_start3A_411] : memref<16384x128xf32, #tpu.memory_space<hbm>> -> memref<16384x128xf32, #tpu.memory_space<hbm>>
            tpu.enqueue_indirect_dma source(%dma_start3A_412 : memref<16384x128xf32, #tpu.memory_space<hbm>>) target(%arg18 : memref<128x128xf32, #tpu.memory_space<vmem>>) offsets(%dma_start3A_409 : memref<128xi32, #tpu.memory_space<vmem>>) semaphore(%arg23 : memref<!tpu.dma_semaphore, #tpu.memory_space<semaphore_mem>>)
          } else {
          }
        } else {
        }
        %jit3A_359 = arith.constant 2 : i32
        %eq3A_360 = arith.constant 0 : i32
        %eq3A_361 = arith.cmpi eq, %jit3A_359, %eq3A_360 : i32
        %jit3A_362 = arith.constant 1 : i32
        %select_n3A_363 = arith.select %eq3A_361, %jit3A_362, %jit3A_359 : i32
        %rem3A_364 = arith.remsi %while3A_336, %select_n3A_363 : i32
        %ne3A_365 = arith.constant 0 : i32
        %ne3A_366 = arith.cmpi ne, %rem3A_364, %ne3A_365 : i32
        %lt3A_367 = arith.constant 0 : i32
        %lt3A_368 = arith.cmpi slt, %rem3A_364, %lt3A_367 : i32
        %lt3A_369 = arith.constant 0 : i32
        %lt3A_370 = arith.cmpi slt, %select_n3A_363, %lt3A_369 : i32
        %ne3A_371 = arith.xori %lt3A_368, %lt3A_370 : i1
        %and3A_372 = arith.andi %ne3A_371, %ne3A_366 : i1
        %add3A_373 = arith.addi %rem3A_364, %select_n3A_363 : i32
        %select_n3A_374 = arith.select %and3A_372, %add3A_373, %rem3A_364 : i32
        %eq3A_375 = arith.constant 1 : i32
        %eq3A_376 = arith.cmpi eq, %select_n3A_374, %eq3A_375 : i32
        %convert_element_type3A_377 = arith.extui %eq3A_376 : i1 to i32
        %cond3A_378 = arith.constant 0 : i32
        %cond3A_379 = arith.cmpi ne, %convert_element_type3A_377, %cond3A_378 : i32
        scf.if %cond3A_379 {
          %mul3A_381 = arith.constant 128 : i32
          %mul3A_382 = arith.muli %while3A_336, %mul3A_381 : i32
          %dma_wait3A_383 = tpu.memref_slice %arg13[%mul3A_382] : memref<3392xi32, #tpu.memory_space<vmem>> -> memref<128xi32, #tpu.memory_space<vmem>>
          %dma_wait3A_384 = arith.constant 0 : i32
          %dma_wait3A_385 = arith.constant 0 : i32
          %dma_wait3A_386 = tpu.memref_slice %arg3[%dma_wait3A_384, %dma_wait3A_385] : memref<16384x128xf32, #tpu.memory_space<hbm>> -> memref<16384x128xf32, #tpu.memory_space<hbm>>
          tpu.wait_indirect_dma semaphore(%arg24 : memref<!tpu.dma_semaphore, #tpu.memory_space<semaphore_mem>>) src(%dma_wait3A_386 : memref<16384x128xf32, #tpu.memory_space<hbm>>) dst(%arg19 : memref<128x128xf32, #tpu.memory_space<vmem>>)
          %dma_start3A_387 = arith.constant 0 : i32
          %dma_start3A_388 = tpu.memref_slice %arg15[%while3A_336, %dma_start3A_387] : memref<25x128xi32, #tpu.memory_space<vmem>> -> memref<1x128xi32, #tpu.memory_space<vmem>>
          %dma_start3A_389 = tpu.memref_squeeze %dma_start3A_388 : memref<1x128xi32, #tpu.memory_space<vmem>> -> memref<128xi32, #tpu.memory_space<vmem>>
          %dma_start3A_390 = arith.constant 0 : i32
          %dma_start3A_391 = arith.constant 0 : i32
          %dma_start3A_392 = tpu.memref_slice %arg7[%dma_start3A_390, %dma_start3A_391] : memref<100000x128xf32, #tpu.memory_space<hbm>> -> memref<100000x128xf32, #tpu.memory_space<hbm>>
          tpu.enqueue_indirect_dma source(%arg19 : memref<128x128xf32, #tpu.memory_space<vmem>>) target(%dma_start3A_392 : memref<100000x128xf32, #tpu.memory_space<hbm>>) offsets(%dma_start3A_389 : memref<128xi32, #tpu.memory_space<vmem>>) semaphore(%arg26 : memref<!tpu.dma_semaphore, #tpu.memory_space<semaphore_mem>>)
          %add3A_393 = arith.constant 2 : i32
          %add3A_394 = arith.addi %while3A_336, %add3A_393 : i32
          %lt3A_395 = arith.cmpi slt, %add3A_394, %select_n3A_219 : i32
          %convert_element_type3A_396 = arith.extui %lt3A_395 : i1 to i32
          %cond3A_397 = arith.constant 0 : i32
          %cond3A_398 = arith.cmpi ne, %convert_element_type3A_396, %cond3A_397 : i32
          scf.if %cond3A_398 {
            %dma_wait3A_399 = arith.constant 0 : i32
            %dma_wait3A_400 = tpu.memref_slice %arg15[%while3A_336, %dma_wait3A_399] : memref<25x128xi32, #tpu.memory_space<vmem>> -> memref<1x128xi32, #tpu.memory_space<vmem>>
            %dma_wait3A_401 = tpu.memref_squeeze %dma_wait3A_400 : memref<1x128xi32, #tpu.memory_space<vmem>> -> memref<128xi32, #tpu.memory_space<vmem>>
            %dma_wait3A_402 = arith.constant 0 : i32
            %dma_wait3A_403 = arith.constant 0 : i32
            %dma_wait3A_404 = tpu.memref_slice %arg7[%dma_wait3A_402, %dma_wait3A_403] : memref<100000x128xf32, #tpu.memory_space<hbm>> -> memref<100000x128xf32, #tpu.memory_space<hbm>>
            tpu.wait_indirect_dma semaphore(%arg26 : memref<!tpu.dma_semaphore, #tpu.memory_space<semaphore_mem>>) src(%arg19 : memref<128x128xf32, #tpu.memory_space<vmem>>) dst(%dma_wait3A_404 : memref<100000x128xf32, #tpu.memory_space<hbm>>)
            %add3A_405 = arith.constant 2 : i32
            %add3A_406 = arith.addi %while3A_336, %add3A_405 : i32
            %mul3A_407 = arith.constant 128 : i32
            %mul3A_408 = arith.muli %add3A_406, %mul3A_407 : i32
            %dma_start3A_409 = tpu.memref_slice %arg13[%mul3A_408] : memref<3392xi32, #tpu.memory_space<vmem>> -> memref<128xi32, #tpu.memory_space<vmem>>
            %dma_start3A_410 = arith.constant 0 : i32
            %dma_start3A_411 = arith.constant 0 : i32
            %dma_start3A_412 = tpu.memref_slice %arg3[%dma_start3A_410, %dma_start3A_411] : memref<16384x128xf32, #tpu.memory_space<hbm>> -> memref<16384x128xf32, #tpu.memory_space<hbm>>
            tpu.enqueue_indirect_dma source(%dma_start3A_412 : memref<16384x128xf32, #tpu.memory_space<hbm>>) target(%arg19 : memref<128x128xf32, #tpu.memory_space<vmem>>) offsets(%dma_start3A_409 : memref<128xi32, #tpu.memory_space<vmem>>) semaphore(%arg24 : memref<!tpu.dma_semaphore, #tpu.memory_space<semaphore_mem>>)
          } else {
          }
        } else {
        }
        %while3A_380 = arith.constant 0 : i32
        scf.yield %while3A_380 : i32
      }
      %eq3A_283 = arith.constant 1 : i32
      %eq3A_284 = arith.cmpi eq, %select_n3A_219, %eq3A_283 : i32
      %convert_element_type3A_285 = arith.extui %eq3A_284 : i1 to i32
      %cond3A_286 = arith.constant 0 : i32
      %cond3A_287 = arith.cmpi ne, %convert_element_type3A_285, %cond3A_286 : i32
      scf.if %cond3A_287 {
        %dma_wait3A_336 = arith.constant 0 : i32
        %dma_wait3A_337 = arith.constant 0 : i32
        %dma_wait3A_338 = tpu.memref_slice %arg15[%dma_wait3A_336, %dma_wait3A_337] : memref<25x128xi32, #tpu.memory_space<vmem>> -> memref<1x128xi32, #tpu.memory_space<vmem>>
        %dma_wait3A_339 = tpu.memref_squeeze %dma_wait3A_338 : memref<1x128xi32, #tpu.memory_space<vmem>> -> memref<128xi32, #tpu.memory_space<vmem>>
        %dma_wait3A_340 = arith.constant 0 : i32
        %dma_wait3A_341 = arith.constant 0 : i32
        %dma_wait3A_342 = tpu.memref_slice %arg7[%dma_wait3A_340, %dma_wait3A_341] : memref<100000x128xf32, #tpu.memory_space<hbm>> -> memref<100000x128xf32, #tpu.memory_space<hbm>>
        tpu.wait_indirect_dma semaphore(%arg25 : memref<!tpu.dma_semaphore, #tpu.memory_space<semaphore_mem>>) src(%arg18 : memref<128x128xf32, #tpu.memory_space<vmem>>) dst(%dma_wait3A_342 : memref<100000x128xf32, #tpu.memory_space<hbm>>)
      } else {
      }
      %gt3A_288 = arith.constant 1 : i32
      %gt3A_289 = arith.cmpi sgt, %select_n3A_219, %gt3A_288 : i32
      %jit3A_290 = arith.constant 2 : i32
      %eq3A_291 = arith.constant 0 : i32
      %eq3A_292 = arith.cmpi eq, %jit3A_290, %eq3A_291 : i32
      %jit3A_293 = arith.constant 1 : i32
      %select_n3A_294 = arith.select %eq3A_292, %jit3A_293, %jit3A_290 : i32
      %rem3A_295 = arith.remsi %select_n3A_219, %select_n3A_294 : i32
      %ne3A_296 = arith.constant 0 : i32
      %ne3A_297 = arith.cmpi ne, %rem3A_295, %ne3A_296 : i32
      %lt3A_298 = arith.constant 0 : i32
      %lt3A_299 = arith.cmpi slt, %rem3A_295, %lt3A_298 : i32
      %lt3A_300 = arith.constant 0 : i32
      %lt3A_301 = arith.cmpi slt, %select_n3A_294, %lt3A_300 : i32
      %ne3A_302 = arith.xori %lt3A_299, %lt3A_301 : i1
      %and3A_303 = arith.andi %ne3A_302, %ne3A_297 : i1
      %add3A_304 = arith.addi %rem3A_295, %select_n3A_294 : i32
      %select_n3A_305 = arith.select %and3A_303, %add3A_304, %rem3A_295 : i32
      %eq3A_306 = arith.constant 0 : i32
      %eq3A_307 = arith.cmpi eq, %select_n3A_305, %eq3A_306 : i32
      %and3A_308 = arith.andi %gt3A_289, %eq3A_307 : i1
      %convert_element_type3A_309 = arith.extui %and3A_308 : i1 to i32
      %cond3A_310 = arith.constant 0 : i32
      %cond3A_311 = arith.cmpi ne, %convert_element_type3A_309, %cond3A_310 : i32
      scf.if %cond3A_311 {
        %sub3A_336 = arith.constant 2 : i32
        %sub3A_337 = arith.subi %select_n3A_219, %sub3A_336 : i32
        %dma_wait3A_338 = arith.constant 0 : i32
        %dma_wait3A_339 = tpu.memref_slice %arg15[%sub3A_337, %dma_wait3A_338] : memref<25x128xi32, #tpu.memory_space<vmem>> -> memref<1x128xi32, #tpu.memory_space<vmem>>
        %dma_wait3A_340 = tpu.memref_squeeze %dma_wait3A_339 : memref<1x128xi32, #tpu.memory_space<vmem>> -> memref<128xi32, #tpu.memory_space<vmem>>
        %dma_wait3A_341 = arith.constant 0 : i32
        %dma_wait3A_342 = arith.constant 0 : i32
        %dma_wait3A_343 = tpu.memref_slice %arg7[%dma_wait3A_341, %dma_wait3A_342] : memref<100000x128xf32, #tpu.memory_space<hbm>> -> memref<100000x128xf32, #tpu.memory_space<hbm>>
        tpu.wait_indirect_dma semaphore(%arg25 : memref<!tpu.dma_semaphore, #tpu.memory_space<semaphore_mem>>) src(%arg18 : memref<128x128xf32, #tpu.memory_space<vmem>>) dst(%dma_wait3A_343 : memref<100000x128xf32, #tpu.memory_space<hbm>>)
        %sub3A_344 = arith.constant 1 : i32
        %sub3A_345 = arith.subi %select_n3A_219, %sub3A_344 : i32
        %dma_wait3A_346 = arith.constant 0 : i32
        %dma_wait3A_347 = tpu.memref_slice %arg15[%sub3A_345, %dma_wait3A_346] : memref<25x128xi32, #tpu.memory_space<vmem>> -> memref<1x128xi32, #tpu.memory_space<vmem>>
        %dma_wait3A_348 = tpu.memref_squeeze %dma_wait3A_347 : memref<1x128xi32, #tpu.memory_space<vmem>> -> memref<128xi32, #tpu.memory_space<vmem>>
        %dma_wait3A_349 = arith.constant 0 : i32
        %dma_wait3A_350 = arith.constant 0 : i32
        %dma_wait3A_351 = tpu.memref_slice %arg7[%dma_wait3A_349, %dma_wait3A_350] : memref<100000x128xf32, #tpu.memory_space<hbm>> -> memref<100000x128xf32, #tpu.memory_space<hbm>>
        tpu.wait_indirect_dma semaphore(%arg26 : memref<!tpu.dma_semaphore, #tpu.memory_space<semaphore_mem>>) src(%arg19 : memref<128x128xf32, #tpu.memory_space<vmem>>) dst(%dma_wait3A_351 : memref<100000x128xf32, #tpu.memory_space<hbm>>)
      } else {
      }
      %gt3A_312 = arith.constant 1 : i32
      %gt3A_313 = arith.cmpi sgt, %select_n3A_219, %gt3A_312 : i32
      %jit3A_314 = arith.constant 2 : i32
      %eq3A_315 = arith.constant 0 : i32
      %eq3A_316 = arith.cmpi eq, %jit3A_314, %eq3A_315 : i32
      %jit3A_317 = arith.constant 1 : i32
      %select_n3A_318 = arith.select %eq3A_316, %jit3A_317, %jit3A_314 : i32
      %rem3A_319 = arith.remsi %select_n3A_219, %select_n3A_318 : i32
      %ne3A_320 = arith.constant 0 : i32
      %ne3A_321 = arith.cmpi ne, %rem3A_319, %ne3A_320 : i32
      %lt3A_322 = arith.constant 0 : i32
      %lt3A_323 = arith.cmpi slt, %rem3A_319, %lt3A_322 : i32
      %lt3A_324 = arith.constant 0 : i32
      %lt3A_325 = arith.cmpi slt, %select_n3A_318, %lt3A_324 : i32
      %ne3A_326 = arith.xori %lt3A_323, %lt3A_325 : i1
      %and3A_327 = arith.andi %ne3A_326, %ne3A_321 : i1
      %add3A_328 = arith.addi %rem3A_319, %select_n3A_318 : i32
      %select_n3A_329 = arith.select %and3A_327, %add3A_328, %rem3A_319 : i32
      %eq3A_330 = arith.constant 1 : i32
      %eq3A_331 = arith.cmpi eq, %select_n3A_329, %eq3A_330 : i32
      %and3A_332 = arith.andi %gt3A_313, %eq3A_331 : i1
      %convert_element_type3A_333 = arith.extui %and3A_332 : i1 to i32
      %cond3A_334 = arith.constant 0 : i32
      %cond3A_335 = arith.cmpi ne, %convert_element_type3A_333, %cond3A_334 : i32
      scf.if %cond3A_335 {
        %sub3A_336 = arith.constant 2 : i32
        %sub3A_337 = arith.subi %select_n3A_219, %sub3A_336 : i32
        %dma_wait3A_338 = arith.constant 0 : i32
        %dma_wait3A_339 = tpu.memref_slice %arg15[%sub3A_337, %dma_wait3A_338] : memref<25x128xi32, #tpu.memory_space<vmem>> -> memref<1x128xi32, #tpu.memory_space<vmem>>
        %dma_wait3A_340 = tpu.memref_squeeze %dma_wait3A_339 : memref<1x128xi32, #tpu.memory_space<vmem>> -> memref<128xi32, #tpu.memory_space<vmem>>
        %dma_wait3A_341 = arith.constant 0 : i32
        %dma_wait3A_342 = arith.constant 0 : i32
        %dma_wait3A_343 = tpu.memref_slice %arg7[%dma_wait3A_341, %dma_wait3A_342] : memref<100000x128xf32, #tpu.memory_space<hbm>> -> memref<100000x128xf32, #tpu.memory_space<hbm>>
        tpu.wait_indirect_dma semaphore(%arg26 : memref<!tpu.dma_semaphore, #tpu.memory_space<semaphore_mem>>) src(%arg19 : memref<128x128xf32, #tpu.memory_space<vmem>>) dst(%dma_wait3A_343 : memref<100000x128xf32, #tpu.memory_space<hbm>>)
        %sub3A_344 = arith.constant 1 : i32
        %sub3A_345 = arith.subi %select_n3A_219, %sub3A_344 : i32
        %dma_wait3A_346 = arith.constant 0 : i32
        %dma_wait3A_347 = tpu.memref_slice %arg15[%sub3A_345, %dma_wait3A_346] : memref<25x128xi32, #tpu.memory_space<vmem>> -> memref<1x128xi32, #tpu.memory_space<vmem>>
        %dma_wait3A_348 = tpu.memref_squeeze %dma_wait3A_347 : memref<1x128xi32, #tpu.memory_space<vmem>> -> memref<128xi32, #tpu.memory_space<vmem>>
        %dma_wait3A_349 = arith.constant 0 : i32
        %dma_wait3A_350 = arith.constant 0 : i32
        %dma_wait3A_351 = tpu.memref_slice %arg7[%dma_wait3A_349, %dma_wait3A_350] : memref<100000x128xf32, #tpu.memory_space<hbm>> -> memref<100000x128xf32, #tpu.memory_space<hbm>>
        tpu.wait_indirect_dma semaphore(%arg25 : memref<!tpu.dma_semaphore, #tpu.memory_space<semaphore_mem>>) src(%arg18 : memref<128x128xf32, #tpu.memory_space<vmem>>) dst(%dma_wait3A_351 : memref<100000x128xf32, #tpu.memory_space<hbm>>)
      } else {
      }
    } else {
    }
    return
  }
}

</mosaic_0001>

<sc_bundles>
// kernel: kernel.3.cloned.1.call-start
scs
__scs_entry_jumppad:
0x0: {  	(pc) =	sbr.rel $0x88, $3  }
0x1: {  	(tag) =	ssettag $0x0;
	lr =	simm.s32 $0x1  }
0x2: {  	[smem:$0x3F9D] =	sst lr;
	_ =	strace $0xD0000000  }
0x3: {  	_ = 	snop  }
0x4: {  	_ = 	snop  }
0x5: {  	_ = 	snop  }
0x6: {  	_ = 	snop  }
0x7: {  	_ = 	snop  }
__scs_overlays_trampoline_lowered:
0x8: {  	[smem:$0x3FAC] =	sst s0  }
0x9: {  	[smem:$0x3FAD] =	sst s1  }
0xa: {  	[smem:$0x3FAE] =	sst s2  }
0xb: {  	[smem:$0x3FAF] =	sst s3  }
0xc: {  	[smem:$0x3FB0] =	sst s4  }
0xd: {  	[smem:$0x3FB1] =	sst s5  }
0xe: {  	[smem:$0x3FB2] =	sst s6  }
0xf: {  	[smem:$0x3FB3] =	sst s7  }
0x10: {  	[smem:$0x3FB4] =	sst s8  }
0x11: {  	[smem:$0x3FB5] =	sst s9;
	s0 =	simm.s32 @!p0 $0x0  }
0x12: {  	s1 =	sld [smem:$0x3F9B];
	s0 =	simm.s32 @p0 $0x1  }
0x13: {  	[smem:$0x3FB6] =	sst s0;
	s0 =	simm.s32 @!p1 $0x0  }
0x14: {  	s2 =	sld [smem:$0x3F9A];
	s0 =	simm.s32 @p1 $0x1  }
0x15: {  	[smem:$0x3FB7] =	sst s0;
	s0 =	simm.s32 @!p2 $0x0  }
0x16: {  	s3 =	sld [smem:$0x3FDB];
	s0 =	simm.s32 @p2 $0x1  }
0x17: {  	s4 =	simm.s32 $0x1BF5;
	[smem:$0x3FB9] =	sst s0  }
0x18: {  	s0 =	sld [smem:$0x3F9C];
	_ =	swait.ge [sflag:s4], $0x0  }
0x19: {  	s7 =	sld [smem:$0x3F9D]  }
0x1a: {  	s8 =	sadd.s32 $0xFFFFE003, lr  }
0x1b: {  	s9 =	sadd.s32 $0xFFFFFEF7, lr;
	s5 =	simm.s32 $0xFFFFFFFF;
	p2 =	slt.u32 s8, $0xFFFFF086  }
0x1c: {  	p1 =	slt.u32 s9, $0xF7A;
	s5 =	simm.s32 @!p2 $0x0  }
0x1d: {  	s5 =	simm.s32 @p1 $0x1;
	p0 =	seq.s32 s7, s2  }
0x1e: {  	s7 =	smul.u32 @!p0 $0xF7A, s2;
	p2 =	seq.s32 @!p0 s5, $0x0  }
0x1f: {  	s9 =	smul.u32 $0xF7A, s1;
	s8 =	simm.s32 @!p0 $0x1BF5;
	p2 =	por !p2, p0  }
0x20: {  	[sflag:s8] =	ssyncset.s32 @!p0 $0xFFFFF086;
	s6 =	sadd.s32 @!p0 s3, s7;
	s7 =	simm.s32 @!p0 $0x108  }
0x21: {  	s3 =	sadd.s32 s3, s9;
	s6 =	sadd.s32 @!p0 $0x88, s6;
	s7 =	simm.s32 @p2 $0x1082  }
0x22: {  	[simem:s7], [sflag:s8] =	dma.local @!p0 [hbm:s6], $0xF7A  }
0x23: {  	s9 =	sor.u32 $0xD0000000, s2;
	s6 =	simm.s32 $0x108;
	_ =	swait.ge @!p0 [sflag:s8], $0x0  }
0x24: {  	s3 =	sadd.s32 $0x88, s3;
	s6 =	simm.s32 @!p1 $0x1082;
	[sflag:s4] =	ssyncset.s32 $0xFFFFF086  }
0x25: {  	[simem:s6], [sflag:s4] =	dma.local [hbm:s3], $0xF7A  }
0x26: {  	[smem:$0x3F9D] =	sst s1;
	(tag) =	ssettag s2;
	_ =	strace s9  }
0x27: {  	s1 =	sld [smem:$0x3FAD]  }
0x28: {  	s2 =	sld [smem:$0x3FAE]  }
0x29: {  	s4 =	sld [smem:$0x3FB0]  }
0x2a: {  	p0 =	seq.s32 s5, $0x0;
	s5 =	sld [smem:$0x3FB1]  }
0x2b: {  	s6 =	sld [smem:$0x3FB2]  }
0x2c: {  	s7 =	sld [smem:$0x3FB3]  }
0x2d: {  	s3 =	simm.s32 $0x108;
	s8 =	sld [smem:$0x3FB4]  }
0x2e: {  	s3 =	simm.s32 @!p0 $0x1082;
	s9 =	sld [smem:$0x3FB5]  }
0x2f: {  	lr =	sadd.s32 s0, s3;
	s0 =	sld [smem:$0x3FAC]  }
0x30: {  	s3 =	sld [smem:$0x3FAF]  }
0x31: {  	[smem:$0x3FB8] =	sst s10  }
0x32: {  	s10 =	sld [smem:$0x3FB6];
	_ =	sdelay $0x3  }
0x33: {  	p0 =	seq.s32 s10, $0x1;
	s10 =	sld [smem:$0x3FB8];
	_ =	sdelay $0x3  }
0x34: {  	[smem:$0x3FB8] =	sst s10  }
0x35: {  	s10 =	sld [smem:$0x3FB7];
	_ =	sdelay $0x3  }
0x36: {  	p1 =	seq.s32 s10, $0x1;
	s10 =	sld [smem:$0x3FB8];
	_ =	sdelay $0x3  }
0x37: {  	[smem:$0x3FB8] =	sst s10  }
0x38: {  	s10 =	sld [smem:$0x3FB9]  }
0x39: {  	_ = 	snop;
	(pc) =	sbr.ind lr, $3  }
0x3a: {  	_ = 	snop  }
0x3b: {  	_ = 	snop  }
0x3c: {  	p2 =	seq.s32 s10, $0x1;
	s10 =	sld [smem:$0x3FB8]  }
0x3d: {  	_ =	shalt  }
0x3e: {  	_ =	shalt  }
0x3f: {  	_ =	shalt  }
0x40: {  	_ =	shalt  }
0x41: {  	_ =	shalt  }
0x42: {  	_ =	shalt  }
0x43: {  	_ =	shalt  }
0x44: {  	_ =	shalt  }
0x45: {  	_ =	shalt  }
0x46: {  	_ =	shalt  }
0x47: {  	_ =	shalt  }
0x48: {  	_ =	shalt  }
0x49: {  	_ =	shalt  }
0x4a: {  	_ =	shalt  }
0x4b: {  	_ =	shalt  }
0x4c: {  	_ =	shalt  }
0x4d: {  	_ =	shalt  }
0x4e: {  	_ =	shalt  }
0x4f: {  	_ =	shalt  }
0x50: {  	_ =	shalt  }
0x51: {  	_ =	shalt  }
0x52: {  	_ =	shalt  }
0x53: {  	_ =	shalt  }
0x54: {  	_ =	shalt  }
0x55: {  	_ =	shalt  }
0x56: {  	_ =	shalt  }
0x57: {  	_ =	shalt  }
0x58: {  	_ =	shalt  }
0x59: {  	_ =	shalt  }
0x5a: {  	_ =	shalt  }
0x5b: {  	_ =	shalt  }
0x5c: {  	_ =	shalt  }
0x5d: {  	_ =	shalt  }
0x5e: {  	_ =	shalt  }
0x5f: {  	_ =	shalt  }
0x60: {  	_ =	shalt  }
0x61: {  	_ =	shalt  }
0x62: {  	_ =	shalt  }
0x63: {  	_ =	shalt  }
0x64: {  	_ =	shalt  }
0x65: {  	_ =	shalt  }
0x66: {  	_ =	shalt  }
0x67: {  	_ =	shalt  }
0x68: {  	_ =	shalt  }
0x69: {  	_ =	shalt  }
0x6a: {  	_ =	shalt  }
0x6b: {  	_ =	shalt  }
0x6c: {  	_ =	shalt  }
0x6d: {  	_ =	shalt  }
0x6e: {  	_ =	shalt  }
0x6f: {  	_ =	shalt  }
0x70: {  	_ =	shalt  }
0x71: {  	_ =	shalt  }
0x72: {  	_ =	shalt  }
0x73: {  	_ =	shalt  }
0x74: {  	_ =	shalt  }
0x75: {  	_ =	shalt  }
0x76: {  	_ =	shalt  }
0x77: {  	_ =	shalt  }
0x78: {  	_ =	shalt  }
0x79: {  	_ =	shalt  }
0x7a: {  	_ =	shalt  }
0x7b: {  	_ =	shalt  }
0x7c: {  	_ =	shalt  }
0x7d: {  	_ =	shalt  }
0x7e: {  	_ =	shalt  }
0x7f: {  	_ =	shalt  }
0x80: {  	_ =	shalt  }
0x81: {  	_ =	shalt  }
0x82: {  	_ =	shalt  }
0x83: {  	_ =	shalt  }
0x84: {  	_ =	shalt  }
0x85: {  	_ =	shalt  }
0x86: {  	_ =	shalt  }
0x87: {  	_ =	shalt  }
.Lfunc_end0:
.L_simem_size_0:
called_computation_lowered:
.L_overlay_start_0:
0x88: {  	s2 =	sld [smem:$0x3FD9]  }
0x89: {  	s3 =	sld [smem:$0x3FFE];
	_ =	sdelay $0x1  }
0x8a: {  	s1 =	srdreg.scid  }
0x8b: {  	s0 =	sand.u32 $0x1, s1  }
0x8c: {  	s15 =	sshll.u32 s0, $0xA;
	s2 =	sadd.s32 s3, s2  }
0x8d: {  	s2 =	sadd.s32 s2, s15  }
0x8e: {  	[smem:$0x3FC4] =	sst s2  }
0x8f: {  	_ = 	snop  }
0x90: {  	s2 =	sld [smem:$0x3FC9]  }
0x91: {  	s16 =	sld [smem:$0x3FD0]  }
0x92: {  	s4 =	sld [smem:$0x3FC8]  }
0x93: {  	s5 =	sld [smem:$0x3FC7]  }
0x94: {  	s7 =	simm.s32 $0xA;
	s8 =	simm.s32 $0x10;
	s6 =	sld [smem:$0x3FC6]  }
0x95: {  	[smem:s8], [sflag:s7] =	dma.local [hbm:s16], $0x1  }
0x96: {  	_ =	swait.eq [sflag:s7], $0x1  }
0x97: {  	s17 =	sld [smem:$0x10];
	[sflag:s7] =	ssyncset.done $0x0  }
0x98: {  	s18 =	sld [smem:$0x11];
	[sflag:s7] =	ssyncadd.s32 $0xFFFFFFFF  }
0x99: {  	s19 =	sld [smem:$0x12];
	(tm) =	ssettm $0x1  }
0x9a: {  	s9 =	sld [smem:$0x3FFB];
	_ =	sdelay $0x3  }
0x9b: {  	_ =	strace s9  }
0x9c: {  	s9 =	sld [smem:$0x3FFC];
	_ =	sdelay $0x3  }
0x9d: {  	_ =	strace s9  }
0x9e: {  	s9 =	sld [smem:$0x3FFD];
	_ =	sdelay $0x3  }
0x9f: {  	_ =	strace s9  }
0xa0: {  	_ =	strace $0x8FFFFFFF  }
0xa1: {  	s20 =	sld [smem:$0x3FDB];
	_ =	sdelay $0x1  }
0xa2: {  	s10 =	simm.s32 $_scs_section_size  }
0xa3: {  	s11 =	simm.s32 $_size__tile_overlayer_lowered;
	s12 =	simm.s32 $_tile_overlayer_lowered  }
0xa4: {  	s23 =	simm.s32 $0x1BFF;
	s22 =	sshll.u32 s12, $0x1;
	s9 =	sadd.s32 s10, s20  }
0xa5: {  	s13 =	simm.s32 $0x0;
	s21 =	sshll.u32 s11, $0x1;
	s11 =	sadd.s32 s22, s9  }
0xa6: {  	[timem:s13], [sflag:s23] =	dma.local [hbm:s11], s21  }
0xa7: {  	_ =	swait.ge [sflag:s23], s21  }
0xa8: {  	s10 =	ssub.s32 $0x0, s21;
	[sflag:s23] =	ssyncset.done $0x0  }
0xa9: {  	[sflag:s23] =	ssyncadd.s32 s10;
	_ =	sdelay $0x1  }
0xaa: {  	s24 =	simm.s32 $0x1B8B  }
0xab: {  	_ =	swait.ge [sflag:s24], $0x1  }
0xac: {  	[sflag:s24] =	ssyncset.done $0x0  }
0xad: {  	s25 =	simm.s32 $0x1B8E;
	[sflag:s24] =	ssyncadd.s32 $0xFFFFFFFF  }
0xae: {  	s26 =	simm.s32 $execute0_lowered;
	[smem:$0x3FD2] =	sst s25  }
0xaf: {  	s10 =	sshll.u32 s26, $0x1;
	_ =	strace $0x80000046;
	[dreg:$0x1] =	wrdreg $0xFFFFFFFF  }
0xb0: {  	s28 =	simm.s32 $_size_execute0_lowered;
	s9 =	sadd.s32 s9, s10;
	[dreg:$0x0] =	wrdreg $0x0  }
0xb1: {  	s10 =	sshll.u32 s28, $0x1;
	[dreg:$0x2] =	wrdreg s9  }
0xb2: {  	[dreg:$0x3] =	wrdreg s10  }
0xb3: {  	[dreg:$0x4] =	wrdreg $0xC0  }
0xb4: {  	_ =	task [dreg:s13], $0x5FFFF  }
0xb5: {  	[dreg:$0x1] =	wrdreg $0xFFFFFFFF  }
0xb6: {  	[dreg:$0x0] =	wrdreg $0x60  }
0xb7: {  	[dreg:$0x2] =	wrdreg s2  }
0xb8: {  	[dreg:$0x3] =	wrdreg s4  }
0xb9: {  	[dreg:$0x4] =	wrdreg s5  }
0xba: {  	[dreg:$0x5] =	wrdreg s6  }
0xbb: {  	[dreg:$0x6] =	wrdreg s17  }
0xbc: {  	[dreg:$0x7] =	wrdreg s18  }
0xbd: {  	[dreg:$0x8] =	wrdreg s19  }
0xbe: {  	[dreg:$0x9] =	wrdreg $0x9  }
0xbf: {  	_ =	task.clear_ibuf [dreg:s13], $0xAFFFF;
	_ =	strace $0x90000046  }
0xc0: {  	s29 =	simm.s32 $0x9;
	_ =	strace $0x80000048  }
0xc1: {  	_ =	swait.ge [sflag:s29], $0x1  }
0xc2: {  	[sflag:s29] =	ssyncadd.s32 $0xFFFFFFFF  }
0xc3: {  	_ =	strace $0x90000048  }
0xc4: {  	_ =	sfence  }
0xc5: {  	s30 =	sld [smem:$0x0];
	_ =	sdelay $0x2  }
0xc6: {  	s31 =	sshll.u32 s1, $0xD;
	s1 =	sshrl.u32 s1, $0x2  }
0xc7: {  	s3 =	sand.u32 $0x4000, s31;
	s1 =	sadd.s32 s1, s30  }
0xc8: {  	s0 =	sor.u32 s3, s0;
	s1 =	sshll.u32 s1, $0x11  }
0xc9: {  	s0 =	sor.u32 s1, s0  }
0xca: {  	s0 =	sadd.s32 $0x8F2B, s0  }
0xcb: {  	[sflag:s0] =	ssyncadd.remote.s32 $0x1  }
0xcc: {  	_ =	sfence.sel $0xFFFF  }
0xcd: {  	[dreg:$0x0] =	wrdreg $0xFFFFFFFF;
	(pc) =	sbr.abs _section_cstart, $3  }
0xce: {  	[dreg:$0x1] =	wrdreg $0xFFFFFFFF  }
0xcf: {  	_ =	task.clear_ibuf [dreg:s13], $0x2FFFF;
	_ =	strace $0x9FFFFFFF  }
0xd0: {  	(tm) =	ssettm $0x7FFFFFFF  }
0xd1: {  	_ =	shalt  }
tec
execute0_lowered:
.L_overlay_start_1:
0x0: {  	(tag) =	ssettag $0x1  }
0x1: {  	s0 =	rddreg [dreg:$0x0]  }
0x2: {  	s1 =	rddreg [dreg:$0x4]  }
0x3: {  	s6 =	rddreg [dreg:$0x5]  }
0x4: {  	s3 =	rddreg [dreg:$0x6];
	s4 =	srdreg.scid  }
0x5: {  	s2 =	stileid.u32;
	s7 =	simm.s32 $0x0;
	s10 =	simm.s32 $0xAE0  }
0x6: {  	s4 =	sand.u32 $0x1, s4;
	s5 =	sshll.u32 s2, $0x1;
	[smem:$0x7FF] =	sst s7  }
0x7: {  	s18 =	smul.u32 $0x1880, s2;
	s24 =	sadd.s32 $0x2F78, s3;
	s2 =	simm.s32 $0x7  }
0x8: {  	s5 =	sor.u32 s4, s5;
	s8 =	ssub.s32 $0x2, s4;
	_ =	strace $0x80000047  }
0x9: {  	s4 =	smul.u32 $0xC40, s4;
	[dreg:$0xe] =	wrdreg s24;
	s24 =	simm.s32 $0x80  }
0xa: {  	p0 =	seq.s32 s5, $0x1F;
	s9 =	sshrl.u32 s8, $0x1;
	s14 =	smul.u32 $0xC40, s5  }
0xb: {  	s19 =	sshll.u32 s5, $0x9;
	s15 =	smul.u32 $0xC400, s5;
	s16 =	sshll.u32 s5, $0xD  }
0xc: {  	s10 =	simm.s32 @!p0 $0xC40;
	s11 =	ssub.s32 s8, s9;
	s17 =	sor.u32 $0x80, s19  }
0xd: {  	s20 =	sadd.s32 s1, s16;
	s26 =	sadd.s32 s4, s18;
	[dreg:$0x9] =	wrdreg s19  }
0xe: {  	s28 =	sor.u32 $0x180, s19;
	s4 =	simm.s32 $0x0;
	s8 =	sshrl.u32 s10, $0x4  }
0xf: {  	s9 =	sshrl.u32 s10, $0x7;
	s13 =	sand.u32 $0xE80, s10;
	s12 =	sshrl.u32 s10, $0x5  }
0x10: {  	s15 =	sadd.s32 s0, s15;
	[dreg:$0xa] =	wrdreg s17;
	s21 =	sshll.u32 s17, $0x4  }
0x11: {  	s23 =	sshrl.u32 s14, $0x3;
	s17 =	smul.u32 $0x62000, s5;
	[dreg:$0x10] =	wrdreg s26  }
0x12: {  	s25 =	smax.u32 s11, $0x1;
	s30 =	sadd.s32 $0x1000, s20;
	[dreg:$0xb] =	wrdreg s15  }
0x13: {  	s16 =	smov.u32 s20;
	s31 =	sadd.s32 $0x1800, s20;
	[dreg:$0xf] =	wrdreg s25  }
0x14: {  	s5 =	simm.s32 $0x14400;
	s20 =	simm.s32 $0x8000;
	[dreg:$0x14] =	wrdreg s30  }
0x15: {  	s12 =	sand.u32 $0x3, s12;
	s1 =	sadd.s32 s1, s21;
	[dreg:$0x15] =	wrdreg s31  }
0x16: {  	s22 =	sand.u32 $0x1, s9;
	s25 =	sor.u32 $0x100, s19;
	[dreg:$0x8] =	wrdreg s12  }
0x17: {  	s12 =	sshrl.u32 s10, $0x8;
	[dreg:$0xc] =	wrdreg s1;
	p1 =	seq.s32 s22, $0x1  }
0x18: {  	s10 =	sadd.s32 s14, s10;
	s1 =	sadd.s32 s3, s23;
	s3 =	simm.s32 $0x6  }
.Ltmp0:
0x19: {  	s23 =	simm.s32 $0x8;
	[dreg:$0xd] =	wrdreg s1;
	(pc) =	sbr.rel .LBB2_1-.Ltmp0, $4  }
0x1a: {  	s1 =	sadd.s32 s13, s26;
	s2 =	simm.s32 @!p1 $0x6;
	s3 =	simm.s32 @!p1 $0x7  }
0x1b: {  	s26 =	sadd.s32 $0x3, s12;
	s29 =	ssub.s32 s9, s12;
	[dreg:$0x11] =	wrdreg s2  }
0x1c: {  	v2 =	vimm.s32 $0xFFFFFFFF;
	v3 =	vlaneseq.u32;
	s13 =	simm.s32 $0x4;
	[dreg:$0x12] =	wrdreg s3;
	s22 =	sshll.u32 s1, $0x7  }
0x1d: {  	v4 =	vimm.s32 $0x0;
	v0 =	vmov s14;
	v1 =	vmov s10;
	s1 =	simm.s32 $0x6;
	s3 =	simm.s32 $0x4000;
	[dreg:$0x13] =	wrdreg s22  }
.LBB2_32:
0x1e: {  	_ =	swait.ge [sflag:s4], $0x4000  }
0x1f: {  	[sflag:s4] =	ssyncset.done $0x0  }
0x20: {  	[sflag:s4] =	ssyncadd.s32 $0xFFFFC000  }
.LBB2_33:
0x21: {  	s2 =	sand.u32 $0x1, s10  }
0x22: {  	p2 =	seq.s32 s2, $0x1  }
0x23: {  	p1 =	por !p1, !p2  }
0x24: {  	p1 =	por !p1, !p1  }
0x25: {  	s2 =	simm.s32 @p1 $0x7  }
0x26: {  	_ =	swait.ge @p1 [sflag:s2], $0x4000  }
0x27: {  	[sflag:s2] =	ssyncset.done @p1 $0x0  }
0x28: {  	[sflag:s2] =	ssyncadd.s32 @p1 $0xFFFFC000;
	s2 =	simm.s32 @p1 $0x6  }
0x29: {  	_ =	swait.ge @p1 [sflag:s2], $0x4000  }
0x2a: {  	[sflag:s2] =	ssyncset.done @p1 $0x0  }
0x2b: {  	s4 =	rddreg [dreg:$0x16];
	[sflag:s2] =	ssyncadd.s32 @p1 $0xFFFFC000  }
.LBB2_34:
0x2c: {  	s4 =	sadd.s32 $0x1, s4;
	s2 =	rddreg [dreg:$0xf]  }
0x2d: {  	p1 =	sne.s32 s4, s2  }
.Ltmp1:
0x2e: {  	_ = 	snop;
	(pc) =	sbr.rel @!p1 .LBB2_35-.Ltmp1, $1  }
0x2f: {  	_ =	sdelay $0x3  }
.LBB2_1:
0x30: {  	[dreg:$0x16] =	wrdreg s4  }
0x31: {  	s2 =	rddreg [dreg:$0xb]  }
0x32: {  	[tilespmem:s5], [sflag:$0x4] =	stream.linear.gather [hbm4b:s2+s7], $0x4000, $0x38;
	[tilespmem:$0x1C400] =	vst v63  }
0x33: {  	s19 =	rddreg [dreg:$0x2]  }
0x34: {  	[tilespmem:s3], [sflag:$0x1] =	stream.linear.gather [hbm4b:s19+s7], $0x4000, $0x38;
	[tilespmem:$0x1C400] =	vst v63  }
0x35: {  	s21 =	rddreg [dreg:$0x3]  }
0x36: {  	[tilespmem:s7], [sflag:$0x8] =	stream.linear.gather [hbm4b:s21+s7], $0x4000, $0x38;
	[tilespmem:$0x1C400] =	vst v63  }
0x37: {  	_ =	swait.ge [sflag:s23], $0x4000  }
0x38: {  	[sflag:s23] =	ssyncset.done $0x0  }
0x39: {  	s22 =	rddreg [dreg:$0x9];
	[sflag:s23] =	ssyncadd.s32 $0xFFFFC000;
	s23 =	simm.s32 $0xC400  }
0x3a: {  	[tilespmem:s23], [sflag:$0x2] =	stream.indirect.gather [hbm4b:s0+s24], $0x80, s22, s24, $0xb8;
	[tilespmem:$0x1C400] =	vst v63  }
0x3b: {  	s31 =	simm.s32 $0x10400;
	s4 =	simm.s32 $0x0;
	s30 =	rddreg [dreg:$0xa]  }
0x3c: {  	[tilespmem:s31], [sflag:$0x3] =	stream.indirect.gather [hbm4b:s0+s24], $0x80, s30, s24, $0xb8;
	[tilespmem:$0x1C400] =	vst v63  }
.LBB2_2:
0x3d: {  	p1 =	sne.s32 s4, $0x30C0  }
.Ltmp2:
0x3e: {  	_ = 	snop;
	(pc) =	sbr.rel @p1 .LBB2_2-.Ltmp2, $3  }
0x3f: {  	_ =	sdelay $0x1  }
0x40: {  	s10 =	sshra.s32 s4, $0x2  }
0x41: {  	s4 =	sadd.s32 $0x40, s4;
	[tilespmem:s10+$0x8000] =	vst v2  }
.Ltmp3:
0x42: {  	(pc) =	sbr.rel .LBB2_4-.Ltmp3, $2  }
0x43: {  	_ =	sdelay $0x2  }
0x44: {  	s19 =	simm.s32 $0x0;
	s18 =	simm.s32 $0x0  }
.LBB2_11:
0x45: {  	_ =	sdelay $0x2  }
0x46: {  	s2 =	spop (v2sf)  }
0x47: {  	s18 =	sadd.s32 s18, s2  }
.LBB2_12:
0x48: {  	p1 =	sne.s32 s10, $0x0  }
0x49: {  	s2 =	sshll.u32 s19, $0xE;
	s4 =	simm.s32 @p1 $0x5  }
0x4a: {  	s2 =	sadd.s32 s17, s2;
	_ =	swait.ge @p1 [sflag:s4], $0x4000  }
0x4b: {  	s10 =	simm.s32 @p1 $0x18400;
	s2 =	sshrl.u32 s2, $0x3;
	[sflag:s4] =	ssyncset.done @p1 $0x0  }
0x4c: {  	s2 =	sadd.s32 s6, s2;
	[sflag:s4] =	ssyncadd.s32 @p1 $0xFFFFC000;
	s4 =	simm.s32 @p1 $0x0  }
0x4d: {  	[hbm4b:s2+s4] =	stream.linear.scatter @p1 [tilespmem:s10], [sflag:$0x7], $0x4000, $0x38;
	[tilespmem:$0x1C400] =	vst v63  }
0x4e: {  	s4 =	simm.s32 @!p1 $0x4  }
0x4f: {  	_ =	swait.ge @!p1 [sflag:s4], $0x4000  }
0x50: {  	[sflag:s4] =	ssyncset.done @!p1 $0x0  }
0x51: {  	s10 =	simm.s32 @!p1 $0x14400;
	[sflag:s4] =	ssyncadd.s32 @!p1 $0xFFFFC000;
	s4 =	simm.s32 @!p1 $0x0  }
0x52: {  	[hbm4b:s2+s4] =	stream.linear.scatter @!p1 [tilespmem:s10], [sflag:$0x6], $0x4000, $0x38;
	[tilespmem:$0x1C400] =	vst v63  }
0x53: {  	p1 =	sne.s32 s24, s9  }
.Ltmp4:
0x54: {  	_ = 	snop;
	(pc) =	sbr.rel @!p1 .LBB2_13-.Ltmp4, $2  }
0x55: {  	_ =	sdelay $0x2  }
0x56: {  	s19 =	smov.u32 s24  }
.LBB2_4:
0x57: {  	s10 =	sand.u32 $0x1, s19  }
0x58: {  	p2 =	seq.s32 s10, $0x1  }
0x59: {  	s4 =	sadd.s32 @p2 $0x1, s19  }
0x5a: {  	p1 =	sge.u32 @p2 s4, s9  }
0x5b: {  	p1 =	por p1, !p2  }
0x5c: {  	s14 =	simm.s32 @!p1 $0x6;
	s4 =	sshll.u32 @!p1 s4, $0xE  }
0x5d: {  	_ =	swait.ge @!p1 [sflag:s14], $0x4000;
	s4 =	sadd.s32 @!p1 s17, s4  }
0x5e: {  	s22 =	simm.s32 @!p1 $0x14400;
	[sflag:s14] =	ssyncset.done @!p1 $0x0;
	s4 =	sshrl.u32 @!p1 s4, $0x3  }
0x5f: {  	[sflag:s14] =	ssyncadd.s32 @!p1 $0xFFFFC000;
	s4 =	sadd.s32 @!p1 s0, s4;
	s14 =	simm.s32 @!p1 $0x0  }
0x60: {  	[tilespmem:s22], [sflag:$0x4] =	stream.linear.gather @!p1 [hbm4b:s4+s14], $0x4000, $0x38;
	[tilespmem:$0x1C400] =	vst v63  }
0x61: {  	s4 =	sor.u32 @!p2 $0x1, s19  }
0x62: {  	p3 =	sge.u32 @!p2 s4, s9  }
0x63: {  	p1 =	por p3, p2  }
0x64: {  	p4 =	seq.s32 @!p1 s19, $0x0  }
0x65: {  	p3 =	por @!p2 p4, p3  }
0x66: {  	s14 =	smov.u32 s12;
	p2 =	por p3, p2;
	p3 =	slt.s32 s19, s12  }
0x67: {  	s22 =	simm.s32 @!p2 $0x7;
	s14 =	smov.u32 @p3 s19  }
0x68: {  	_ =	swait.ge @!p2 [sflag:s22], $0x4000;
	s14 =	sshll.u32 s14, $0xA  }
0x69: {  	(drf) =	sdivrem.u32 s14, s12;
	_ =	sdelay $0x1  }
0x6a: {  	s24 =	sadd.s32 $0x1, s19  }
0x6b: {  	s4 =	sshll.u32 @!p1 s4, $0xE;
	p3 =	slt.s32 s24, s12;
	s14 =	smov.u32 s12  }
0x6c: {  	s4 =	sadd.s32 @!p1 s17, s4;
	s14 =	smov.u32 @p3 s24  }
0x6d: {  	s4 =	sshrl.u32 @!p1 s4, $0x3;
	s14 =	sshll.u32 s14, $0xA  }
0x6e: {  	s4 =	sadd.s32 @!p1 s0, s4;
	[sflag:s22] =	ssyncset.done @!p2 $0x0;
	(drf) =	sdiv.u32 s14, s12  }
0x6f: {  	[sflag:s22] =	ssyncadd.s32 @!p2 $0xFFFFC000;
	s22 =	simm.s32 @!p1 $0x18400;
	s14 =	simm.s32 @!p1 $0x0  }
0x70: {  	[tilespmem:s22], [sflag:$0x5] =	stream.linear.gather @!p1 [hbm4b:s4+s14], $0x4000, $0x38;
	[tilespmem:$0x1C400] =	vst v63  }
0x71: {  	s30 =	spop (drf)  }
0x72: {  	s31 =	spop (drf)  }
0x73: {  	p5 =	seq.s32 s19, $0x0;
	p6 =	sne.s32 s31, $0x0  }
0x74: {  	p1 =	por !p5, !p6  }
0x75: {  	s14 =	simm.s32 $0x1;
	p1 =	por !p1, !p1  }
0x76: {  	s14 =	simm.s32 @!p1 $0x0  }
0x77: {  	s4 =	spop (drf);
	s14 =	ssub.s32 s30, s14  }
0x78: {  	p1 =	sge.s32 s14, s4  }
.Ltmp5:
0x79: {  	_ = 	snop;
	(pc) =	sbr.rel @p1 .LBB2_8-.Ltmp5, $1  }
0x7a: {  	_ =	sdelay $0x3  }
0x7b: {  	s22 =	sshll.u32 s14, $0x4  }
0x7c: {  	v5 =	vld [tilespmem:s22+$0x0];
	_ =	sdelay $0x4  }
0x7d: {  	s14 =	sadd.s32 $0x1, s14;
	vm0 =	vge.s32 v5, v0;
	vm1 =	vlt.s32 v5, v1  }
0x7e: {  	p1 =	slt.u32 s14, s4;
	vm0 =	vmand vm0, vm1  }
.Ltmp6:
0x7f: {  	v5 =	vsub.s32 v5, v0;
	(pc) =	sbr.rel @!p1 .LBB2_7-.Ltmp6, $2  }
0x80: {  	_ =	sdelay $0x2  }
0x81: {  	v6 =	vor.u32 s22, v3  }
.LBB2_6:
0x82: {  	s22 =	sshll.u32 s14, $0x4;
	s14 =	sadd.s32 $0x1, s14;
	[tilespmem:v5+s20+$0x0] =	vst.idx.msk vm0, v6  }
0x83: {  	v5 =	vld [tilespmem:s22+$0x0];
	p1 =	slt.u32 s14, s4;
	_ =	sdelay $0x4  }
0x84: {  	vm0 =	vge.s32 v5, v0;
	vm1 =	vlt.s32 v5, v1  }
0x85: {  	vm0 =	vmand vm0, vm1  }
.Ltmp7:
0x86: {  	v5 =	vsub.s32 v5, v0;
	(pc) =	sbr.rel @p1 .LBB2_6-.Ltmp7, $2  }
0x87: {  	_ =	sdelay $0x2  }
0x88: {  	v6 =	vor.u32 s22, v3  }
.LBB2_7:
0x89: {  	_ =	sdelay $0x4  }
0x8a: {  	[tilespmem:v5+s20+$0x0] =	vst.idx.msk vm0, v6  }
.LBB2_8:
0x8b: {  	p1 =	sne.s32 s19, s12  }
0x8c: {  	s4 =	simm.s32 @!p1 $0x1  }
0x8d: {  	_ =	swait.ge @!p1 [sflag:s4], $0x4000  }
0x8e: {  	[sflag:s4] =	ssyncset.done @!p1 $0x0  }
0x8f: {  	[sflag:s4] =	ssyncadd.s32 @!p1 $0xFFFFC000;
	s4 =	simm.s32 @!p1 $0x2  }
0x90: {  	_ =	swait.ge @!p1 [sflag:s4], $0x4000  }
0x91: {  	[sflag:s4] =	ssyncset.done @!p1 $0x0  }
0x92: {  	s14 =	simm.s32 @!p1 $0xC400;
	[sflag:s4] =	ssyncadd.s32 @!p1 $0xFFFFC000;
	s4 =	simm.s32 @!p1 $0x0  }
0x93: {  	[hbm4b:s16+s4] =	stream.linear.scatter @!p1 [tilespmem:s14], [sflag:$0x8], $0x4000, $0x38;
	[tilespmem:$0x1C400] =	vst v63  }
0x94: {  	s4 =	simm.s32 @!p1 $0x8  }
0x95: {  	_ =	swait.ge @!p1 [sflag:s4], $0x4000  }
0x96: {  	[sflag:s4] =	ssyncset.done @!p1 $0x0  }
0x97: {  	[sflag:s4] =	ssyncadd.s32 @!p1 $0xFFFFC000;
	s4 =	simm.s32 @!p1 $0x80  }
0x98: {  	[tilespmem:s14], [sflag:$0x2] =	stream.indirect.gather @!p1 [hbm4b:s0+s4], $0x80, s25, s4, $0xb8;
	[tilespmem:$0x1C400] =	vst v63  }
0x99: {  	p1 =	sne.s32 s19, s26  }
0x9a: {  	s4 =	simm.s32 @!p1 $0x3  }
0x9b: {  	_ =	swait.ge @!p1 [sflag:s4], $0x4000  }
0x9c: {  	s14 =	simm.s32 @!p1 $0x10400;
	[sflag:s4] =	ssyncset.done @!p1 $0x0  }
0x9d: {  	s2 =	rddreg [dreg:$0xc];
	[sflag:s4] =	ssyncadd.s32 @!p1 $0xFFFFC000;
	s4 =	simm.s32 @!p1 $0x0  }
0x9e: {  	[hbm4b:s2+s4] =	stream.linear.scatter @!p1 [tilespmem:s14], [sflag:$0x8], $0x4000, $0x38;
	[tilespmem:$0x1C400] =	vst v63  }
0x9f: {  	p2 =	sgt.s32 s19, s12;
	s4 =	smov.u32 s12  }
0xa0: {  	s22 =	smov.u32 s12;
	s4 =	smov.u32 @p2 s19;
	p2 =	sgt.s32 s24, s12  }
0xa1: {  	s4 =	ssub.s32 s4, s12;
	s22 =	smov.u32 @p2 s24  }
0xa2: {  	s11 =	sshra.s32 s29, $0x1F;
	s4 =	smul.u32 s8, s4;
	s22 =	ssub.s32 s22, s12  }
0xa3: {  	s30 =	sxor.u32 s11, s29;
	s22 =	smul.u32 s8, s22  }
0xa4: {  	s30 =	ssub.s32 s30, s11;
	s31 =	sshra.s32 s4, $0x1F  }
0xa5: {  	s23 =	simm.s32 @!p1 $0x8;
	s15 =	sxor.u32 s31, s4;
	s21 =	sshra.s32 s22, $0x1F  }
0xa6: {  	_ =	swait.ge @!p1 [sflag:s23], $0x4000;
	s2 =	ssub.s32 s15, s31;
	s15 =	sxor.u32 s21, s22  }
0xa7: {  	(drf) =	sdiv.u32 s2, s30;
	s15 =	ssub.s32 s15, s21  }
0xa8: {  	(drf) =	sdiv.u32 s15, s30;
	_ =	sdelay $0x4  }
0xa9: {  	[sflag:s23] =	ssyncset.done @!p1 $0x0  }
0xaa: {  	[sflag:s23] =	ssyncadd.s32 @!p1 $0xFFFFC000;
	s2 =	simm.s32 @!p1 $0x80  }
0xab: {  	[tilespmem:s14], [sflag:$0x3] =	stream.indirect.gather @!p1 [hbm4b:s0+s2], $0x80, s28, s2, $0xb8;
	[tilespmem:$0x1C400] =	vst v63  }
0xac: {  	s15 =	sxor.u32 s11, s31;
	s14 =	spop (drf)  }
0xad: {  	s11 =	sxor.u32 s11, s21;
	s2 =	sxor.u32 s15, s14;
	s23 =	spop (drf)  }
0xae: {  	s2 =	ssub.s32 s2, s15;
	s30 =	sxor.u32 s11, s23  }
0xaf: {  	s31 =	smul.u32 s29, s2;
	s11 =	ssub.s32 s30, s11  }
0xb0: {  	s14 =	smul.u32 s29, s11  }
0xb1: {  	p4 =	slt.s32 s4, $0x1  }
0xb2: {  	p6 =	slt.s32 s22, $0x1;
	p5 =	sne.s32 s4, s31;
	p3 =	sne.s32 s22, s14  }
0xb3: {  	s15 =	simm.s32 $0x1;
	p1 =	por !p4, !p5;
	p2 =	por !p6, !p3  }
0xb4: {  	s4 =	simm.s32 $0x1;
	p1 =	por !p1, !p1;
	p2 =	por !p2, !p2  }
0xb5: {  	s4 =	simm.s32 @!p1 $0x0;
	s15 =	simm.s32 @!p2 $0x0  }
0xb6: {  	s14 =	ssub.s32 s2, s4;
	s22 =	ssub.s32 s11, s15  }
0xb7: {  	p1 =	sge.s32 s14, s22  }
.Ltmp8:
0xb8: {  	_ = 	snop;
	(pc) =	sbr.rel @p1 .LBB2_12-.Ltmp8, $1  }
0xb9: {  	_ =	sdelay $0x3  }
0xba: {  	s2 =	sshll.u32 s14, $0x6  }
0xbb: {  	s2 =	sshra.s32 s2, $0x2  }
0xbc: {  	s11 =	sadd.s32 $0x8000, s2  }
0xbd: {  	v5 =	vld [tilespmem:s11+$0x0];
	_ =	sdelay $0x4  }
0xbe: {  	vm0 =	vgt.s32 v5, $0xFFFFFFFF;
	_ =	sdelay $0x5  }
0xbf: {  	v7 =	vld.idx.msk [tilespmem:v5+s3+$0x0], vm0  }
0xc0: {  	v6 =	vsel vm0, $0x1, v4  }
0xc1: {  	(xrf0) =	vadd.scan.msk.s32 $0xffff, v6;
	_ =	sdelay $0x2  }
0xc2: {  	v6 =	vnsel vm0, $0x0, v7;
	_ =	sdelay $0x1  }
0xc3: {  	s23 =	sadd.s32 $0x8C80, s2  }
0xc4: {  	[tilespmem:s23+$0x0] =	vst v6;
	v6, _, _ =	vpop (xrf0)  }
0xc5: {  	(v2sf) =	vpush v6, $0xF;
	_ =	sdelay $0x4  }
0xc6: {  	s31 =	sadd.s32 $0x1, s14  }
0xc7: {  	p1 =	slt.s32 s31, s22  }
.Ltmp9:
0xc8: {  	_ = 	snop;
	(pc) =	sbr.rel @!p1 .LBB2_11-.Ltmp9, $4  }
0xc9: {  	s30 =	sshll.u32 s14, $0x4;
	s4 =	rddreg [dreg:$0x10]  }
0xca: {  	s4 =	sadd.s32 s30, s4  }
0xcb: {  	[tilespmem:s18+$0x9900] =	vst.msk vm0, v5;
	v5 =	vor.u32 s4, v3  }
0xcc: {  	s14 =	sadd.s32 $0x10, s11;
	[tilespmem:s18+$0xA680] =	vst.msk vm0, v5  }
.LBB2_10:
0xcd: {  	v5 =	vld [tilespmem:s14+$0x0];
	s31 =	sadd.s32 $0x1, s31  }
0xce: {  	p1 =	slt.s32 s31, s22;
	_ =	sdelay $0x3  }
0xcf: {  	vm0 =	vgt.s32 v5, $0xFFFFFFFF  }
0xd0: {  	v6 =	vsel vm0, $0x1, v4  }
0xd1: {  	(xrf0) =	vadd.scan.msk.s32 $0xffff, v6  }
0xd2: {  	s2 =	spop (v2sf)  }
0xd3: {  	s18 =	sadd.s32 s18, s2;
	_ =	sdelay $0x1  }
0xd4: {  	v6 =	vld.idx.msk [tilespmem:v5+s3+$0x0], vm0;
	_ =	sdelay $0x1  }
0xd5: {  	v7, _, _ =	vpop (xrf0)  }
0xd6: {  	(v2sf) =	vpush v7, $0xF;
	_ =	sdelay $0x1  }
.Ltmp10:
0xd7: {  	(pc) =	sbr.rel @p1 .LBB2_10-.Ltmp10, $4  }
0xd8: {  	s23 =	sadd.s32 $0x10, s23;
	v6 =	vnsel vm0, $0x0, v6  }
0xd9: {  	s4 =	sadd.s32 $0x10, s4;
	[tilespmem:s23+$0x0] =	vst v6  }
0xda: {  	[tilespmem:s18+$0x9900] =	vst.msk vm0, v5;
	v5 =	vor.u32 s4, v3  }
0xdb: {  	s14 =	sadd.s32 $0x10, s14;
	[tilespmem:s18+$0xA680] =	vst.msk vm0, v5  }
.Ltmp11:
0xdc: {  	_ = 	snop;
	(pc) =	sbr.rel .LBB2_11-.Ltmp11, $1  }
0xdd: {  	_ =	sdelay $0x3  }
.LBB2_13:
0xde: {  	s2 =	rddreg [dreg:$0x11]  }
0xdf: {  	_ =	swait.ge [sflag:s2], $0x4000  }
0xe0: {  	[sflag:s2] =	ssyncset.done $0x0  }
0xe1: {  	s30 =	rddreg [dreg:$0x12];
	[sflag:s2] =	ssyncadd.s32 $0xFFFFC000  }
0xe2: {  	_ =	swait.ge [sflag:s30], $0x4000  }
0xe3: {  	s31 =	rddreg [dreg:$0x8]  }
0xe4: {  	p2 =	sne.s32 s31, $0x1  }
.Ltmp12:
0xe5: {  	_ = 	snop;
	(pc) =	sbr.rel @!p2 .LBB2_14-.Ltmp12, $3  }
0xe6: {  	_ =	sdelay $0x1  }
0xe7: {  	p1 =	por $0x0, $0x0;
	[sflag:s30] =	ssyncset.done $0x0;
	s22 =	rddreg [dreg:$0x13]  }
0xe8: {  	[sflag:s30] =	ssyncadd.s32 $0xFFFFC000;
	s10 =	sadd.s32 $0xFFFFFFFF, s31;
	s4 =	sshrl.u32 s22, $0x3  }
0xe9: {  	s2 =	sadd.s32 s0, s4  }
0xea: {  	[tilespmem:s5], [sflag:$0x4] =	stream.linear.gather [hbm4b:s2+s7], $0x1000, $0x38;
	[tilespmem:$0x1C400] =	vst v63  }
0xeb: {  	p2 =	sne.s32 s10, $0x1;
	_ =	swait.ge [sflag:s13], $0x1000  }
.Ltmp13:
0xec: {  	[sflag:s13] =	ssyncset.done $0x0;
	(pc) =	sbr.rel @!p2 .LBB2_16-.Ltmp13, $4  }
0xed: {  	s31 =	sadd.s32 s6, s4;
	[sflag:s13] =	ssyncadd.s32 $0xFFFFF000  }
0xee: {  	[hbm4b:s31+s7] =	stream.linear.scatter [tilespmem:s5], [sflag:$0x6], $0x1000, $0x38;
	[tilespmem:$0x1C400] =	vst v63  }
0xef: {  	s10 =	sadd.s32 $0xFFFFFFFF, s10;
	s14 =	sadd.s32 $0x1000, s22;
	_ =	swait.ge [sflag:s1], $0x1000  }
0xf0: {  	p1 =	por $0x1, $0x1;
	s4 =	sshrl.u32 s14, $0x3;
	[sflag:s1] =	ssyncset.done $0x0  }
.LBB2_17:
0xf1: {  	p2 =	sne.s32 s10, $0x1;
	s2 =	sadd.s32 s0, s4;
	[sflag:s1] =	ssyncadd.s32 $0xFFFFF000  }
0xf2: {  	[tilespmem:s5], [sflag:$0x4] =	stream.linear.gather [hbm4b:s2+s7], $0x1000, $0x38;
	[tilespmem:$0x1C400] =	vst v63  }
0xf3: {  	s10 =	sadd.s32 $0xFFFFFFFF, s10;
	_ =	swait.ge [sflag:s13], $0x1000  }
.Ltmp14:
0xf4: {  	[sflag:s13] =	ssyncset.done $0x0;
	(pc) =	sbr.rel @p2 .LBB2_17-.Ltmp14, $4  }
0xf5: {  	s2 =	sadd.s32 s6, s4;
	[sflag:s13] =	ssyncadd.s32 $0xFFFFF000  }
0xf6: {  	[hbm4b:s2+s7] =	stream.linear.scatter [tilespmem:s5], [sflag:$0x6], $0x1000, $0x38;
	[tilespmem:$0x1C400] =	vst v63  }
0xf7: {  	s14 =	sadd.s32 $0x1000, s14;
	_ =	swait.ge [sflag:s1], $0x1000  }
0xf8: {  	s4 =	sshrl.u32 s14, $0x3;
	[sflag:s1] =	ssyncset.done $0x0  }
0xf9: {  	s21 =	rddreg [dreg:$0x1];
	s23 =	simm.s32 $0x8;
	s24 =	simm.s32 $0x80  }
.LBB2_19:
0xfa: {  	s2 =	sadd.s32 s0, s4;
	[sflag:s1] =	ssyncadd.s32 @p1 $0xFFFFF000  }
0xfb: {  	[tilespmem:s5], [sflag:$0x4] =	stream.linear.gather [hbm4b:s2+s7], $0x1000, $0x38;
	[tilespmem:$0x1C400] =	vst v63  }
0xfc: {  	p1 =	slt.s32 s18, $0x1;
	_ =	swait.ge [sflag:s13], $0x1000  }
0xfd: {  	s2 =	sadd.s32 @!p1 $0xFFFFFFFF, s18;
	[sflag:s13] =	ssyncset.done $0x0  }
0xfe: {  	s19 =	sadd.s32 s6, s4;
	v5 =	vmov @!p1 s2;
	[sflag:s13] =	ssyncadd.s32 $0xFFFFF000  }
0xff: {  	[hbm4b:s19+s7] =	stream.linear.scatter [tilespmem:s5], [sflag:$0x6], $0x1000, $0x38;
	[tilespmem:$0x1C400] =	vst v63  }
0x100: {  	_ =	swait.ge [sflag:s1], $0x1000  }
0x101: {  	[sflag:s1] =	ssyncset.done $0x0  }
0x102: {  	s2 =	simm.s32 @!p1 $0x9900;
	[sflag:s1] =	ssyncadd.s32 $0xFFFFF000  }
0x103: {  	v6 =	vld.idx.msk @!p1 [tilespmem:v5+s2+$0x0], $0xffff;
	_ =	sdelay $0x3  }
0x104: {  	s2 =	simm.s32 @!p1 $0xA680  }
0x105: {  	v5 =	vld.idx.msk @!p1 [tilespmem:v5+s2+$0x0], $0xffff;
	[tilespmem:s18+$0x9900] =	vst @!p1 v6  }
0x106: {  	[tilespmem:s18+$0x9910] =	vst @!p1 v6  }
0x107: {  	[tilespmem:s18+$0x9920] =	vst @!p1 v6  }
0x108: {  	s22 =	sadd.s32 $0x7F, s18;
	[tilespmem:s18+$0x9930] =	vst @!p1 v6  }
0x109: {  	s30 =	sand.u32 $0x7F, s22;
	[tilespmem:s18+$0x9940] =	vst @!p1 v6  }
0x10a: {  	s31 =	sshra.s32 s22, $0x1F;
	p3 =	slt.s32 s22, $0x1;
	p2 =	sne.s32 s30, $0x0;
	[tilespmem:s18+$0x9950] =	vst @!p1 v6  }
0x10b: {  	s4 =	sshrl.u32 s31, $0x19;
	p2 =	por !p3, !p2;
	[tilespmem:s18+$0x9960] =	vst @!p1 v6  }
0x10c: {  	p2 =	por !p2, !p2;
	s2 =	sadd.s32 s4, s22;
	s4 =	simm.s32 $0x1;
	[tilespmem:s18+$0x9970] =	vst @!p1 v6  }
0x10d: {  	s2 =	sshra.s32 s2, $0x7;
	s4 =	simm.s32 @!p2 $0x0;
	[tilespmem:s18+$0xA680] =	vst @!p1 v5  }
0x10e: {  	s10 =	ssub.s32 s2, s4;
	[tilespmem:s18+$0xA690] =	vst @!p1 v5  }
0x10f: {  	p2 =	slt.s32 s10, $0x1;
	[tilespmem:s18+$0xA6A0] =	vst @!p1 v5  }
.Ltmp15:
0x110: {  	[tilespmem:s18+$0xA6B0] =	vst @!p1 v5;
	(pc) =	sbr.rel @p2 .LBB2_20-.Ltmp15, $4  }
0x111: {  	[tilespmem:s18+$0xA6C0] =	vst @!p1 v5  }
0x112: {  	[tilespmem:s18+$0xA6D0] =	vst @!p1 v5  }
0x113: {  	[tilespmem:s18+$0xA6E0] =	vst @!p1 v5  }
0x114: {  	[tilespmem:s18+$0xA6F0] =	vst @!p1 v5  }
0x115: {  	s2 =	sshll.u32 s10, $0x3  }
0x116: {  	s11 =	simm.s32 $0x0;
	p1 =	sne.s32 s2, $0x1  }
.Ltmp16:
0x117: {  	v5 =	vld [tilespmem:s11+$0xA680];
	(pc) =	sbr.rel @!p1 .LBB2_23-.Ltmp16, $4  }
0x118: {  	s4 =	simm.s32 $0x0  }
0x119: {  	s14 =	sand.u32 $0xFFFFFE00, s4  }
0x11a: {  	s15 =	sand.u32 $0x70, s4;
	s18 =	sshra.s32 s14, $0x2  }
0x11b: {  	s14 =	sadd.s32 $0xFFFFFFFF, s2;
	s19 =	sor.u32 s15, s18;
	s18 =	simm.s32 $0x40  }
.LBB2_22:
0x11c: {  	s2 =	sshra.s32 s18, $0x2;
	p1 =	sne.s32 s14, $0x1;
	s14 =	sadd.s32 $0xFFFFFFFF, s14;
	[tilespmem:s19+$0xB400] =	vst v5  }
.Ltmp17:
0x11d: {  	v5 =	vld [tilespmem:s2+$0xA680];
	(pc) =	sbr.rel @p1 .LBB2_22-.Ltmp17, $4  }
0x11e: {  	_ = 	snop  }
0x11f: {  	s4 =	sadd.s32 $0x10, s4;
	s2 =	sand.u32 $0xFFFFFE00, s18  }
0x120: {  	s11 =	sand.u32 $0x70, s4;
	s2 =	sshra.s32 s2, $0x2  }
0x121: {  	s18 =	sadd.s32 $0x40, s18;
	s19 =	sor.u32 s11, s2  }
.LBB2_23:
.Ltmp18:
0x122: {  	[tilespmem:s19+$0xB400] =	vst v5;
	s2 =	simm.s32 $0x9900;
	p3 =	seq.s32 s10, $0x1;
	(pc) =	sbr.rel .LBB2_24-.Ltmp18, $4  }
0x123: {  	[tilespmem:s5], [sflag:$0x4] =	stream.indirect.gather [hbm4b:s21+s24], $0x80, s2, s24, $0xb8;
	[tilespmem:$0x1C400] =	vst v63  }
0x124: {  	p1 =	por $0x0, $0x0;
	s2 =	simm.s32 @!p3 $0x80;
	p4 =	por @!p3 $0x1, $0x1  }
0x125: {  	s4 =	simm.s32 @!p3 $0x9980;
	s11 =	simm.s32 @!p3 $0x18400;
	p1 =	por @!p3 p4, p4  }
0x126: {  	[tilespmem:s11], [sflag:$0x5] =	stream.indirect.gather @!p3 [hbm4b:s21+s2], $0x80, s4, s2, $0xb8;
	[tilespmem:$0x1C400] =	vst v63  }
.LBB2_20:
0x127: {  	p1 =	por $0x0, $0x0  }
.LBB2_24:
0x128: {  	s2 =	simm.s32 $0x2  }
0x129: {  	_ =	swait.ge [sflag:s2], $0x4000  }
0x12a: {  	[sflag:s2] =	ssyncset.done $0x0  }
0x12b: {  	s4 =	simm.s32 $0xC400;
	s19 =	rddreg [dreg:$0x14];
	[sflag:s2] =	ssyncadd.s32 $0xFFFFC000  }
0x12c: {  	[hbm4b:s19+s7] =	stream.linear.scatter [tilespmem:s4], [sflag:$0x8], $0x4000, $0x38;
	[tilespmem:$0x1C400] =	vst v63  }
0x12d: {  	_ =	swait.ge [sflag:s23], $0x4000  }
0x12e: {  	[sflag:s23] =	ssyncset.done $0x0  }
0x12f: {  	s22 =	simm.s32 $0x3;
	[sflag:s23] =	ssyncadd.s32 $0xFFFFC000  }
0x130: {  	_ =	swait.ge [sflag:s22], $0x4000  }
0x131: {  	[sflag:s22] =	ssyncset.done $0x0  }
0x132: {  	s31 =	simm.s32 $0x10400;
	s30 =	rddreg [dreg:$0x15];
	[sflag:s22] =	ssyncadd.s32 $0xFFFFC000  }
0x133: {  	[hbm4b:s30+s7] =	stream.linear.scatter [tilespmem:s31], [sflag:$0x8], $0x4000, $0x38;
	[tilespmem:$0x1C400] =	vst v63  }
0x134: {  	_ =	swait.ge [sflag:s23], $0x4000  }
0x135: {  	s2 =	simm.s32 @p0 $0x0;
	[sflag:s23] =	ssyncset.done $0x0  }
0x136: {  	s4 =	simm.s32 @p0 $0x8C80;
	s11 =	rddreg [dreg:$0xe];
	[sflag:s23] =	ssyncadd.s32 $0xFFFFC000  }
0x137: {  	[hbm4b:s11+s2] =	stream.linear.scatter @p0 [tilespmem:s4], [sflag:$0x8], $0xAE0, $0x38;
	[tilespmem:$0x1C400] =	vst v63  }
0x138: {  	s2 =	simm.s32 @p0 $0x8  }
0x139: {  	_ =	swait.ge @p0 [sflag:s2], $0xAE0  }
0x13a: {  	s4 =	simm.s32 @!p0 $0x8C80;
	[sflag:s2] =	ssyncset.done @p0 $0x0  }
0x13b: {  	s11 =	rddreg [dreg:$0xd];
	[sflag:s2] =	ssyncadd.s32 @p0 $0xFFFFF520;
	s2 =	simm.s32 @!p0 $0x0  }
0x13c: {  	[hbm4b:s11+s2] =	stream.linear.scatter @!p0 [tilespmem:s4], [sflag:$0x8], $0xC40, $0x38;
	[tilespmem:$0x1C400] =	vst v63  }
.Ltmp19:
0x13d: {  	_ = 	snop;
	(pc) =	sbr.rel @p2 .LBB2_34-.Ltmp19, $4  }
0x13e: {  	s2 =	simm.s32 @!p0 $0x8  }
0x13f: {  	_ =	swait.ge @!p0 [sflag:s2], $0xC40  }
0x140: {  	[sflag:s2] =	ssyncset.done @!p0 $0x0  }
0x141: {  	s4 =	rddreg [dreg:$0x16];
	[sflag:s2] =	ssyncadd.s32 @!p0 $0xFFFFF3C0  }
.Ltmp20:
0x142: {  	(pc) =	sbr.rel .LBB2_26-.Ltmp20, $2  }
0x143: {  	_ =	sdelay $0x2  }
0x144: {  	s4 =	simm.s32 $0x0;
	s18 =	simm.s32 $0x9A00;
	s19 =	simm.s32 $0xB400  }
.LBB2_28:
0x145: {  	s4 =	sadd.s32 $0x1, s4  }
0x146: {  	p2 =	sne.s32 s10, s4  }
.Ltmp21:
0x147: {  	_ = 	snop;
	(pc) =	sbr.rel @!p2 .LBB2_29-.Ltmp21, $2  }
0x148: {  	_ =	sdelay $0x2  }
0x149: {  	s18 =	sadd.s32 $0x80, s18;
	s19 =	sadd.s32 $0x80, s19  }
.LBB2_26:
0x14a: {  	s2 =	sand.u32 $0x1, s4  }
0x14b: {  	p2 =	seq.s32 s2, $0x1  }
0x14c: {  	s11 =	simm.s32 @!p2 $0x4  }
0x14d: {  	_ =	swait.ge @!p2 [sflag:s11], $0x4000  }
0x14e: {  	[sflag:s11] =	ssyncset.done @!p2 $0x0  }
0x14f: {  	s14 =	simm.s32 @!p2 $0x14400;
	[sflag:s11] =	ssyncadd.s32 @!p2 $0xFFFFC000;
	s11 =	simm.s32 @!p2 $0x80  }
0x150: {  	[hbm4b:s6+s11] =	stream.indirect.scatter @!p2 [tilespmem:s14], [sflag:$0x6], $0x80, s19, s11, $0xb8;
	[tilespmem:$0x1C400] =	vst v63  }
0x151: {  	s11 =	sadd.s32 @!p2 $0x2, s4  }
0x152: {  	p3 =	sge.s32 @!p2 s11, s10  }
0x153: {  	p3 =	por p3, p2  }
0x154: {  	s11 =	simm.s32 @!p3 $0x6  }
0x155: {  	_ =	swait.ge @!p3 [sflag:s11], $0x4000  }
0x156: {  	[sflag:s11] =	ssyncset.done @!p3 $0x0  }
0x157: {  	s14 =	simm.s32 @!p3 $0x14400;
	[sflag:s11] =	ssyncadd.s32 @!p3 $0xFFFFC000;
	s11 =	simm.s32 @!p3 $0x80  }
0x158: {  	[tilespmem:s14], [sflag:$0x4] =	stream.indirect.gather @!p3 [hbm4b:s21+s11], $0x80, s18, s11, $0xb8;
	[tilespmem:$0x1C400] =	vst v63  }
0x159: {  	p3 =	seq.s32 @!p2 s2, $0x0  }
0x15a: {  	p2 =	por p2, !p3  }
.Ltmp22:
0x15b: {  	_ = 	snop;
	(pc) =	sbr.rel @!p2 .LBB2_28-.Ltmp22, $1  }
0x15c: {  	_ =	sdelay $0x3  }
0x15d: {  	s11 =	simm.s32 $0x5  }
0x15e: {  	_ =	swait.ge [sflag:s11], $0x4000  }
0x15f: {  	s2 =	sadd.s32 $0x2, s4;
	[sflag:s11] =	ssyncset.done $0x0  }
0x160: {  	s31 =	simm.s32 $0x18400;
	p2 =	sge.s32 s2, s10;
	[sflag:s11] =	ssyncadd.s32 $0xFFFFC000  }
0x161: {  	[hbm4b:s6+s24] =	stream.indirect.scatter [tilespmem:s31], [sflag:$0x7], $0x80, s19, s24, $0xb8;
	[tilespmem:$0x1C400] =	vst v63  }
.Ltmp23:
0x162: {  	s2 =	simm.s32 @!p2 $0x7;
	(pc) =	sbr.rel .LBB2_28-.Ltmp23, $4  }
0x163: {  	_ =	swait.ge @!p2 [sflag:s2], $0x4000  }
0x164: {  	[sflag:s2] =	ssyncset.done @!p2 $0x0  }
0x165: {  	s11 =	simm.s32 @!p2 $0x18400;
	[sflag:s2] =	ssyncadd.s32 @!p2 $0xFFFFC000;
	s2 =	simm.s32 @!p2 $0x80  }
0x166: {  	[tilespmem:s11], [sflag:$0x5] =	stream.indirect.gather @!p2 [hbm4b:s21+s2], $0x80, s18, s2, $0xb8;
	[tilespmem:$0x1C400] =	vst v63  }
.LBB2_29:
0x167: {  	p2 =	seq.s32 s10, $0x1  }
.Ltmp24:
0x168: {  	_ = 	snop;
	(pc) =	sbr.rel @p2 .LBB2_32-.Ltmp24, $2  }
0x169: {  	_ =	sdelay $0x2  }
0x16a: {  	s4 =	simm.s32 $0x6  }
0x16b: {  	s2 =	sand.u32 $0x1, s10  }
0x16c: {  	p3 =	por !p1, !p1;
	p2 =	seq.s32 s2, $0x1  }
0x16d: {  	p2 =	por p2, p3  }
.Ltmp25:
0x16e: {  	_ = 	snop;
	(pc) =	sbr.rel @p2 .LBB2_33-.Ltmp25, $1  }
0x16f: {  	_ =	sdelay $0x3  }
.Ltmp26:
0x170: {  	(pc) =	sbr.rel .LBB2_32-.Ltmp26, $4  }
0x171: {  	_ = 	snop  }
0x172: {  	_ =	swait.ge [sflag:s1], $0x4000  }
0x173: {  	[sflag:s1] =	ssyncset.done $0x0  }
0x174: {  	s4 =	simm.s32 $0x7;
	[sflag:s1] =	ssyncadd.s32 $0xFFFFC000  }
.LBB2_14:
.Ltmp27:
0x175: {  	(pc) =	sbr.rel .LBB2_19-.Ltmp27, $2  }
0x176: {  	_ =	sdelay $0x2  }
0x177: {  	s21 =	rddreg [dreg:$0x1];
	s23 =	simm.s32 $0x8;
	s24 =	simm.s32 $0x80  }
.LBB2_16:
.Ltmp28:
0x178: {  	(pc) =	sbr.rel .LBB2_19-.Ltmp28, $2  }
0x179: {  	_ =	sdelay $0x2  }
0x17a: {  	s21 =	rddreg [dreg:$0x1];
	s23 =	simm.s32 $0x8;
	s24 =	simm.s32 $0x80  }
.LBB2_35:
0x17b: {  	_ =	sfence.sel $0x180000  }
0x17c: {  	[bflag:$0x0] =	sbarrier.arrive $0xFFFF  }
0x17d: {  	_ =	strace $0x90000047  }
0x17e: {  	s0 =	stileid.u32;
	[bflag:$0x2] =	sbarrier.arrive $0xFFFF  }
0x17f: {  	p0 =	sne.s32 s0, $0x0;
	s0 =	rddreg [dreg:$0x7]  }
0x180: {  	s0 =	sadd.s32 @!p0 $0x100000, s0  }
0x181: {  	[sflag:s0] =	ssyncadd.tile.s32 @!p0 $0x1;
	_ =	shalt  }
.Lfunc_end2:
_tile_overlayer_lowered:
.L_overlay_start_2:
0x182: {  	(tag) =	ssettag $0x2  }
0x183: {  	s0 =	rddreg [dreg:$0x0];
	s2 =	stileid.u32  }
0x184: {  	s1 =	rddreg [dreg:$0x1];
	p0 =	sne.s32 s2, $0x0  }
0x185: {  	s3 =	rddreg [dreg:$0x2];
	[bflag:$0x3] =	sbarrier.arrive $0xFFFF;
	s2 =	simm.s32 @!p0 $0x1C08  }
0x186: {  	[timem:s3], [sflag:s2] =	dma.local @!p0 [hbm:s0], s1  }
0x187: {  	s0 =	simm.s32 @!p0 $0x8  }
0x188: {  	_ =	swait.ge @!p0 [sflag:s0], s1  }
0x189: {  	s1 =	ssub.s32 @!p0 $0x0, s1;
	[sflag:s0] =	ssyncset.done @!p0 $0x0  }
0x18a: {  	[sflag:s0] =	ssyncadd.s32 @!p0 s1  }
0x18b: {  	[bflag:$0x3] =	sbarrier.arrive $0xFFFF  }
0x18c: {  	_ =	shalt  }

</sc_bundles>
